<compile_context>
chip_gen: v7x
topology: tpu7x:2x2x1
jax: 0.10.2.dev20260603
libtpu: 0.0.44.dev20260713+nightly
codegen_flags: <defaults>
</compile_context>

<pallas_src>
import functools

import jax
import jax.numpy as jnp
from jax import lax
from jax.experimental import pallas as pl
from jax.experimental.pallas import tpu as pltpu
import jax.experimental.pallas.tpu_sc as plsc

N = 10000
E = 320000
D = 128
B = 1024
T = 4
C = 16

NW = 32
NSUB = 16
CHUNK = 128
NCHUNK = 80
QCHUNK = 16
EPAD = NW * NCHUNK * CHUNK
NP = 10112
ROWS_PER_TILE = NP // NSUB

_mesh = plsc.VectorSubcoreMesh(core_axis_name="c", subcore_axis_name="s")


@functools.partial(
    pl.kernel,
    out_type=jax.ShapeDtypeStruct((2, NP, D), jnp.float32),
    mesh=_mesh,
    scratch_types=[
        pltpu.VMEM((NCHUNK, CHUNK), jnp.int32),
        pltpu.VMEM((CHUNK, D), jnp.float32),
        pltpu.VMEM_SHARED((NP, D), jnp.float32),
    ],
)
def _sc_degree(dst_w, ones_hbm, zero_hbm, out, dst_v, ones_v, acc_sh):
    cid = lax.axis_index("c")
    sid = lax.axis_index("s")
    wid = cid * NSUB + sid
    r0 = sid * ROWS_PER_TILE
    pltpu.sync_copy(zero_hbm.at[pl.ds(r0, ROWS_PER_TILE)],
                    acc_sh.at[pl.ds(r0, ROWS_PER_TILE)])
    pltpu.sync_copy(ones_hbm, ones_v)
    pltpu.sync_copy(dst_w.at[wid], dst_v)
    plsc.subcore_barrier()

    def body(j, carry):
        pltpu.sync_copy(ones_v, acc_sh.at[dst_v.at[j]], add=True)
        return carry

    lax.fori_loop(0, NCHUNK, body, 0)
    plsc.subcore_barrier()
    pltpu.sync_copy(acc_sh.at[pl.ds(r0, ROWS_PER_TILE)],
                    out.at[cid, pl.ds(r0, ROWS_PER_TILE)])


NC_A = 80
NC_B = 80
TOTC = NSUB * (NC_A + NC_B)


@functools.partial(
    pl.kernel,
    out_type=jax.ShapeDtypeStruct((2, NP, D), jnp.float32),
    mesh=_mesh,
    scratch_types=[
        pltpu.VMEM((2, QCHUNK, CHUNK), jnp.int32),
        pltpu.VMEM((2, QCHUNK, CHUNK), jnp.int32),
        pltpu.VMEM((CHUNK, D), jnp.float32),
        pltpu.VMEM((CHUNK, D), jnp.float32),
        pltpu.VMEM_SHARED((NP, D), jnp.float32),
        pltpu.SemaphoreType.DMA,
        pltpu.SemaphoreType.DMA,
        pltpu.SemaphoreType.DMA,
    ],
)
def _sc_segsum(hs, src_w, dst_w, zero_hbm, out,
               src_v, dst_v, rows0, rows1, acc_sh, sem0, sem1, isem):
    cid = lax.axis_index("c")
    sid = lax.axis_index("s")
    r0 = sid * ROWS_PER_TILE
    nchunk = lax.select(cid == 0, NC_A, NC_B)
    base = lax.select(cid == 0, sid * NC_A, NSUB * NC_A + sid * NC_B)
    pltpu.sync_copy(zero_hbm.at[pl.ds(r0, ROWS_PER_TILE)],
                    acc_sh.at[pl.ds(r0, ROWS_PER_TILE)])
    pltpu.sync_copy(src_w.at[pl.ds(base, QCHUNK)], src_v.at[0])
    pltpu.sync_copy(dst_w.at[pl.ds(base, QCHUNK)], dst_v.at[0])
    pltpu.async_copy(src_w.at[pl.ds(base + QCHUNK, QCHUNK)], src_v.at[1], isem)
    pltpu.async_copy(dst_w.at[pl.ds(base + QCHUNK, QCHUNK)], dst_v.at[1], isem)
    plsc.subcore_barrier()

    pltpu.async_copy(hs.at[src_v.at[0, 0]], rows0, sem0)

    def body(j, carry):
        q = j // QCHUNK
        k = lax.rem(j, QCHUNK)
        qb = lax.rem(q, 2)

        @pl.when(k == QCHUNK - 1)
        def _():
            @pl.when(j + 1 < nchunk)
            def _():
                pltpu.make_async_copy(
                    src_w.at[pl.ds(base, QCHUNK)], src_v.at[qb], isem).wait()
                pltpu.make_async_copy(
                    dst_w.at[pl.ds(base, QCHUNK)], dst_v.at[qb], isem).wait()

        @pl.when(j + 1 < nchunk)
        def _():
            jn = j + 1
            qn = lax.rem(jn // QCHUNK, 2)
            kn = lax.rem(jn, QCHUNK)

            @pl.when(lax.rem(jn, 2) == 0)
            def _():
                pltpu.async_copy(hs.at[src_v.at[qn, kn]], rows0, sem0)

            @pl.when(lax.rem(jn, 2) == 1)
            def _():
                pltpu.async_copy(hs.at[src_v.at[qn, kn]], rows1, sem1)

        @pl.when(lax.rem(j, 2) == 0)
        def _():
            pltpu.make_async_copy(hs.at[src_v.at[0, 0]], rows0, sem0).wait()
            pltpu.sync_copy(rows0, acc_sh.at[dst_v.at[qb, k]], add=True)

        @pl.when(lax.rem(j, 2) == 1)
        def _():
            pltpu.make_async_copy(hs.at[src_v.at[0, 0]], rows1, sem1).wait()
            pltpu.sync_copy(rows1, acc_sh.at[dst_v.at[qb, k]], add=True)

        @pl.when((k == QCHUNK - 1) & (j + QCHUNK + 1 < nchunk))
        def _():
            off = (j + QCHUNK + 1) // QCHUNK * QCHUNK
            pltpu.async_copy(src_w.at[pl.ds(base + off, QCHUNK)],
                             src_v.at[qb], isem)
            pltpu.async_copy(dst_w.at[pl.ds(base + off, QCHUNK)],
                             dst_v.at[qb], isem)

        return carry

    lax.fori_loop(0, nchunk, body, 0)
    plsc.subcore_barrier()
    pltpu.sync_copy(acc_sh.at[pl.ds(r0, ROWS_PER_TILE)],
                    out.at[cid, pl.ds(r0, ROWS_PER_TILE)])


_EGO_PER_S = B // NSUB


@functools.partial(
    pl.kernel,
    out_type=(
        jax.ShapeDtypeStruct((2, B, D), jnp.float32),
        jax.ShapeDtypeStruct((B, D), jnp.float32),
        jax.ShapeDtypeStruct((B, D), jnp.float32),
    ),
    mesh=_mesh,
    scratch_types=[
        pltpu.VMEM((2, QCHUNK, CHUNK), jnp.int32),
        pltpu.VMEM((2, QCHUNK, CHUNK), jnp.int32),
        pltpu.VMEM((CHUNK, D), jnp.float32),
        pltpu.VMEM((CHUNK, D), jnp.float32),
        pltpu.VMEM((_EGO_PER_S,), jnp.int32),
        pltpu.VMEM_SHARED((NP, D), jnp.float32),
        pltpu.SemaphoreType.DMA,
        pltpu.SemaphoreType.DMA,
        pltpu.SemaphoreType.DMA,
    ],
)
def _sc_segsum_ego(hs, src_w, dst_w, zero_hbm, misc, ego_c,
                   aego, hg, mgg,
                   src_v, dst_v, rows0, rows1, ego_v, acc_sh,
                   sem0, sem1, isem):
    cid = lax.axis_index("c")
    sid = lax.axis_index("s")
    r0 = sid * ROWS_PER_TILE
    nchunk = lax.select(cid == 0, NC_A, NC_B)
    base = lax.select(cid == 0, sid * NC_A, NSUB * NC_A + sid * NC_B)
    pltpu.sync_copy(zero_hbm.at[pl.ds(r0, ROWS_PER_TILE)],
                    acc_sh.at[pl.ds(r0, ROWS_PER_TILE)])
    pltpu.sync_copy(src_w.at[pl.ds(base, QCHUNK)], src_v.at[0])
    pltpu.sync_copy(dst_w.at[pl.ds(base, QCHUNK)], dst_v.at[0])
    pltpu.async_copy(src_w.at[pl.ds(base + QCHUNK, QCHUNK)], src_v.at[1], isem)
    pltpu.async_copy(dst_w.at[pl.ds(base + QCHUNK, QCHUNK)], dst_v.at[1], isem)
    plsc.subcore_barrier()

    pltpu.async_copy(hs.at[src_v.at[0, 0]], rows0, sem0)

    def body(j, carry):
        q = j // QCHUNK
        k = lax.rem(j, QCHUNK)
        qb = lax.rem(q, 2)

        @pl.when(k == QCHUNK - 1)
        def _():
            @pl.when(j + 1 < nchunk)
            def _():
                pltpu.make_async_copy(
                    src_w.at[pl.ds(base, QCHUNK)], src_v.at[qb], isem).wait()
                pltpu.make_async_copy(
                    dst_w.at[pl.ds(base, QCHUNK)], dst_v.at[qb], isem).wait()

        @pl.when(j + 1 < nchunk)
        def _():
            jn = j + 1
            qn = lax.rem(jn // QCHUNK, 2)
            kn = lax.rem(jn, QCHUNK)

            @pl.when(lax.rem(jn, 2) == 0)
            def _():
                pltpu.async_copy(hs.at[src_v.at[qn, kn]], rows0, sem0)

            @pl.when(lax.rem(jn, 2) == 1)
            def _():
                pltpu.async_copy(hs.at[src_v.at[qn, kn]], rows1, sem1)

        @pl.when(lax.rem(j, 2) == 0)
        def _():
            pltpu.make_async_copy(hs.at[src_v.at[0, 0]], rows0, sem0).wait()
            pltpu.sync_copy(rows0, acc_sh.at[dst_v.at[qb, k]], add=True)

        @pl.when(lax.rem(j, 2) == 1)
        def _():
            pltpu.make_async_copy(hs.at[src_v.at[0, 0]], rows1, sem1).wait()
            pltpu.sync_copy(rows1, acc_sh.at[dst_v.at[qb, k]], add=True)

        @pl.when((k == QCHUNK - 1) & (j + QCHUNK + 1 < nchunk))
        def _():
            off = (j + QCHUNK + 1) // QCHUNK * QCHUNK
            pltpu.async_copy(src_w.at[pl.ds(base + off, QCHUNK)],
                             src_v.at[qb], isem)
            pltpu.async_copy(dst_w.at[pl.ds(base + off, QCHUNK)],
                             dst_v.at[qb], isem)

        return carry

    lax.fori_loop(0, nchunk, body, 0)
    plsc.subcore_barrier()
    ebuf = rows0.at[pl.ds(0, _EGO_PER_S)]
    e0 = sid * _EGO_PER_S
    pltpu.sync_copy(ego_c.at[sid], ego_v)
    pltpu.async_copy(acc_sh.at[ego_v], ebuf, sem0).wait()
    pltpu.sync_copy(ebuf, aego.at[cid, pl.ds(e0, _EGO_PER_S)])

    @pl.when(cid == 0)
    def _():
        pltpu.async_copy(hs.at[ego_v], ebuf, sem0).wait()
        pltpu.sync_copy(ebuf, hg.at[pl.ds(e0, _EGO_PER_S)])

    @pl.when(cid == 1)
    def _():
        pltpu.async_copy(misc.at[ego_v], ebuf, sem0).wait()
        pltpu.sync_copy(ebuf, mgg.at[pl.ds(e0, _EGO_PER_S)])


def _tc_proj_body(x_ref, fcW_ref, fcb_ref, W0_ref, h0_ref):
    x = x_ref[...]
    rt = lax.broadcasted_iota(jnp.int32, (N, D), 0) // (N // T)
    gh = jnp.zeros((N, D), jnp.float32)
    for t in range(T):
        p = jnp.dot(x, fcW_ref[t], preferred_element_type=jnp.float32)
        p = p + fcb_ref[t]
        gh = jnp.where(rt == t, p, gh)
    h0 = jnp.dot(gh, W0_ref[...], preferred_element_type=jnp.float32)
    h0_ref[...] = jnp.concatenate(
        [h0, jnp.zeros((NP - N, D), jnp.float32)], axis=0)


def _tc_scale_body(h0_ref, deg_ref, lab_ref, hs0_ref, misc_ref):
    deg = deg_ref[0, :, 0:1] + deg_ref[1, :, 0:1] + 1.0
    dinv = lax.rsqrt(deg)
    hs0_ref[...] = h0_ref[...] * dinv
    col = lax.broadcasted_iota(jnp.int32, (NP, D), 1)
    misc_ref[...] = jnp.where(col == 0, dinv, 0.0) + jnp.where(
        col == 1, lab_ref[:, 0:1], 0.0)


def _tc_layer_body(acc_ref, hs_ref, misc_ref, b_ref, W_ref, out_ref):
    dinv = misc_ref[:, 0:1]
    g = dinv * (acc_ref[0] + acc_ref[1] + hs_ref[...]) + b_ref[...]
    g = jnp.maximum(g, 0.0)
    out_ref[...] = jnp.dot(g, W_ref[...],
                           preferred_element_type=jnp.float32) * dinv


def _tc_final_body(a0_ref, a1_ref, h1_ref, mg_ref, b_ref,
                   pW_ref, pb_ref, out_ref):
    dinv = mg_ref[:, 0:1]
    g = dinv * (a0_ref[...] + a1_ref[...] + h1_ref[...]) + b_ref[...]
    g = jnp.maximum(g, 0.0)
    out_ref[...] = jnp.dot(g, pW_ref[...],
                           preferred_element_type=jnp.float32) + pb_ref[...]


def kernel(x, label, seqs, edge_index, node_type, fcW, fcb, gcnW, gcnb,
           reW, re_wtype, re_b, predW, predb):
    f32 = jnp.float32
    src = edge_index[0].astype(jnp.int32)
    dst = edge_index[1].astype(jnp.int32)
    padlen = EPAD - E
    srcp = jnp.concatenate(
        [src, (jnp.arange(padlen, dtype=jnp.int32) * 7) % N])
    dstp = jnp.concatenate([dst, jnp.full((padlen,), N, jnp.int32)])
    src_f = srcp.reshape(TOTC, CHUNK)
    dst_f = dstp.reshape(TOTC, CHUNK)
    dst_w = dstp.reshape(NW, NCHUNK, CHUNK)
    ones128 = jnp.ones((CHUNK, D), f32)
    zacc = jnp.zeros((NP, D), f32)
    labf = jnp.broadcast_to(
        jnp.pad(label.astype(f32), (0, NP - N))[:, None], (NP, 8))
    ego = seqs[:, 0].astype(jnp.int32)
    ego_c = ego.reshape(NSUB, _EGO_PER_S)
    predW_pad = jnp.pad(predW, ((0, 0), (0, D - C)))
    predb_pad = jnp.pad(predb, (0, D - C)).reshape(1, D)

    deg2 = _sc_degree(dst_w, ones128, zacc)
    h0 = pl.pallas_call(
        _tc_proj_body,
        out_shape=jax.ShapeDtypeStruct((NP, D), f32),
    )(x, fcW, fcb.reshape(T, 1, D), gcnW[0])
    hs0, misc = pl.pallas_call(
        _tc_scale_body,
        out_shape=(jax.ShapeDtypeStruct((NP, D), f32),
                   jax.ShapeDtypeStruct((NP, D), f32)),
    )(h0, deg2, labf)

    acc1 = _sc_segsum(hs0, src_f, dst_f, zacc)
    hs1 = pl.pallas_call(
        _tc_layer_body,
        out_shape=jax.ShapeDtypeStruct((NP, D), f32),
    )(acc1, hs0, misc, gcnb[0].reshape(1, D), gcnW[1])
    aego, hg, mgg = _sc_segsum_ego(hs1, src_f, dst_f, zacc, misc, ego_c)

    out = pl.pallas_call(
        _tc_final_body,
        out_shape=jax.ShapeDtypeStruct((B, D), f32),
    )(aego[0], aego[1], hg, mgg, gcnb[1].reshape(1, D), predW_pad, predb_pad)

    return (out[:, :C], mgg[:, 1].astype(label.dtype))

# --- scband reference (transcript-rebuilt; emitter-appended) ---
"""Pipeline reference for scband-hinormer-80865644249452 (READ-ONLY COPY).

The authoritative reference and input builder live on the scoring server;
editing this copy changes nothing except your own understanding.
"""

import jax, jax.numpy as jnp
import numpy as np

N = 10000
E = 320000
D = 128
B = 1024
L = 50
T = 4
C = 16
G = 2


def setup_inputs(seed: int = 0) -> dict:
    key = jax.random.key(seed)
    ks = jax.random.split(key, 10)
    x = jax.random.normal(ks[0], (N, D), dtype=jnp.float32)
    label = jax.random.randint(ks[1], (N,), 0, C)
    seqs = jax.random.randint(ks[2], (B, L), 0, N)
    edge_index = jax.random.randint(ks[3], (2, E), 0, N)
    node_type = jnp.repeat(jnp.arange(T), N // T)
    fcW = jax.random.normal(ks[4], (T, D, D), dtype=jnp.float32) * 0.05
    fcb = jnp.zeros((T, D), dtype=jnp.float32)
    gcnW = jax.random.normal(ks[5], (G, D, D), dtype=jnp.float32) * 0.05
    gcnb = jnp.zeros((G, D), dtype=jnp.float32)
    reW = jax.random.normal(ks[6], (G, T, T), dtype=jnp.float32) * 0.5
    re_wtype = jnp.ones((G, T), dtype=jnp.float32)
    re_b = jnp.zeros((G, T), dtype=jnp.float32)
    predW = jax.random.normal(ks[7], (D, C), dtype=jnp.float32) * 0.05
    predb = jnp.zeros((C,), dtype=jnp.float32)
    return dict(x=x, label=label, seqs=seqs, edge_index=edge_index, node_type=node_type,
                fcW=fcW, fcb=fcb, gcnW=gcnW, gcnb=gcnb, reW=reW, re_wtype=re_wtype,
                re_b=re_b, predW=predW, predb=predb)


def _gcn_conv(h, W, b, src, dst):
    # PyG GCNConv with add_self_loops=True and symmetric normalization
    h = h @ W
    loop = jnp.arange(N)
    s = jnp.concatenate([src, loop])
    d = jnp.concatenate([dst, loop])
    deg = jnp.zeros((N,), h.dtype).at[d].add(1.0)
    dinv = jnp.where(deg > 0, deg ** -0.5, 0.0)
    norm = dinv[s] * dinv[d]
    msg = h[s] * norm[:, None]
    out = jnp.zeros_like(h).at[d].add(msg)
    return out + b


def _re_conv(r, W, wtype, b, src, dst, type_info):
    # REConv with norm='both', aggr='add', activation=relu
    deg = jnp.zeros((N,), r.dtype).at[src].add(1.0)
    dinv = jnp.where(deg > 0, deg ** -0.5, 0.0)
    r = r * dinv[:, None]
    r = r @ W
    r = r * wtype[type_info][:, None]
    out = jnp.zeros_like(r).at[dst].add(r[src])
    deg_c = jnp.zeros((N,), r.dtype).at[dst].add(1.0)
    dinv_c = jnp.where(deg_c > 0, deg_c ** -0.5, 0.0)
    out = out * dinv_c[:, None]
    out = out + b
    return jax.nn.relu(out)


def reference(x, label, seqs, edge_index, node_type, fcW, fcb, gcnW, gcnb, reW, re_wtype, re_b, predW, predb):
    src, dst = edge_index[0], edge_index[1]
    blk = N // T
    # per-type input projection (node_type is sorted into contiguous blocks)
    parts = [x[i * blk:(i + 1) * blk] @ fcW[i] + fcb[i] for i in range(T)]
    gh = jnp.concatenate(parts, axis=0)
    r = jnp.eye(T, dtype=jnp.float32)[node_type]
    for l in range(G):
        gh = jax.nn.relu(_gcn_conv(gh, gcnW[l], gcnb[l], src, dst))
        r = _re_conv(r, reW[l], re_wtype[l], re_b[l], src, dst, node_type)
    h = gh[seqs]
    out = h[:, 0, :] @ predW + predb
    ego = seqs[:, 0]
    return (out, label[ego])

if __name__ == "__main__":
    import jax
    _d = setup_inputs()
    print(jax.jit(kernel)(*tuple(_d.values())))

</pallas_src>

<mosaic_0001>
#map = affine_map<(d0, d1) -> (0, 0, 0)>
#map1 = affine_map<(d0, d1) -> (0, 0)>
module attributes {stable_mosaic.version = 14 : i64} {
  func.func @_sc_degree(%arg0: i32, %arg1: i32, %arg2: memref<32x80x128xi32, #tpu.memory_space<hbm>>, %arg3: memref<128x128xf32, #tpu.memory_space<hbm>>, %arg4: memref<10112x128xf32, #tpu.memory_space<hbm>>, %arg5: memref<2x10112x128xf32, #tpu.memory_space<hbm>>, %arg6: memref<80x128xi32, #tpu.memory_space<vmem>>, %arg7: memref<128x128xf32, #tpu.memory_space<vmem>>, %arg8: memref<10112x128xf32, #tpu.memory_space<vmem_shared>>) attributes {dimension_semantics = [#tpu.dimension_semantics<core_parallel>, #tpu.dimension_semantics<subcore_parallel>], iteration_bounds = array<i64: 2, 16>, scalar_prefetch = 0 : i64, scratch_operands = 3 : i64, tpu.core_type = #tpu.core_type<sc_vector_subcore>, window_params = [{transform_indices = #map}, {transform_indices = #map1}, {transform_indices = #map1}, {transform_indices = #map}]} {
    %mul3A = arith.constant 16 : i32
    %mul3A_0 = arith.muli %arg0, %mul3A : i32
    %add3A = arith.addi %mul3A_0, %arg1 : i32
    %mul3A_1 = arith.constant 632 : i32
    %mul3A_2 = arith.muli %arg1, %mul3A_1 : i32
    "tpu.region"() ({
      %run_scoped3A = tpu.sem_alloc : memref<!tpu.dma_semaphore, #tpu.memory_space<semaphore_mem>>
      %dma_start3A = arith.constant 0 : i32
      %dma_start3A_9 = tpu.memref_slice %arg8[%mul3A_2, %dma_start3A] : memref<10112x128xf32, #tpu.memory_space<vmem_shared>> -> memref<632x128xf32, #tpu.memory_space<vmem_shared>>
      %dma_start3A_10 = arith.constant 0 : i32
      %dma_start3A_11 = tpu.memref_slice %arg4[%mul3A_2, %dma_start3A_10] : memref<10112x128xf32, #tpu.memory_space<hbm>> -> memref<632x128xf32, #tpu.memory_space<hbm>>
      tpu.enqueue_dma source(%dma_start3A_11 : memref<632x128xf32, #tpu.memory_space<hbm>>) target(%dma_start3A_9 : memref<632x128xf32, #tpu.memory_space<vmem_shared>>) target_semaphore(%run_scoped3A : memref<!tpu.dma_semaphore, #tpu.memory_space<semaphore_mem>>)
      %dma_wait3A = arith.constant 0 : i32
      %dma_wait3A_12 = tpu.memref_slice %arg8[%mul3A_2, %dma_wait3A] : memref<10112x128xf32, #tpu.memory_space<vmem_shared>> -> memref<632x128xf32, #tpu.memory_space<vmem_shared>>
      %dma_wait3A_13 = arith.constant 0 : i32
      %dma_wait3A_14 = tpu.memref_slice %arg4[%mul3A_2, %dma_wait3A_13] : memref<10112x128xf32, #tpu.memory_space<hbm>> -> memref<632x128xf32, #tpu.memory_space<hbm>>
      tpu.wait_dma2 semaphore(%run_scoped3A : memref<!tpu.dma_semaphore, #tpu.memory_space<semaphore_mem>>) src(%dma_wait3A_14 : memref<632x128xf32, #tpu.memory_space<hbm>>) dst(%dma_wait3A_12 : memref<632x128xf32, #tpu.memory_space<vmem_shared>>)
      tpu.yield
    }) : () -> ()
    "tpu.region"() ({
      %run_scoped3A = tpu.sem_alloc : memref<!tpu.dma_semaphore, #tpu.memory_space<semaphore_mem>>
      tpu.enqueue_dma source(%arg3 : memref<128x128xf32, #tpu.memory_space<hbm>>) target(%arg7 : memref<128x128xf32, #tpu.memory_space<vmem>>) target_semaphore(%run_scoped3A : memref<!tpu.dma_semaphore, #tpu.memory_space<semaphore_mem>>)
      tpu.wait_dma2 semaphore(%run_scoped3A : memref<!tpu.dma_semaphore, #tpu.memory_space<semaphore_mem>>) src(%arg3 : memref<128x128xf32, #tpu.memory_space<hbm>>) dst(%arg7 : memref<128x128xf32, #tpu.memory_space<vmem>>)
      tpu.yield
    }) : () -> ()
    "tpu.region"() ({
      %run_scoped3A = tpu.sem_alloc : memref<!tpu.dma_semaphore, #tpu.memory_space<semaphore_mem>>
      %dma_start3A = arith.constant 0 : i32
      %dma_start3A_9 = arith.constant 0 : i32
      %dma_start3A_10 = tpu.memref_slice %arg2[%add3A, %dma_start3A, %dma_start3A_9] : memref<32x80x128xi32, #tpu.memory_space<hbm>> -> memref<1x80x128xi32, #tpu.memory_space<hbm>>
      %dma_start3A_11 = tpu.memref_squeeze %dma_start3A_10 : memref<1x80x128xi32, #tpu.memory_space<hbm>> -> memref<80x128xi32, #tpu.memory_space<hbm>>
      %dma_start3A_12 = arith.constant 0 : i32
      %dma_start3A_13 = arith.constant 0 : i32
      %dma_start3A_14 = tpu.memref_slice %arg2[%add3A, %dma_start3A_12, %dma_start3A_13] : memref<32x80x128xi32, #tpu.memory_space<hbm>> -> memref<1x80x128xi32, #tpu.memory_space<hbm>>
      %dma_start3A_15 = tpu.memref_squeeze %dma_start3A_14 : memref<1x80x128xi32, #tpu.memory_space<hbm>> -> memref<80x128xi32, #tpu.memory_space<hbm>>
      tpu.enqueue_dma source(%dma_start3A_15 : memref<80x128xi32, #tpu.memory_space<hbm>>) target(%arg6 : memref<80x128xi32, #tpu.memory_space<vmem>>) target_semaphore(%run_scoped3A : memref<!tpu.dma_semaphore, #tpu.memory_space<semaphore_mem>>)
      %dma_wait3A = arith.constant 0 : i32
      %dma_wait3A_16 = arith.constant 0 : i32
      %dma_wait3A_17 = tpu.memref_slice %arg2[%add3A, %dma_wait3A, %dma_wait3A_16] : memref<32x80x128xi32, #tpu.memory_space<hbm>> -> memref<1x80x128xi32, #tpu.memory_space<hbm>>
      %dma_wait3A_18 = tpu.memref_squeeze %dma_wait3A_17 : memref<1x80x128xi32, #tpu.memory_space<hbm>> -> memref<80x128xi32, #tpu.memory_space<hbm>>
      %dma_wait3A_19 = arith.constant 0 : i32
      %dma_wait3A_20 = arith.constant 0 : i32
      %dma_wait3A_21 = tpu.memref_slice %arg2[%add3A, %dma_wait3A_19, %dma_wait3A_20] : memref<32x80x128xi32, #tpu.memory_space<hbm>> -> memref<1x80x128xi32, #tpu.memory_space<hbm>>
      %dma_wait3A_22 = tpu.memref_squeeze %dma_wait3A_21 : memref<1x80x128xi32, #tpu.memory_space<hbm>> -> memref<80x128xi32, #tpu.memory_space<hbm>>
      tpu.wait_dma2 semaphore(%run_scoped3A : memref<!tpu.dma_semaphore, #tpu.memory_space<semaphore_mem>>) src(%dma_wait3A_22 : memref<80x128xi32, #tpu.memory_space<hbm>>) dst(%arg6 : memref<80x128xi32, #tpu.memory_space<vmem>>)
      tpu.yield
    }) : () -> ()
    %barrier3A = arith.constant 0 : index
    tpu.barrier barrier_id(%barrier3A)
    %scan3A = arith.constant 0 : i32
    %scan3A_3 = arith.constant 0 : i32
    %scan3A_4 = arith.constant 80 : i32
    %scan3A_5 = arith.addi %scan3A_3, %scan3A_4 : i32
    %scan3A_6 = arith.constant 1 : i32
    scf.for %scan3A_9 = %scan3A_3 to %scan3A_5 step %scan3A_6  : i32 {
      "tpu.region"() ({
        %run_scoped3A = tpu.sem_alloc : memref<!tpu.dma_semaphore, #tpu.memory_space<semaphore_mem>>
        %dma_start3A = arith.constant 0 : i32
        %dma_start3A_10 = tpu.memref_slice %arg6[%scan3A_9, %dma_start3A] : memref<80x128xi32, #tpu.memory_space<vmem>> -> memref<1x128xi32, #tpu.memory_space<vmem>>
        %dma_start3A_11 = tpu.memref_squeeze %dma_start3A_10 : memref<1x128xi32, #tpu.memory_space<vmem>> -> memref<128xi32, #tpu.memory_space<vmem>>
        %dma_start3A_12 = arith.constant 0 : i32
        %dma_start3A_13 = arith.constant 0 : i32
        %dma_start3A_14 = tpu.memref_slice %arg8[%dma_start3A_12, %dma_start3A_13] : memref<10112x128xf32, #tpu.memory_space<vmem_shared>> -> memref<10112x128xf32, #tpu.memory_space<vmem_shared>>
        tpu.enqueue_indirect_dma source(%arg7 : memref<128x128xf32, #tpu.memory_space<vmem>>) target(%dma_start3A_14 : memref<10112x128xf32, #tpu.memory_space<vmem_shared>>) offsets(%dma_start3A_11 : memref<128xi32, #tpu.memory_space<vmem>>) semaphore(%run_scoped3A : memref<!tpu.dma_semaphore, #tpu.memory_space<semaphore_mem>>) {add = true}
        %dma_wait3A = arith.constant 0 : i32
        %dma_wait3A_15 = tpu.memref_slice %arg6[%scan3A_9, %dma_wait3A] : memref<80x128xi32, #tpu.memory_space<vmem>> -> memref<1x128xi32, #tpu.memory_space<vmem>>
        %dma_wait3A_16 = tpu.memref_squeeze %dma_wait3A_15 : memref<1x128xi32, #tpu.memory_space<vmem>> -> memref<128xi32, #tpu.memory_space<vmem>>
        %dma_wait3A_17 = arith.constant 0 : i32
        %dma_wait3A_18 = arith.constant 0 : i32
        %dma_wait3A_19 = tpu.memref_slice %arg8[%dma_wait3A_17, %dma_wait3A_18] : memref<10112x128xf32, #tpu.memory_space<vmem_shared>> -> memref<10112x128xf32, #tpu.memory_space<vmem_shared>>
        tpu.wait_indirect_dma semaphore(%run_scoped3A : memref<!tpu.dma_semaphore, #tpu.memory_space<semaphore_mem>>) src(%arg7 : memref<128x128xf32, #tpu.memory_space<vmem>>) dst(%dma_wait3A_19 : memref<10112x128xf32, #tpu.memory_space<vmem_shared>>)
        tpu.yield
      }) : () -> ()
    }
    %scan3A_7 = arith.constant 80 : i32
    %barrier3A_8 = arith.constant 0 : index
    tpu.barrier barrier_id(%barrier3A_8)
    "tpu.region"() ({
      %run_scoped3A = tpu.sem_alloc : memref<!tpu.dma_semaphore, #tpu.memory_space<semaphore_mem>>
      %dma_start3A = arith.constant 0 : i32
      %dma_start3A_9 = tpu.memref_slice %arg5[%arg0, %mul3A_2, %dma_start3A] : memref<2x10112x128xf32, #tpu.memory_space<hbm>> -> memref<1x632x128xf32, #tpu.memory_space<hbm>>
      %dma_start3A_10 = tpu.memref_squeeze %dma_start3A_9 : memref<1x632x128xf32, #tpu.memory_space<hbm>> -> memref<632x128xf32, #tpu.memory_space<hbm>>
      %dma_start3A_11 = arith.constant 0 : i32
      %dma_start3A_12 = tpu.memref_slice %arg8[%mul3A_2, %dma_start3A_11] : memref<10112x128xf32, #tpu.memory_space<vmem_shared>> -> memref<632x128xf32, #tpu.memory_space<vmem_shared>>
      tpu.enqueue_dma source(%dma_start3A_12 : memref<632x128xf32, #tpu.memory_space<vmem_shared>>) target(%dma_start3A_10 : memref<632x128xf32, #tpu.memory_space<hbm>>) target_semaphore(%run_scoped3A : memref<!tpu.dma_semaphore, #tpu.memory_space<semaphore_mem>>)
      %dma_wait3A = arith.constant 0 : i32
      %dma_wait3A_13 = tpu.memref_slice %arg5[%arg0, %mul3A_2, %dma_wait3A] : memref<2x10112x128xf32, #tpu.memory_space<hbm>> -> memref<1x632x128xf32, #tpu.memory_space<hbm>>
      %dma_wait3A_14 = tpu.memref_squeeze %dma_wait3A_13 : memref<1x632x128xf32, #tpu.memory_space<hbm>> -> memref<632x128xf32, #tpu.memory_space<hbm>>
      %dma_wait3A_15 = arith.constant 0 : i32
      %dma_wait3A_16 = tpu.memref_slice %arg8[%mul3A_2, %dma_wait3A_15] : memref<10112x128xf32, #tpu.memory_space<vmem_shared>> -> memref<632x128xf32, #tpu.memory_space<vmem_shared>>
      tpu.wait_dma2 semaphore(%run_scoped3A : memref<!tpu.dma_semaphore, #tpu.memory_space<semaphore_mem>>) src(%dma_wait3A_16 : memref<632x128xf32, #tpu.memory_space<vmem_shared>>) dst(%dma_wait3A_14 : memref<632x128xf32, #tpu.memory_space<hbm>>)
      tpu.yield
    }) : () -> ()
    return
  }
}

#map = affine_map<(d0, d1) -> (0, 0)>
#map1 = affine_map<(d0, d1) -> (0, 0, 0)>
module attributes {stable_mosaic.version = 14 : i64} {
  func.func @_sc_segsum_ego(%arg0: i32, %arg1: i32, %arg2: memref<10112x128xf32, #tpu.memory_space<hbm>>, %arg3: memref<2560x128xi32, #tpu.memory_space<hbm>>, %arg4: memref<2560x128xi32, #tpu.memory_space<hbm>>, %arg5: memref<10112x128xf32, #tpu.memory_space<hbm>>, %arg6: memref<10112x128xf32, #tpu.memory_space<hbm>>, %arg7: memref<16x64xi32, #tpu.memory_space<hbm>>, %arg8: memref<2x1024x128xf32, #tpu.memory_space<hbm>>, %arg9: memref<1024x128xf32, #tpu.memory_space<hbm>>, %arg10: memref<1024x128xf32, #tpu.memory_space<hbm>>, %arg11: memref<2x16x128xi32, #tpu.memory_space<vmem>>, %arg12: memref<2x16x128xi32, #tpu.memory_space<vmem>>, %arg13: memref<128x128xf32, #tpu.memory_space<vmem>>, %arg14: memref<128x128xf32, #tpu.memory_space<vmem>>, %arg15: memref<64xi32, #tpu.memory_space<vmem>>, %arg16: memref<10112x128xf32, #tpu.memory_space<vmem_shared>>, %arg17: memref<!tpu.dma_semaphore, #tpu.memory_space<semaphore_mem>>, %arg18: memref<!tpu.dma_semaphore, #tpu.memory_space<semaphore_mem>>, %arg19: memref<!tpu.dma_semaphore, #tpu.memory_space<semaphore_mem>>) attributes {dimension_semantics = [#tpu.dimension_semantics<core_parallel>, #tpu.dimension_semantics<subcore_parallel>], iteration_bounds = array<i64: 2, 16>, scalar_prefetch = 0 : i64, scratch_operands = 9 : i64, tpu.core_type = #tpu.core_type<sc_vector_subcore>, window_params = [{transform_indices = #map}, {transform_indices = #map}, {transform_indices = #map}, {transform_indices = #map}, {transform_indices = #map}, {transform_indices = #map}, {transform_indices = #map1}, {transform_indices = #map}, {transform_indices = #map}]} {
    %mul3A = arith.constant 632 : i32
    %mul3A_0 = arith.muli %arg1, %mul3A : i32
    %eq3A = arith.constant 0 : i32
    %eq3A_1 = arith.cmpi eq, %arg0, %eq3A : i32
    %select_n3A = arith.constant 80 : i32
    %select_n3A_2 = arith.constant 80 : i32
    %select_n3A_3 = arith.select %eq3A_1, %select_n3A_2, %select_n3A : i32
    %eq3A_4 = arith.constant 0 : i32
    %eq3A_5 = arith.cmpi eq, %arg0, %eq3A_4 : i32
    %mul3A_6 = arith.constant 80 : i32
    %mul3A_7 = arith.muli %arg1, %mul3A_6 : i32
    %mul3A_8 = arith.constant 80 : i32
    %mul3A_9 = arith.muli %arg1, %mul3A_8 : i32
    %add3A = arith.constant 1280 : i32
    %add3A_10 = arith.addi %add3A, %mul3A_9 : i32
    %select_n3A_11 = arith.select %eq3A_5, %mul3A_7, %add3A_10 : i32
    "tpu.region"() ({
      %run_scoped3A_81 = tpu.sem_alloc : memref<!tpu.dma_semaphore, #tpu.memory_space<semaphore_mem>>
      %dma_start3A_82 = arith.constant 0 : i32
      %dma_start3A_83 = tpu.memref_slice %arg16[%mul3A_0, %dma_start3A_82] : memref<10112x128xf32, #tpu.memory_space<vmem_shared>> -> memref<632x128xf32, #tpu.memory_space<vmem_shared>>
      %dma_start3A_84 = arith.constant 0 : i32
      %dma_start3A_85 = tpu.memref_slice %arg5[%mul3A_0, %dma_start3A_84] : memref<10112x128xf32, #tpu.memory_space<hbm>> -> memref<632x128xf32, #tpu.memory_space<hbm>>
      tpu.enqueue_dma source(%dma_start3A_85 : memref<632x128xf32, #tpu.memory_space<hbm>>) target(%dma_start3A_83 : memref<632x128xf32, #tpu.memory_space<vmem_shared>>) target_semaphore(%run_scoped3A_81 : memref<!tpu.dma_semaphore, #tpu.memory_space<semaphore_mem>>)
      %dma_wait3A_86 = arith.constant 0 : i32
      %dma_wait3A_87 = tpu.memref_slice %arg16[%mul3A_0, %dma_wait3A_86] : memref<10112x128xf32, #tpu.memory_space<vmem_shared>> -> memref<632x128xf32, #tpu.memory_space<vmem_shared>>
      %dma_wait3A_88 = arith.constant 0 : i32
      %dma_wait3A_89 = tpu.memref_slice %arg5[%mul3A_0, %dma_wait3A_88] : memref<10112x128xf32, #tpu.memory_space<hbm>> -> memref<632x128xf32, #tpu.memory_space<hbm>>
      tpu.wait_dma2 semaphore(%run_scoped3A_81 : memref<!tpu.dma_semaphore, #tpu.memory_space<semaphore_mem>>) src(%dma_wait3A_89 : memref<632x128xf32, #tpu.memory_space<hbm>>) dst(%dma_wait3A_87 : memref<632x128xf32, #tpu.memory_space<vmem_shared>>)
      tpu.yield
    }) : () -> ()
    %run_scoped3A = arith.constant 0 : i32
    "tpu.region"() ({
      %run_scoped3A_81 = tpu.sem_alloc : memref<!tpu.dma_semaphore, #tpu.memory_space<semaphore_mem>>
      %dma_start3A_82 = arith.constant 0 : i32
      %dma_start3A_83 = arith.constant 0 : i32
      %dma_start3A_84 = tpu.memref_slice %arg11[%run_scoped3A, %dma_start3A_82, %dma_start3A_83] : memref<2x16x128xi32, #tpu.memory_space<vmem>> -> memref<1x16x128xi32, #tpu.memory_space<vmem>>
      %dma_start3A_85 = tpu.memref_squeeze %dma_start3A_84 : memref<1x16x128xi32, #tpu.memory_space<vmem>> -> memref<16x128xi32, #tpu.memory_space<vmem>>
      %dma_start3A_86 = arith.constant 0 : i32
      %dma_start3A_87 = tpu.memref_slice %arg3[%select_n3A_11, %dma_start3A_86] : memref<2560x128xi32, #tpu.memory_space<hbm>> -> memref<16x128xi32, #tpu.memory_space<hbm>>
      %dma_start3A_88 = arith.constant 0 : i32
      %dma_start3A_89 = arith.constant 0 : i32
      %dma_start3A_90 = tpu.memref_slice %arg11[%run_scoped3A, %dma_start3A_88, %dma_start3A_89] : memref<2x16x128xi32, #tpu.memory_space<vmem>> -> memref<1x16x128xi32, #tpu.memory_space<vmem>>
      %dma_start3A_91 = tpu.memref_squeeze %dma_start3A_90 : memref<1x16x128xi32, #tpu.memory_space<vmem>> -> memref<16x128xi32, #tpu.memory_space<vmem>>
      %dma_start3A_92 = arith.constant 0 : i32
      %dma_start3A_93 = tpu.memref_slice %arg3[%select_n3A_11, %dma_start3A_92] : memref<2560x128xi32, #tpu.memory_space<hbm>> -> memref<16x128xi32, #tpu.memory_space<hbm>>
      tpu.enqueue_dma source(%dma_start3A_93 : memref<16x128xi32, #tpu.memory_space<hbm>>) target(%dma_start3A_91 : memref<16x128xi32, #tpu.memory_space<vmem>>) target_semaphore(%run_scoped3A_81 : memref<!tpu.dma_semaphore, #tpu.memory_space<semaphore_mem>>)
      %dma_wait3A_94 = arith.constant 0 : i32
      %dma_wait3A_95 = arith.constant 0 : i32
      %dma_wait3A_96 = tpu.memref_slice %arg11[%run_scoped3A, %dma_wait3A_94, %dma_wait3A_95] : memref<2x16x128xi32, #tpu.memory_space<vmem>> -> memref<1x16x128xi32, #tpu.memory_space<vmem>>
      %dma_wait3A_97 = tpu.memref_squeeze %dma_wait3A_96 : memref<1x16x128xi32, #tpu.memory_space<vmem>> -> memref<16x128xi32, #tpu.memory_space<vmem>>
      %dma_wait3A_98 = arith.constant 0 : i32
      %dma_wait3A_99 = tpu.memref_slice %arg3[%select_n3A_11, %dma_wait3A_98] : memref<2560x128xi32, #tpu.memory_space<hbm>> -> memref<16x128xi32, #tpu.memory_space<hbm>>
      %dma_wait3A_100 = arith.constant 0 : i32
      %dma_wait3A_101 = arith.constant 0 : i32
      %dma_wait3A_102 = tpu.memref_slice %arg11[%run_scoped3A, %dma_wait3A_100, %dma_wait3A_101] : memref<2x16x128xi32, #tpu.memory_space<vmem>> -> memref<1x16x128xi32, #tpu.memory_space<vmem>>
      %dma_wait3A_103 = tpu.memref_squeeze %dma_wait3A_102 : memref<1x16x128xi32, #tpu.memory_space<vmem>> -> memref<16x128xi32, #tpu.memory_space<vmem>>
      %dma_wait3A_104 = arith.constant 0 : i32
      %dma_wait3A_105 = tpu.memref_slice %arg3[%select_n3A_11, %dma_wait3A_104] : memref<2560x128xi32, #tpu.memory_space<hbm>> -> memref<16x128xi32, #tpu.memory_space<hbm>>
      tpu.wait_dma2 semaphore(%run_scoped3A_81 : memref<!tpu.dma_semaphore, #tpu.memory_space<semaphore_mem>>) src(%dma_wait3A_105 : memref<16x128xi32, #tpu.memory_space<hbm>>) dst(%dma_wait3A_103 : memref<16x128xi32, #tpu.memory_space<vmem>>)
      tpu.yield
    }) : () -> ()
    %run_scoped3A_12 = arith.constant 0 : i32
    "tpu.region"() ({
      %run_scoped3A_81 = tpu.sem_alloc : memref<!tpu.dma_semaphore, #tpu.memory_space<semaphore_mem>>
      %dma_start3A_82 = arith.constant 0 : i32
      %dma_start3A_83 = arith.constant 0 : i32
      %dma_start3A_84 = tpu.memref_slice %arg12[%run_scoped3A_12, %dma_start3A_82, %dma_start3A_83] : memref<2x16x128xi32, #tpu.memory_space<vmem>> -> memref<1x16x128xi32, #tpu.memory_space<vmem>>
      %dma_start3A_85 = tpu.memref_squeeze %dma_start3A_84 : memref<1x16x128xi32, #tpu.memory_space<vmem>> -> memref<16x128xi32, #tpu.memory_space<vmem>>
      %dma_start3A_86 = arith.constant 0 : i32
      %dma_start3A_87 = tpu.memref_slice %arg4[%select_n3A_11, %dma_start3A_86] : memref<2560x128xi32, #tpu.memory_space<hbm>> -> memref<16x128xi32, #tpu.memory_space<hbm>>
      %dma_start3A_88 = arith.constant 0 : i32
      %dma_start3A_89 = arith.constant 0 : i32
      %dma_start3A_90 = tpu.memref_slice %arg12[%run_scoped3A_12, %dma_start3A_88, %dma_start3A_89] : memref<2x16x128xi32, #tpu.memory_space<vmem>> -> memref<1x16x128xi32, #tpu.memory_space<vmem>>
      %dma_start3A_91 = tpu.memref_squeeze %dma_start3A_90 : memref<1x16x128xi32, #tpu.memory_space<vmem>> -> memref<16x128xi32, #tpu.memory_space<vmem>>
      %dma_start3A_92 = arith.constant 0 : i32
      %dma_start3A_93 = tpu.memref_slice %arg4[%select_n3A_11, %dma_start3A_92] : memref<2560x128xi32, #tpu.memory_space<hbm>> -> memref<16x128xi32, #tpu.memory_space<hbm>>
      tpu.enqueue_dma source(%dma_start3A_93 : memref<16x128xi32, #tpu.memory_space<hbm>>) target(%dma_start3A_91 : memref<16x128xi32, #tpu.memory_space<vmem>>) target_semaphore(%run_scoped3A_81 : memref<!tpu.dma_semaphore, #tpu.memory_space<semaphore_mem>>)
      %dma_wait3A_94 = arith.constant 0 : i32
      %dma_wait3A_95 = arith.constant 0 : i32
      %dma_wait3A_96 = tpu.memref_slice %arg12[%run_scoped3A_12, %dma_wait3A_94, %dma_wait3A_95] : memref<2x16x128xi32, #tpu.memory_space<vmem>> -> memref<1x16x128xi32, #tpu.memory_space<vmem>>
      %dma_wait3A_97 = tpu.memref_squeeze %dma_wait3A_96 : memref<1x16x128xi32, #tpu.memory_space<vmem>> -> memref<16x128xi32, #tpu.memory_space<vmem>>
      %dma_wait3A_98 = arith.constant 0 : i32
      %dma_wait3A_99 = tpu.memref_slice %arg4[%select_n3A_11, %dma_wait3A_98] : memref<2560x128xi32, #tpu.memory_space<hbm>> -> memref<16x128xi32, #tpu.memory_space<hbm>>
      %dma_wait3A_100 = arith.constant 0 : i32
      %dma_wait3A_101 = arith.constant 0 : i32
      %dma_wait3A_102 = tpu.memref_slice %arg12[%run_scoped3A_12, %dma_wait3A_100, %dma_wait3A_101] : memref<2x16x128xi32, #tpu.memory_space<vmem>> -> memref<1x16x128xi32, #tpu.memory_space<vmem>>
      %dma_wait3A_103 = tpu.memref_squeeze %dma_wait3A_102 : memref<1x16x128xi32, #tpu.memory_space<vmem>> -> memref<16x128xi32, #tpu.memory_space<vmem>>
      %dma_wait3A_104 = arith.constant 0 : i32
      %dma_wait3A_105 = tpu.memref_slice %arg4[%select_n3A_11, %dma_wait3A_104] : memref<2560x128xi32, #tpu.memory_space<hbm>> -> memref<16x128xi32, #tpu.memory_space<hbm>>
      tpu.wait_dma2 semaphore(%run_scoped3A_81 : memref<!tpu.dma_semaphore, #tpu.memory_space<semaphore_mem>>) src(%dma_wait3A_105 : memref<16x128xi32, #tpu.memory_space<hbm>>) dst(%dma_wait3A_103 : memref<16x128xi32, #tpu.memory_space<vmem>>)
      tpu.yield
    }) : () -> ()
    %add3A_13 = arith.constant 16 : i32
    %add3A_14 = arith.addi %select_n3A_11, %add3A_13 : i32
    %dma_start3A = arith.constant 1 : i32
    %dma_start3A_15 = arith.constant 0 : i32
    %dma_start3A_16 = arith.constant 0 : i32
    %dma_start3A_17 = tpu.memref_slice %arg11[%dma_start3A, %dma_start3A_15, %dma_start3A_16] : memref<2x16x128xi32, #tpu.memory_space<vmem>> -> memref<1x16x128xi32, #tpu.memory_space<vmem>>
    %dma_start3A_18 = tpu.memref_squeeze %dma_start3A_17 : memref<1x16x128xi32, #tpu.memory_space<vmem>> -> memref<16x128xi32, #tpu.memory_space<vmem>>
    %dma_start3A_19 = arith.constant 0 : i32
    %dma_start3A_20 = tpu.memref_slice %arg3[%add3A_14, %dma_start3A_19] : memref<2560x128xi32, #tpu.memory_space<hbm>> -> memref<16x128xi32, #tpu.memory_space<hbm>>
    %dma_start3A_21 = arith.constant 0 : i32
    %dma_start3A_22 = arith.constant 0 : i32
    %dma_start3A_23 = tpu.memref_slice %arg11[%dma_start3A, %dma_start3A_21, %dma_start3A_22] : memref<2x16x128xi32, #tpu.memory_space<vmem>> -> memref<1x16x128xi32, #tpu.memory_space<vmem>>
    %dma_start3A_24 = tpu.memref_squeeze %dma_start3A_23 : memref<1x16x128xi32, #tpu.memory_space<vmem>> -> memref<16x128xi32, #tpu.memory_space<vmem>>
    %dma_start3A_25 = arith.constant 0 : i32
    %dma_start3A_26 = tpu.memref_slice %arg3[%add3A_14, %dma_start3A_25] : memref<2560x128xi32, #tpu.memory_space<hbm>> -> memref<16x128xi32, #tpu.memory_space<hbm>>
    tpu.enqueue_dma source(%dma_start3A_26 : memref<16x128xi32, #tpu.memory_space<hbm>>) target(%dma_start3A_24 : memref<16x128xi32, #tpu.memory_space<vmem>>) target_semaphore(%arg19 : memref<!tpu.dma_semaphore, #tpu.memory_space<semaphore_mem>>)
    %add3A_27 = arith.constant 16 : i32
    %add3A_28 = arith.addi %select_n3A_11, %add3A_27 : i32
    %dma_start3A_29 = arith.constant 1 : i32
    %dma_start3A_30 = arith.constant 0 : i32
    %dma_start3A_31 = arith.constant 0 : i32
    %dma_start3A_32 = tpu.memref_slice %arg12[%dma_start3A_29, %dma_start3A_30, %dma_start3A_31] : memref<2x16x128xi32, #tpu.memory_space<vmem>> -> memref<1x16x128xi32, #tpu.memory_space<vmem>>
    %dma_start3A_33 = tpu.memref_squeeze %dma_start3A_32 : memref<1x16x128xi32, #tpu.memory_space<vmem>> -> memref<16x128xi32, #tpu.memory_space<vmem>>
    %dma_start3A_34 = arith.constant 0 : i32
    %dma_start3A_35 = tpu.memref_slice %arg4[%add3A_28, %dma_start3A_34] : memref<2560x128xi32, #tpu.memory_space<hbm>> -> memref<16x128xi32, #tpu.memory_space<hbm>>
    %dma_start3A_36 = arith.constant 0 : i32
    %dma_start3A_37 = arith.constant 0 : i32
    %dma_start3A_38 = tpu.memref_slice %arg12[%dma_start3A_29, %dma_start3A_36, %dma_start3A_37] : memref<2x16x128xi32, #tpu.memory_space<vmem>> -> memref<1x16x128xi32, #tpu.memory_space<vmem>>
    %dma_start3A_39 = tpu.memref_squeeze %dma_start3A_38 : memref<1x16x128xi32, #tpu.memory_space<vmem>> -> memref<16x128xi32, #tpu.memory_space<vmem>>
    %dma_start3A_40 = arith.constant 0 : i32
    %dma_start3A_41 = tpu.memref_slice %arg4[%add3A_28, %dma_start3A_40] : memref<2560x128xi32, #tpu.memory_space<hbm>> -> memref<16x128xi32, #tpu.memory_space<hbm>>
    tpu.enqueue_dma source(%dma_start3A_41 : memref<16x128xi32, #tpu.memory_space<hbm>>) target(%dma_start3A_39 : memref<16x128xi32, #tpu.memory_space<vmem>>) target_semaphore(%arg19 : memref<!tpu.dma_semaphore, #tpu.memory_space<semaphore_mem>>)
    %barrier3A = arith.constant 0 : index
    tpu.barrier barrier_id(%barrier3A)
    %dma_start3A_42 = arith.constant 0 : i32
    %dma_start3A_43 = arith.constant 0 : i32
    %dma_start3A_44 = arith.constant 0 : i32
    %dma_start3A_45 = tpu.memref_slice %arg11[%dma_start3A_42, %dma_start3A_43, %dma_start3A_44] : memref<2x16x128xi32, #tpu.memory_space<vmem>> -> memref<1x1x128xi32, #tpu.memory_space<vmem>>
    %dma_start3A_46 = tpu.memref_squeeze %dma_start3A_45 : memref<1x1x128xi32, #tpu.memory_space<vmem>> -> memref<128xi32, #tpu.memory_space<vmem>>
    %dma_start3A_47 = arith.constant 0 : i32
    %dma_start3A_48 = arith.constant 0 : i32
    %dma_start3A_49 = tpu.memref_slice %arg2[%dma_start3A_47, %dma_start3A_48] : memref<10112x128xf32, #tpu.memory_space<hbm>> -> memref<10112x128xf32, #tpu.memory_space<hbm>>
    tpu.enqueue_indirect_dma source(%dma_start3A_49 : memref<10112x128xf32, #tpu.memory_space<hbm>>) target(%arg13 : memref<128x128xf32, #tpu.memory_space<vmem>>) offsets(%dma_start3A_46 : memref<128xi32, #tpu.memory_space<vmem>>) semaphore(%arg17 : memref<!tpu.dma_semaphore, #tpu.memory_space<semaphore_mem>>)
    %while3A = arith.constant 0 : i32
    %while3A_50 = arith.constant 0 : i32
    %while3A_51 = arith.subi %select_n3A_3, %while3A_50 : i32
    %while3A_52 = arith.addi %while3A_50, %while3A_51 : i32
    %while3A_53 = arith.constant 1 : i32
    %while3A_54 = arith.divsi %while3A_51, %while3A_53 : i32
    %while3A_55 = arith.muli %while3A_54, %while3A_53 : i32
    %while3A_56 = arith.addi %while3A_50, %while3A_55 : i32
    %while3A_57 = arith.constant 1 : i32
    scf.for %while3A_81 = %while3A_50 to %while3A_56 step %while3A_57  : i32 {
      %jit3A = arith.constant 16 : i32
      %div3A = arith.divsi %while3A_81, %jit3A : i32
      %sign3A = arith.constant 0 : i32
      %sign3A_82 = arith.cmpi sgt, %while3A_81, %sign3A : i32
      %sign3A_83 = arith.extui %sign3A_82 : i1 to i32
      %sign3A_84 = arith.constant 0 : i32
      %sign3A_85 = arith.cmpi slt, %while3A_81, %sign3A_84 : i32
      %sign3A_86 = arith.extui %sign3A_85 : i1 to i32
      %sign3A_87 = arith.subi %sign3A_83, %sign3A_86 : i32
      %sign3A_88 = arith.constant 0 : i32
      %sign3A_89 = arith.cmpi sgt, %jit3A, %sign3A_88 : i32
      %sign3A_90 = arith.extui %sign3A_89 : i1 to i32
      %sign3A_91 = arith.constant 0 : i32
      %sign3A_92 = arith.cmpi slt, %jit3A, %sign3A_91 : i32
      %sign3A_93 = arith.extui %sign3A_92 : i1 to i32
      %sign3A_94 = arith.subi %sign3A_90, %sign3A_93 : i32
      %ne3A = arith.cmpi ne, %sign3A_87, %sign3A_94 : i32
      %rem3A = arith.remsi %while3A_81, %jit3A : i32
      %ne3A_95 = arith.constant 0 : i32
      %ne3A_96 = arith.cmpi ne, %rem3A, %ne3A_95 : i32
      %and3A = arith.andi %ne3A, %ne3A_96 : i1
      %sub3A = arith.constant 1 : i32
      %sub3A_97 = arith.subi %div3A, %sub3A : i32
      %select_n3A_98 = arith.select %and3A, %sub3A_97, %div3A : i32
      %rem3A_99 = arith.constant 16 : i32
      %rem3A_100 = arith.remsi %while3A_81, %rem3A_99 : i32
      %rem3A_101 = arith.constant 2 : i32
      %rem3A_102 = arith.remsi %select_n3A_98, %rem3A_101 : i32
      %eq3A_103 = arith.constant 15 : i32
      %eq3A_104 = arith.cmpi eq, %rem3A_100, %eq3A_103 : i32
      %convert_element_type3A_105 = arith.extui %eq3A_104 : i1 to i32
      %cond3A_106 = arith.constant 0 : i32
      %cond3A_107 = arith.cmpi ne, %convert_element_type3A_105, %cond3A_106 : i32
      scf.if %cond3A_107 {
        %add3A_138 = arith.constant 1 : i32
        %add3A_139 = arith.addi %while3A_81, %add3A_138 : i32
        %lt3A_140 = arith.cmpi slt, %add3A_139, %select_n3A_3 : i32
        %convert_element_type3A_141 = arith.extui %lt3A_140 : i1 to i32
        %cond3A_142 = arith.constant 0 : i32
        %cond3A_143 = arith.cmpi ne, %convert_element_type3A_141, %cond3A_142 : i32
        scf.if %cond3A_143 {
          %dma_wait3A_144 = arith.constant 0 : i32
          %dma_wait3A_145 = arith.constant 0 : i32
          %dma_wait3A_146 = tpu.memref_slice %arg11[%rem3A_102, %dma_wait3A_144, %dma_wait3A_145] : memref<2x16x128xi32, #tpu.memory_space<vmem>> -> memref<1x16x128xi32, #tpu.memory_space<vmem>>
          %dma_wait3A_147 = tpu.memref_squeeze %dma_wait3A_146 : memref<1x16x128xi32, #tpu.memory_space<vmem>> -> memref<16x128xi32, #tpu.memory_space<vmem>>
          %dma_wait3A_148 = arith.constant 0 : i32
          %dma_wait3A_149 = tpu.memref_slice %arg3[%select_n3A_11, %dma_wait3A_148] : memref<2560x128xi32, #tpu.memory_space<hbm>> -> memref<16x128xi32, #tpu.memory_space<hbm>>
          %dma_wait3A_150 = arith.constant 0 : i32
          %dma_wait3A_151 = arith.constant 0 : i32
          %dma_wait3A_152 = tpu.memref_slice %arg11[%rem3A_102, %dma_wait3A_150, %dma_wait3A_151] : memref<2x16x128xi32, #tpu.memory_space<vmem>> -> memref<1x16x128xi32, #tpu.memory_space<vmem>>
          %dma_wait3A_153 = tpu.memref_squeeze %dma_wait3A_152 : memref<1x16x128xi32, #tpu.memory_space<vmem>> -> memref<16x128xi32, #tpu.memory_space<vmem>>
          %dma_wait3A_154 = arith.constant 0 : i32
          %dma_wait3A_155 = tpu.memref_slice %arg3[%select_n3A_11, %dma_wait3A_154] : memref<2560x128xi32, #tpu.memory_space<hbm>> -> memref<16x128xi32, #tpu.memory_space<hbm>>
          tpu.wait_dma2 semaphore(%arg19 : memref<!tpu.dma_semaphore, #tpu.memory_space<semaphore_mem>>) src(%dma_wait3A_155 : memref<16x128xi32, #tpu.memory_space<hbm>>) dst(%dma_wait3A_153 : memref<16x128xi32, #tpu.memory_space<vmem>>)
          %dma_wait3A_156 = arith.constant 0 : i32
          %dma_wait3A_157 = arith.constant 0 : i32
          %dma_wait3A_158 = tpu.memref_slice %arg12[%rem3A_102, %dma_wait3A_156, %dma_wait3A_157] : memref<2x16x128xi32, #tpu.memory_space<vmem>> -> memref<1x16x128xi32, #tpu.memory_space<vmem>>
          %dma_wait3A_159 = tpu.memref_squeeze %dma_wait3A_158 : memref<1x16x128xi32, #tpu.memory_space<vmem>> -> memref<16x128xi32, #tpu.memory_space<vmem>>
          %dma_wait3A_160 = arith.constant 0 : i32
          %dma_wait3A_161 = tpu.memref_slice %arg4[%select_n3A_11, %dma_wait3A_160] : memref<2560x128xi32, #tpu.memory_space<hbm>> -> memref<16x128xi32, #tpu.memory_space<hbm>>
          %dma_wait3A_162 = arith.constant 0 : i32
          %dma_wait3A_163 = arith.constant 0 : i32
          %dma_wait3A_164 = tpu.memref_slice %arg12[%rem3A_102, %dma_wait3A_162, %dma_wait3A_163] : memref<2x16x128xi32, #tpu.memory_space<vmem>> -> memref<1x16x128xi32, #tpu.memory_space<vmem>>
          %dma_wait3A_165 = tpu.memref_squeeze %dma_wait3A_164 : memref<1x16x128xi32, #tpu.memory_space<vmem>> -> memref<16x128xi32, #tpu.memory_space<vmem>>
          %dma_wait3A_166 = arith.constant 0 : i32
          %dma_wait3A_167 = tpu.memref_slice %arg4[%select_n3A_11, %dma_wait3A_166] : memref<2560x128xi32, #tpu.memory_space<hbm>> -> memref<16x128xi32, #tpu.memory_space<hbm>>
          tpu.wait_dma2 semaphore(%arg19 : memref<!tpu.dma_semaphore, #tpu.memory_space<semaphore_mem>>) src(%dma_wait3A_167 : memref<16x128xi32, #tpu.memory_space<hbm>>) dst(%dma_wait3A_165 : memref<16x128xi32, #tpu.memory_space<vmem>>)
        } else {
        }
      } else {
      }
      %add3A_108 = arith.constant 1 : i32
      %add3A_109 = arith.addi %while3A_81, %add3A_108 : i32
      %lt3A = arith.cmpi slt, %add3A_109, %select_n3A_3 : i32
      %convert_element_type3A_110 = arith.extui %lt3A : i1 to i32
      %cond3A_111 = arith.constant 0 : i32
      %cond3A_112 = arith.cmpi ne, %convert_element_type3A_110, %cond3A_111 : i32
      scf.if %cond3A_112 {
        %add3A_138 = arith.constant 1 : i32
        %add3A_139 = arith.addi %while3A_81, %add3A_138 : i32
        %jit3A_140 = arith.constant 16 : i32
        %div3A_141 = arith.divsi %add3A_139, %jit3A_140 : i32
        %sign3A_142 = arith.constant 0 : i32
        %sign3A_143 = arith.cmpi sgt, %add3A_139, %sign3A_142 : i32
        %sign3A_144 = arith.extui %sign3A_143 : i1 to i32
        %sign3A_145 = arith.constant 0 : i32
        %sign3A_146 = arith.cmpi slt, %add3A_139, %sign3A_145 : i32
        %sign3A_147 = arith.extui %sign3A_146 : i1 to i32
        %sign3A_148 = arith.subi %sign3A_144, %sign3A_147 : i32
        %sign3A_149 = arith.constant 0 : i32
        %sign3A_150 = arith.cmpi sgt, %jit3A_140, %sign3A_149 : i32
        %sign3A_151 = arith.extui %sign3A_150 : i1 to i32
        %sign3A_152 = arith.constant 0 : i32
        %sign3A_153 = arith.cmpi slt, %jit3A_140, %sign3A_152 : i32
        %sign3A_154 = arith.extui %sign3A_153 : i1 to i32
        %sign3A_155 = arith.subi %sign3A_151, %sign3A_154 : i32
        %ne3A_156 = arith.cmpi ne, %sign3A_148, %sign3A_155 : i32
        %rem3A_157 = arith.remsi %add3A_139, %jit3A_140 : i32
        %ne3A_158 = arith.constant 0 : i32
        %ne3A_159 = arith.cmpi ne, %rem3A_157, %ne3A_158 : i32
        %and3A_160 = arith.andi %ne3A_156, %ne3A_159 : i1
        %sub3A_161 = arith.constant 1 : i32
        %sub3A_162 = arith.subi %div3A_141, %sub3A_161 : i32
        %select_n3A_163 = arith.select %and3A_160, %sub3A_162, %div3A_141 : i32
        %rem3A_164 = arith.constant 2 : i32
        %rem3A_165 = arith.remsi %select_n3A_163, %rem3A_164 : i32
        %rem3A_166 = arith.constant 16 : i32
        %rem3A_167 = arith.remsi %add3A_139, %rem3A_166 : i32
        %rem3A_168 = arith.constant 2 : i32
        %rem3A_169 = arith.remsi %add3A_139, %rem3A_168 : i32
        %eq3A_170 = arith.constant 0 : i32
        %eq3A_171 = arith.cmpi eq, %rem3A_169, %eq3A_170 : i32
        %convert_element_type3A_172 = arith.extui %eq3A_171 : i1 to i32
        %cond3A_173 = arith.constant 0 : i32
        %cond3A_174 = arith.cmpi ne, %convert_element_type3A_172, %cond3A_173 : i32
        scf.if %cond3A_174 {
          %dma_start3A_182 = arith.constant 0 : i32
          %dma_start3A_183 = tpu.memref_slice %arg11[%rem3A_165, %rem3A_167, %dma_start3A_182] : memref<2x16x128xi32, #tpu.memory_space<vmem>> -> memref<1x1x128xi32, #tpu.memory_space<vmem>>
          %dma_start3A_184 = tpu.memref_squeeze %dma_start3A_183 : memref<1x1x128xi32, #tpu.memory_space<vmem>> -> memref<128xi32, #tpu.memory_space<vmem>>
          %dma_start3A_185 = arith.constant 0 : i32
          %dma_start3A_186 = arith.constant 0 : i32
          %dma_start3A_187 = tpu.memref_slice %arg2[%dma_start3A_185, %dma_start3A_186] : memref<10112x128xf32, #tpu.memory_space<hbm>> -> memref<10112x128xf32, #tpu.memory_space<hbm>>
          tpu.enqueue_indirect_dma source(%dma_start3A_187 : memref<10112x128xf32, #tpu.memory_space<hbm>>) target(%arg13 : memref<128x128xf32, #tpu.memory_space<vmem>>) offsets(%dma_start3A_184 : memref<128xi32, #tpu.memory_space<vmem>>) semaphore(%arg17 : memref<!tpu.dma_semaphore, #tpu.memory_space<semaphore_mem>>)
        } else {
        }
        %rem3A_175 = arith.constant 2 : i32
        %rem3A_176 = arith.remsi %add3A_139, %rem3A_175 : i32
        %eq3A_177 = arith.constant 1 : i32
        %eq3A_178 = arith.cmpi eq, %rem3A_176, %eq3A_177 : i32
        %convert_element_type3A_179 = arith.extui %eq3A_178 : i1 to i32
        %cond3A_180 = arith.constant 0 : i32
        %cond3A_181 = arith.cmpi ne, %convert_element_type3A_179, %cond3A_180 : i32
        scf.if %cond3A_181 {
          %dma_start3A_182 = arith.constant 0 : i32
          %dma_start3A_183 = tpu.memref_slice %arg11[%rem3A_165, %rem3A_167, %dma_start3A_182] : memref<2x16x128xi32, #tpu.memory_space<vmem>> -> memref<1x1x128xi32, #tpu.memory_space<vmem>>
          %dma_start3A_184 = tpu.memref_squeeze %dma_start3A_183 : memref<1x1x128xi32, #tpu.memory_space<vmem>> -> memref<128xi32, #tpu.memory_space<vmem>>
          %dma_start3A_185 = arith.constant 0 : i32
          %dma_start3A_186 = arith.constant 0 : i32
          %dma_start3A_187 = tpu.memref_slice %arg2[%dma_start3A_185, %dma_start3A_186] : memref<10112x128xf32, #tpu.memory_space<hbm>> -> memref<10112x128xf32, #tpu.memory_space<hbm>>
          tpu.enqueue_indirect_dma source(%dma_start3A_187 : memref<10112x128xf32, #tpu.memory_space<hbm>>) target(%arg14 : memref<128x128xf32, #tpu.memory_space<vmem>>) offsets(%dma_start3A_184 : memref<128xi32, #tpu.memory_space<vmem>>) semaphore(%arg18 : memref<!tpu.dma_semaphore, #tpu.memory_space<semaphore_mem>>)
        } else {
        }
      } else {
      }
      %rem3A_113 = arith.constant 2 : i32
      %rem3A_114 = arith.remsi %while3A_81, %rem3A_113 : i32
      %eq3A_115 = arith.constant 0 : i32
      %eq3A_116 = arith.cmpi eq, %rem3A_114, %eq3A_115 : i32
      %convert_element_type3A_117 = arith.extui %eq3A_116 : i1 to i32
      %cond3A_118 = arith.constant 0 : i32
      %cond3A_119 = arith.cmpi ne, %convert_element_type3A_117, %cond3A_118 : i32
      scf.if %cond3A_119 {
        %dma_wait3A_138 = arith.constant 0 : i32
        %dma_wait3A_139 = arith.constant 0 : i32
        %dma_wait3A_140 = arith.constant 0 : i32
        %dma_wait3A_141 = tpu.memref_slice %arg11[%dma_wait3A_138, %dma_wait3A_139, %dma_wait3A_140] : memref<2x16x128xi32, #tpu.memory_space<vmem>> -> memref<1x1x128xi32, #tpu.memory_space<vmem>>
        %dma_wait3A_142 = tpu.memref_squeeze %dma_wait3A_141 : memref<1x1x128xi32, #tpu.memory_space<vmem>> -> memref<128xi32, #tpu.memory_space<vmem>>
        %dma_wait3A_143 = arith.constant 0 : i32
        %dma_wait3A_144 = arith.constant 0 : i32
        %dma_wait3A_145 = tpu.memref_slice %arg2[%dma_wait3A_143, %dma_wait3A_144] : memref<10112x128xf32, #tpu.memory_space<hbm>> -> memref<10112x128xf32, #tpu.memory_space<hbm>>
        tpu.wait_indirect_dma semaphore(%arg17 : memref<!tpu.dma_semaphore, #tpu.memory_space<semaphore_mem>>) src(%dma_wait3A_145 : memref<10112x128xf32, #tpu.memory_space<hbm>>) dst(%arg13 : memref<128x128xf32, #tpu.memory_space<vmem>>)
        "tpu.region"() ({
          %run_scoped3A_146 = tpu.sem_alloc : memref<!tpu.dma_semaphore, #tpu.memory_space<semaphore_mem>>
          %dma_start3A_147 = arith.constant 0 : i32
          %dma_start3A_148 = tpu.memref_slice %arg12[%rem3A_102, %rem3A_100, %dma_start3A_147] : memref<2x16x128xi32, #tpu.memory_space<vmem>> -> memref<1x1x128xi32, #tpu.memory_space<vmem>>
          %dma_start3A_149 = tpu.memref_squeeze %dma_start3A_148 : memref<1x1x128xi32, #tpu.memory_space<vmem>> -> memref<128xi32, #tpu.memory_space<vmem>>
          %dma_start3A_150 = arith.constant 0 : i32
          %dma_start3A_151 = arith.constant 0 : i32
          %dma_start3A_152 = tpu.memref_slice %arg16[%dma_start3A_150, %dma_start3A_151] : memref<10112x128xf32, #tpu.memory_space<vmem_shared>> -> memref<10112x128xf32, #tpu.memory_space<vmem_shared>>
          tpu.enqueue_indirect_dma source(%arg13 : memref<128x128xf32, #tpu.memory_space<vmem>>) target(%dma_start3A_152 : memref<10112x128xf32, #tpu.memory_space<vmem_shared>>) offsets(%dma_start3A_149 : memref<128xi32, #tpu.memory_space<vmem>>) semaphore(%run_scoped3A_146 : memref<!tpu.dma_semaphore, #tpu.memory_space<semaphore_mem>>) {add = true}
          %dma_wait3A_153 = arith.constant 0 : i32
          %dma_wait3A_154 = tpu.memref_slice %arg12[%rem3A_102, %rem3A_100, %dma_wait3A_153] : memref<2x16x128xi32, #tpu.memory_space<vmem>> -> memref<1x1x128xi32, #tpu.memory_space<vmem>>
          %dma_wait3A_155 = tpu.memref_squeeze %dma_wait3A_154 : memref<1x1x128xi32, #tpu.memory_space<vmem>> -> memref<128xi32, #tpu.memory_space<vmem>>
          %dma_wait3A_156 = arith.constant 0 : i32
          %dma_wait3A_157 = arith.constant 0 : i32
          %dma_wait3A_158 = tpu.memref_slice %arg16[%dma_wait3A_156, %dma_wait3A_157] : memref<10112x128xf32, #tpu.memory_space<vmem_shared>> -> memref<10112x128xf32, #tpu.memory_space<vmem_shared>>
          tpu.wait_indirect_dma semaphore(%run_scoped3A_146 : memref<!tpu.dma_semaphore, #tpu.memory_space<semaphore_mem>>) src(%arg13 : memref<128x128xf32, #tpu.memory_space<vmem>>) dst(%dma_wait3A_158 : memref<10112x128xf32, #tpu.memory_space<vmem_shared>>)
          tpu.yield
        }) : () -> ()
      } else {
      }
      %rem3A_120 = arith.constant 2 : i32
      %rem3A_121 = arith.remsi %while3A_81, %rem3A_120 : i32
      %eq3A_122 = arith.constant 1 : i32
      %eq3A_123 = arith.cmpi eq, %rem3A_121, %eq3A_122 : i32
      %convert_element_type3A_124 = arith.extui %eq3A_123 : i1 to i32
      %cond3A_125 = arith.constant 0 : i32
      %cond3A_126 = arith.cmpi ne, %convert_element_type3A_124, %cond3A_125 : i32
      scf.if %cond3A_126 {
        %dma_wait3A_138 = arith.constant 0 : i32
        %dma_wait3A_139 = arith.constant 0 : i32
        %dma_wait3A_140 = arith.constant 0 : i32
        %dma_wait3A_141 = tpu.memref_slice %arg11[%dma_wait3A_138, %dma_wait3A_139, %dma_wait3A_140] : memref<2x16x128xi32, #tpu.memory_space<vmem>> -> memref<1x1x128xi32, #tpu.memory_space<vmem>>
        %dma_wait3A_142 = tpu.memref_squeeze %dma_wait3A_141 : memref<1x1x128xi32, #tpu.memory_space<vmem>> -> memref<128xi32, #tpu.memory_space<vmem>>
        %dma_wait3A_143 = arith.constant 0 : i32
        %dma_wait3A_144 = arith.constant 0 : i32
        %dma_wait3A_145 = tpu.memref_slice %arg2[%dma_wait3A_143, %dma_wait3A_144] : memref<10112x128xf32, #tpu.memory_space<hbm>> -> memref<10112x128xf32, #tpu.memory_space<hbm>>
        tpu.wait_indirect_dma semaphore(%arg18 : memref<!tpu.dma_semaphore, #tpu.memory_space<semaphore_mem>>) src(%dma_wait3A_145 : memref<10112x128xf32, #tpu.memory_space<hbm>>) dst(%arg14 : memref<128x128xf32, #tpu.memory_space<vmem>>)
        "tpu.region"() ({
          %run_scoped3A_146 = tpu.sem_alloc : memref<!tpu.dma_semaphore, #tpu.memory_space<semaphore_mem>>
          %dma_start3A_147 = arith.constant 0 : i32
          %dma_start3A_148 = tpu.memref_slice %arg12[%rem3A_102, %rem3A_100, %dma_start3A_147] : memref<2x16x128xi32, #tpu.memory_space<vmem>> -> memref<1x1x128xi32, #tpu.memory_space<vmem>>
          %dma_start3A_149 = tpu.memref_squeeze %dma_start3A_148 : memref<1x1x128xi32, #tpu.memory_space<vmem>> -> memref<128xi32, #tpu.memory_space<vmem>>
          %dma_start3A_150 = arith.constant 0 : i32
          %dma_start3A_151 = arith.constant 0 : i32
          %dma_start3A_152 = tpu.memref_slice %arg16[%dma_start3A_150, %dma_start3A_151] : memref<10112x128xf32, #tpu.memory_space<vmem_shared>> -> memref<10112x128xf32, #tpu.memory_space<vmem_shared>>
          tpu.enqueue_indirect_dma source(%arg14 : memref<128x128xf32, #tpu.memory_space<vmem>>) target(%dma_start3A_152 : memref<10112x128xf32, #tpu.memory_space<vmem_shared>>) offsets(%dma_start3A_149 : memref<128xi32, #tpu.memory_space<vmem>>) semaphore(%run_scoped3A_146 : memref<!tpu.dma_semaphore, #tpu.memory_space<semaphore_mem>>) {add = true}
          %dma_wait3A_153 = arith.constant 0 : i32
          %dma_wait3A_154 = tpu.memref_slice %arg12[%rem3A_102, %rem3A_100, %dma_wait3A_153] : memref<2x16x128xi32, #tpu.memory_space<vmem>> -> memref<1x1x128xi32, #tpu.memory_space<vmem>>
          %dma_wait3A_155 = tpu.memref_squeeze %dma_wait3A_154 : memref<1x1x128xi32, #tpu.memory_space<vmem>> -> memref<128xi32, #tpu.memory_space<vmem>>
          %dma_wait3A_156 = arith.constant 0 : i32
          %dma_wait3A_157 = arith.constant 0 : i32
          %dma_wait3A_158 = tpu.memref_slice %arg16[%dma_wait3A_156, %dma_wait3A_157] : memref<10112x128xf32, #tpu.memory_space<vmem_shared>> -> memref<10112x128xf32, #tpu.memory_space<vmem_shared>>
          tpu.wait_indirect_dma semaphore(%run_scoped3A_146 : memref<!tpu.dma_semaphore, #tpu.memory_space<semaphore_mem>>) src(%arg14 : memref<128x128xf32, #tpu.memory_space<vmem>>) dst(%dma_wait3A_158 : memref<10112x128xf32, #tpu.memory_space<vmem_shared>>)
          tpu.yield
        }) : () -> ()
      } else {
      }
      %eq3A_127 = arith.constant 15 : i32
      %eq3A_128 = arith.cmpi eq, %rem3A_100, %eq3A_127 : i32
      %add3A_129 = arith.constant 16 : i32
      %add3A_130 = arith.addi %while3A_81, %add3A_129 : i32
      %add3A_131 = arith.constant 1 : i32
      %add3A_132 = arith.addi %add3A_130, %add3A_131 : i32
      %lt3A_133 = arith.cmpi slt, %add3A_132, %select_n3A_3 : i32
      %and3A_134 = arith.andi %eq3A_128, %lt3A_133 : i1
      %convert_element_type3A_135 = arith.extui %and3A_134 : i1 to i32
      %cond3A_136 = arith.constant 0 : i32
      %cond3A_137 = arith.cmpi ne, %convert_element_type3A_135, %cond3A_136 : i32
      scf.if %cond3A_137 {
        %add3A_138 = arith.constant 16 : i32
        %add3A_139 = arith.addi %while3A_81, %add3A_138 : i32
        %add3A_140 = arith.constant 1 : i32
        %add3A_141 = arith.addi %add3A_139, %add3A_140 : i32
        %jit3A_142 = arith.constant 16 : i32
        %div3A_143 = arith.divsi %add3A_141, %jit3A_142 : i32
        %sign3A_144 = arith.constant 0 : i32
        %sign3A_145 = arith.cmpi sgt, %add3A_141, %sign3A_144 : i32
        %sign3A_146 = arith.extui %sign3A_145 : i1 to i32
        %sign3A_147 = arith.constant 0 : i32
        %sign3A_148 = arith.cmpi slt, %add3A_141, %sign3A_147 : i32
        %sign3A_149 = arith.extui %sign3A_148 : i1 to i32
        %sign3A_150 = arith.subi %sign3A_146, %sign3A_149 : i32
        %sign3A_151 = arith.constant 0 : i32
        %sign3A_152 = arith.cmpi sgt, %jit3A_142, %sign3A_151 : i32
        %sign3A_153 = arith.extui %sign3A_152 : i1 to i32
        %sign3A_154 = arith.constant 0 : i32
        %sign3A_155 = arith.cmpi slt, %jit3A_142, %sign3A_154 : i32
        %sign3A_156 = arith.extui %sign3A_155 : i1 to i32
        %sign3A_157 = arith.subi %sign3A_153, %sign3A_156 : i32
        %ne3A_158 = arith.cmpi ne, %sign3A_150, %sign3A_157 : i32
        %rem3A_159 = arith.remsi %add3A_141, %jit3A_142 : i32
        %ne3A_160 = arith.constant 0 : i32
        %ne3A_161 = arith.cmpi ne, %rem3A_159, %ne3A_160 : i32
        %and3A_162 = arith.andi %ne3A_158, %ne3A_161 : i1
        %sub3A_163 = arith.constant 1 : i32
        %sub3A_164 = arith.subi %div3A_143, %sub3A_163 : i32
        %select_n3A_165 = arith.select %and3A_162, %sub3A_164, %div3A_143 : i32
        %mul3A_166 = arith.constant 16 : i32
        %mul3A_167 = arith.muli %select_n3A_165, %mul3A_166 : i32
        %add3A_168 = arith.addi %select_n3A_11, %mul3A_167 : i32
        %dma_start3A_169 = arith.constant 0 : i32
        %dma_start3A_170 = arith.constant 0 : i32
        %dma_start3A_171 = tpu.memref_slice %arg11[%rem3A_102, %dma_start3A_169, %dma_start3A_170] : memref<2x16x128xi32, #tpu.memory_space<vmem>> -> memref<1x16x128xi32, #tpu.memory_space<vmem>>
        %dma_start3A_172 = tpu.memref_squeeze %dma_start3A_171 : memref<1x16x128xi32, #tpu.memory_space<vmem>> -> memref<16x128xi32, #tpu.memory_space<vmem>>
        %dma_start3A_173 = arith.constant 0 : i32
        %dma_start3A_174 = tpu.memref_slice %arg3[%add3A_168, %dma_start3A_173] : memref<2560x128xi32, #tpu.memory_space<hbm>> -> memref<16x128xi32, #tpu.memory_space<hbm>>
        %dma_start3A_175 = arith.constant 0 : i32
        %dma_start3A_176 = arith.constant 0 : i32
        %dma_start3A_177 = tpu.memref_slice %arg11[%rem3A_102, %dma_start3A_175, %dma_start3A_176] : memref<2x16x128xi32, #tpu.memory_space<vmem>> -> memref<1x16x128xi32, #tpu.memory_space<vmem>>
        %dma_start3A_178 = tpu.memref_squeeze %dma_start3A_177 : memref<1x16x128xi32, #tpu.memory_space<vmem>> -> memref<16x128xi32, #tpu.memory_space<vmem>>
        %dma_start3A_179 = arith.constant 0 : i32
        %dma_start3A_180 = tpu.memref_slice %arg3[%add3A_168, %dma_start3A_179] : memref<2560x128xi32, #tpu.memory_space<hbm>> -> memref<16x128xi32, #tpu.memory_space<hbm>>
        tpu.enqueue_dma source(%dma_start3A_180 : memref<16x128xi32, #tpu.memory_space<hbm>>) target(%dma_start3A_178 : memref<16x128xi32, #tpu.memory_space<vmem>>) target_semaphore(%arg19 : memref<!tpu.dma_semaphore, #tpu.memory_space<semaphore_mem>>)
        %add3A_181 = arith.addi %select_n3A_11, %mul3A_167 : i32
        %dma_start3A_182 = arith.constant 0 : i32
        %dma_start3A_183 = arith.constant 0 : i32
        %dma_start3A_184 = tpu.memref_slice %arg12[%rem3A_102, %dma_start3A_182, %dma_start3A_183] : memref<2x16x128xi32, #tpu.memory_space<vmem>> -> memref<1x16x128xi32, #tpu.memory_space<vmem>>
        %dma_start3A_185 = tpu.memref_squeeze %dma_start3A_184 : memref<1x16x128xi32, #tpu.memory_space<vmem>> -> memref<16x128xi32, #tpu.memory_space<vmem>>
        %dma_start3A_186 = arith.constant 0 : i32
        %dma_start3A_187 = tpu.memref_slice %arg4[%add3A_181, %dma_start3A_186] : memref<2560x128xi32, #tpu.memory_space<hbm>> -> memref<16x128xi32, #tpu.memory_space<hbm>>
        %dma_start3A_188 = arith.constant 0 : i32
        %dma_start3A_189 = arith.constant 0 : i32
        %dma_start3A_190 = tpu.memref_slice %arg12[%rem3A_102, %dma_start3A_188, %dma_start3A_189] : memref<2x16x128xi32, #tpu.memory_space<vmem>> -> memref<1x16x128xi32, #tpu.memory_space<vmem>>
        %dma_start3A_191 = tpu.memref_squeeze %dma_start3A_190 : memref<1x16x128xi32, #tpu.memory_space<vmem>> -> memref<16x128xi32, #tpu.memory_space<vmem>>
        %dma_start3A_192 = arith.constant 0 : i32
        %dma_start3A_193 = tpu.memref_slice %arg4[%add3A_181, %dma_start3A_192] : memref<2560x128xi32, #tpu.memory_space<hbm>> -> memref<16x128xi32, #tpu.memory_space<hbm>>
        tpu.enqueue_dma source(%dma_start3A_193 : memref<16x128xi32, #tpu.memory_space<hbm>>) target(%dma_start3A_191 : memref<16x128xi32, #tpu.memory_space<vmem>>) target_semaphore(%arg19 : memref<!tpu.dma_semaphore, #tpu.memory_space<semaphore_mem>>)
      } else {
      }
    }
    %while3A_58 = arith.constant 1 : i32
    scf.for %while3A_81 = %while3A_56 to %while3A_52 step %while3A_58  : i32 {
      %jit3A = arith.constant 16 : i32
      %div3A = arith.divsi %while3A_81, %jit3A : i32
      %sign3A = arith.constant 0 : i32
      %sign3A_82 = arith.cmpi sgt, %while3A_81, %sign3A : i32
      %sign3A_83 = arith.extui %sign3A_82 : i1 to i32
      %sign3A_84 = arith.constant 0 : i32
      %sign3A_85 = arith.cmpi slt, %while3A_81, %sign3A_84 : i32
      %sign3A_86 = arith.extui %sign3A_85 : i1 to i32
      %sign3A_87 = arith.subi %sign3A_83, %sign3A_86 : i32
      %sign3A_88 = arith.constant 0 : i32
      %sign3A_89 = arith.cmpi sgt, %jit3A, %sign3A_88 : i32
      %sign3A_90 = arith.extui %sign3A_89 : i1 to i32
      %sign3A_91 = arith.constant 0 : i32
      %sign3A_92 = arith.cmpi slt, %jit3A, %sign3A_91 : i32
      %sign3A_93 = arith.extui %sign3A_92 : i1 to i32
      %sign3A_94 = arith.subi %sign3A_90, %sign3A_93 : i32
      %ne3A = arith.cmpi ne, %sign3A_87, %sign3A_94 : i32
      %rem3A = arith.remsi %while3A_81, %jit3A : i32
      %ne3A_95 = arith.constant 0 : i32
      %ne3A_96 = arith.cmpi ne, %rem3A, %ne3A_95 : i32
      %and3A = arith.andi %ne3A, %ne3A_96 : i1
      %sub3A = arith.constant 1 : i32
      %sub3A_97 = arith.subi %div3A, %sub3A : i32
      %select_n3A_98 = arith.select %and3A, %sub3A_97, %div3A : i32
      %rem3A_99 = arith.constant 16 : i32
      %rem3A_100 = arith.remsi %while3A_81, %rem3A_99 : i32
      %rem3A_101 = arith.constant 2 : i32
      %rem3A_102 = arith.remsi %select_n3A_98, %rem3A_101 : i32
      %eq3A_103 = arith.constant 15 : i32
      %eq3A_104 = arith.cmpi eq, %rem3A_100, %eq3A_103 : i32
      %convert_element_type3A_105 = arith.extui %eq3A_104 : i1 to i32
      %cond3A_106 = arith.constant 0 : i32
      %cond3A_107 = arith.cmpi ne, %convert_element_type3A_105, %cond3A_106 : i32
      scf.if %cond3A_107 {
        %add3A_138 = arith.constant 1 : i32
        %add3A_139 = arith.addi %while3A_81, %add3A_138 : i32
        %lt3A_140 = arith.cmpi slt, %add3A_139, %select_n3A_3 : i32
        %convert_element_type3A_141 = arith.extui %lt3A_140 : i1 to i32
        %cond3A_142 = arith.constant 0 : i32
        %cond3A_143 = arith.cmpi ne, %convert_element_type3A_141, %cond3A_142 : i32
        scf.if %cond3A_143 {
          %dma_wait3A_144 = arith.constant 0 : i32
          %dma_wait3A_145 = arith.constant 0 : i32
          %dma_wait3A_146 = tpu.memref_slice %arg11[%rem3A_102, %dma_wait3A_144, %dma_wait3A_145] : memref<2x16x128xi32, #tpu.memory_space<vmem>> -> memref<1x16x128xi32, #tpu.memory_space<vmem>>
          %dma_wait3A_147 = tpu.memref_squeeze %dma_wait3A_146 : memref<1x16x128xi32, #tpu.memory_space<vmem>> -> memref<16x128xi32, #tpu.memory_space<vmem>>
          %dma_wait3A_148 = arith.constant 0 : i32
          %dma_wait3A_149 = tpu.memref_slice %arg3[%select_n3A_11, %dma_wait3A_148] : memref<2560x128xi32, #tpu.memory_space<hbm>> -> memref<16x128xi32, #tpu.memory_space<hbm>>
          %dma_wait3A_150 = arith.constant 0 : i32
          %dma_wait3A_151 = arith.constant 0 : i32
          %dma_wait3A_152 = tpu.memref_slice %arg11[%rem3A_102, %dma_wait3A_150, %dma_wait3A_151] : memref<2x16x128xi32, #tpu.memory_space<vmem>> -> memref<1x16x128xi32, #tpu.memory_space<vmem>>
          %dma_wait3A_153 = tpu.memref_squeeze %dma_wait3A_152 : memref<1x16x128xi32, #tpu.memory_space<vmem>> -> memref<16x128xi32, #tpu.memory_space<vmem>>
          %dma_wait3A_154 = arith.constant 0 : i32
          %dma_wait3A_155 = tpu.memref_slice %arg3[%select_n3A_11, %dma_wait3A_154] : memref<2560x128xi32, #tpu.memory_space<hbm>> -> memref<16x128xi32, #tpu.memory_space<hbm>>
          tpu.wait_dma2 semaphore(%arg19 : memref<!tpu.dma_semaphore, #tpu.memory_space<semaphore_mem>>) src(%dma_wait3A_155 : memref<16x128xi32, #tpu.memory_space<hbm>>) dst(%dma_wait3A_153 : memref<16x128xi32, #tpu.memory_space<vmem>>)
          %dma_wait3A_156 = arith.constant 0 : i32
          %dma_wait3A_157 = arith.constant 0 : i32
          %dma_wait3A_158 = tpu.memref_slice %arg12[%rem3A_102, %dma_wait3A_156, %dma_wait3A_157] : memref<2x16x128xi32, #tpu.memory_space<vmem>> -> memref<1x16x128xi32, #tpu.memory_space<vmem>>
          %dma_wait3A_159 = tpu.memref_squeeze %dma_wait3A_158 : memref<1x16x128xi32, #tpu.memory_space<vmem>> -> memref<16x128xi32, #tpu.memory_space<vmem>>
          %dma_wait3A_160 = arith.constant 0 : i32
          %dma_wait3A_161 = tpu.memref_slice %arg4[%select_n3A_11, %dma_wait3A_160] : memref<2560x128xi32, #tpu.memory_space<hbm>> -> memref<16x128xi32, #tpu.memory_space<hbm>>
          %dma_wait3A_162 = arith.constant 0 : i32
          %dma_wait3A_163 = arith.constant 0 : i32
          %dma_wait3A_164 = tpu.memref_slice %arg12[%rem3A_102, %dma_wait3A_162, %dma_wait3A_163] : memref<2x16x128xi32, #tpu.memory_space<vmem>> -> memref<1x16x128xi32, #tpu.memory_space<vmem>>
          %dma_wait3A_165 = tpu.memref_squeeze %dma_wait3A_164 : memref<1x16x128xi32, #tpu.memory_space<vmem>> -> memref<16x128xi32, #tpu.memory_space<vmem>>
          %dma_wait3A_166 = arith.constant 0 : i32
          %dma_wait3A_167 = tpu.memref_slice %arg4[%select_n3A_11, %dma_wait3A_166] : memref<2560x128xi32, #tpu.memory_space<hbm>> -> memref<16x128xi32, #tpu.memory_space<hbm>>
          tpu.wait_dma2 semaphore(%arg19 : memref<!tpu.dma_semaphore, #tpu.memory_space<semaphore_mem>>) src(%dma_wait3A_167 : memref<16x128xi32, #tpu.memory_space<hbm>>) dst(%dma_wait3A_165 : memref<16x128xi32, #tpu.memory_space<vmem>>)
        } else {
        }
      } else {
      }
      %add3A_108 = arith.constant 1 : i32
      %add3A_109 = arith.addi %while3A_81, %add3A_108 : i32
      %lt3A = arith.cmpi slt, %add3A_109, %select_n3A_3 : i32
      %convert_element_type3A_110 = arith.extui %lt3A : i1 to i32
      %cond3A_111 = arith.constant 0 : i32
      %cond3A_112 = arith.cmpi ne, %convert_element_type3A_110, %cond3A_111 : i32
      scf.if %cond3A_112 {
        %add3A_138 = arith.constant 1 : i32
        %add3A_139 = arith.addi %while3A_81, %add3A_138 : i32
        %jit3A_140 = arith.constant 16 : i32
        %div3A_141 = arith.divsi %add3A_139, %jit3A_140 : i32
        %sign3A_142 = arith.constant 0 : i32
        %sign3A_143 = arith.cmpi sgt, %add3A_139, %sign3A_142 : i32
        %sign3A_144 = arith.extui %sign3A_143 : i1 to i32
        %sign3A_145 = arith.constant 0 : i32
        %sign3A_146 = arith.cmpi slt, %add3A_139, %sign3A_145 : i32
        %sign3A_147 = arith.extui %sign3A_146 : i1 to i32
        %sign3A_148 = arith.subi %sign3A_144, %sign3A_147 : i32
        %sign3A_149 = arith.constant 0 : i32
        %sign3A_150 = arith.cmpi sgt, %jit3A_140, %sign3A_149 : i32
        %sign3A_151 = arith.extui %sign3A_150 : i1 to i32
        %sign3A_152 = arith.constant 0 : i32
        %sign3A_153 = arith.cmpi slt, %jit3A_140, %sign3A_152 : i32
        %sign3A_154 = arith.extui %sign3A_153 : i1 to i32
        %sign3A_155 = arith.subi %sign3A_151, %sign3A_154 : i32
        %ne3A_156 = arith.cmpi ne, %sign3A_148, %sign3A_155 : i32
        %rem3A_157 = arith.remsi %add3A_139, %jit3A_140 : i32
        %ne3A_158 = arith.constant 0 : i32
        %ne3A_159 = arith.cmpi ne, %rem3A_157, %ne3A_158 : i32
        %and3A_160 = arith.andi %ne3A_156, %ne3A_159 : i1
        %sub3A_161 = arith.constant 1 : i32
        %sub3A_162 = arith.subi %div3A_141, %sub3A_161 : i32
        %select_n3A_163 = arith.select %and3A_160, %sub3A_162, %div3A_141 : i32
        %rem3A_164 = arith.constant 2 : i32
        %rem3A_165 = arith.remsi %select_n3A_163, %rem3A_164 : i32
        %rem3A_166 = arith.constant 16 : i32
        %rem3A_167 = arith.remsi %add3A_139, %rem3A_166 : i32
        %rem3A_168 = arith.constant 2 : i32
        %rem3A_169 = arith.remsi %add3A_139, %rem3A_168 : i32
        %eq3A_170 = arith.constant 0 : i32
        %eq3A_171 = arith.cmpi eq, %rem3A_169, %eq3A_170 : i32
        %convert_element_type3A_172 = arith.extui %eq3A_171 : i1 to i32
        %cond3A_173 = arith.constant 0 : i32
        %cond3A_174 = arith.cmpi ne, %convert_element_type3A_172, %cond3A_173 : i32
        scf.if %cond3A_174 {
          %dma_start3A_182 = arith.constant 0 : i32
          %dma_start3A_183 = tpu.memref_slice %arg11[%rem3A_165, %rem3A_167, %dma_start3A_182] : memref<2x16x128xi32, #tpu.memory_space<vmem>> -> memref<1x1x128xi32, #tpu.memory_space<vmem>>
          %dma_start3A_184 = tpu.memref_squeeze %dma_start3A_183 : memref<1x1x128xi32, #tpu.memory_space<vmem>> -> memref<128xi32, #tpu.memory_space<vmem>>
          %dma_start3A_185 = arith.constant 0 : i32
          %dma_start3A_186 = arith.constant 0 : i32
          %dma_start3A_187 = tpu.memref_slice %arg2[%dma_start3A_185, %dma_start3A_186] : memref<10112x128xf32, #tpu.memory_space<hbm>> -> memref<10112x128xf32, #tpu.memory_space<hbm>>
          tpu.enqueue_indirect_dma source(%dma_start3A_187 : memref<10112x128xf32, #tpu.memory_space<hbm>>) target(%arg13 : memref<128x128xf32, #tpu.memory_space<vmem>>) offsets(%dma_start3A_184 : memref<128xi32, #tpu.memory_space<vmem>>) semaphore(%arg17 : memref<!tpu.dma_semaphore, #tpu.memory_space<semaphore_mem>>)
        } else {
        }
        %rem3A_175 = arith.constant 2 : i32
        %rem3A_176 = arith.remsi %add3A_139, %rem3A_175 : i32
        %eq3A_177 = arith.constant 1 : i32
        %eq3A_178 = arith.cmpi eq, %rem3A_176, %eq3A_177 : i32
        %convert_element_type3A_179 = arith.extui %eq3A_178 : i1 to i32
        %cond3A_180 = arith.constant 0 : i32
        %cond3A_181 = arith.cmpi ne, %convert_element_type3A_179, %cond3A_180 : i32
        scf.if %cond3A_181 {
          %dma_start3A_182 = arith.constant 0 : i32
          %dma_start3A_183 = tpu.memref_slice %arg11[%rem3A_165, %rem3A_167, %dma_start3A_182] : memref<2x16x128xi32, #tpu.memory_space<vmem>> -> memref<1x1x128xi32, #tpu.memory_space<vmem>>
          %dma_start3A_184 = tpu.memref_squeeze %dma_start3A_183 : memref<1x1x128xi32, #tpu.memory_space<vmem>> -> memref<128xi32, #tpu.memory_space<vmem>>
          %dma_start3A_185 = arith.constant 0 : i32
          %dma_start3A_186 = arith.constant 0 : i32
          %dma_start3A_187 = tpu.memref_slice %arg2[%dma_start3A_185, %dma_start3A_186] : memref<10112x128xf32, #tpu.memory_space<hbm>> -> memref<10112x128xf32, #tpu.memory_space<hbm>>
          tpu.enqueue_indirect_dma source(%dma_start3A_187 : memref<10112x128xf32, #tpu.memory_space<hbm>>) target(%arg14 : memref<128x128xf32, #tpu.memory_space<vmem>>) offsets(%dma_start3A_184 : memref<128xi32, #tpu.memory_space<vmem>>) semaphore(%arg18 : memref<!tpu.dma_semaphore, #tpu.memory_space<semaphore_mem>>)
        } else {
        }
      } else {
      }
      %rem3A_113 = arith.constant 2 : i32
      %rem3A_114 = arith.remsi %while3A_81, %rem3A_113 : i32
      %eq3A_115 = arith.constant 0 : i32
      %eq3A_116 = arith.cmpi eq, %rem3A_114, %eq3A_115 : i32
      %convert_element_type3A_117 = arith.extui %eq3A_116 : i1 to i32
      %cond3A_118 = arith.constant 0 : i32
      %cond3A_119 = arith.cmpi ne, %convert_element_type3A_117, %cond3A_118 : i32
      scf.if %cond3A_119 {
        %dma_wait3A_138 = arith.constant 0 : i32
        %dma_wait3A_139 = arith.constant 0 : i32
        %dma_wait3A_140 = arith.constant 0 : i32
        %dma_wait3A_141 = tpu.memref_slice %arg11[%dma_wait3A_138, %dma_wait3A_139, %dma_wait3A_140] : memref<2x16x128xi32, #tpu.memory_space<vmem>> -> memref<1x1x128xi32, #tpu.memory_space<vmem>>
        %dma_wait3A_142 = tpu.memref_squeeze %dma_wait3A_141 : memref<1x1x128xi32, #tpu.memory_space<vmem>> -> memref<128xi32, #tpu.memory_space<vmem>>
        %dma_wait3A_143 = arith.constant 0 : i32
        %dma_wait3A_144 = arith.constant 0 : i32
        %dma_wait3A_145 = tpu.memref_slice %arg2[%dma_wait3A_143, %dma_wait3A_144] : memref<10112x128xf32, #tpu.memory_space<hbm>> -> memref<10112x128xf32, #tpu.memory_space<hbm>>
        tpu.wait_indirect_dma semaphore(%arg17 : memref<!tpu.dma_semaphore, #tpu.memory_space<semaphore_mem>>) src(%dma_wait3A_145 : memref<10112x128xf32, #tpu.memory_space<hbm>>) dst(%arg13 : memref<128x128xf32, #tpu.memory_space<vmem>>)
        "tpu.region"() ({
          %run_scoped3A_146 = tpu.sem_alloc : memref<!tpu.dma_semaphore, #tpu.memory_space<semaphore_mem>>
          %dma_start3A_147 = arith.constant 0 : i32
          %dma_start3A_148 = tpu.memref_slice %arg12[%rem3A_102, %rem3A_100, %dma_start3A_147] : memref<2x16x128xi32, #tpu.memory_space<vmem>> -> memref<1x1x128xi32, #tpu.memory_space<vmem>>
          %dma_start3A_149 = tpu.memref_squeeze %dma_start3A_148 : memref<1x1x128xi32, #tpu.memory_space<vmem>> -> memref<128xi32, #tpu.memory_space<vmem>>
          %dma_start3A_150 = arith.constant 0 : i32
          %dma_start3A_151 = arith.constant 0 : i32
          %dma_start3A_152 = tpu.memref_slice %arg16[%dma_start3A_150, %dma_start3A_151] : memref<10112x128xf32, #tpu.memory_space<vmem_shared>> -> memref<10112x128xf32, #tpu.memory_space<vmem_shared>>
          tpu.enqueue_indirect_dma source(%arg13 : memref<128x128xf32, #tpu.memory_space<vmem>>) target(%dma_start3A_152 : memref<10112x128xf32, #tpu.memory_space<vmem_shared>>) offsets(%dma_start3A_149 : memref<128xi32, #tpu.memory_space<vmem>>) semaphore(%run_scoped3A_146 : memref<!tpu.dma_semaphore, #tpu.memory_space<semaphore_mem>>) {add = true}
          %dma_wait3A_153 = arith.constant 0 : i32
          %dma_wait3A_154 = tpu.memref_slice %arg12[%rem3A_102, %rem3A_100, %dma_wait3A_153] : memref<2x16x128xi32, #tpu.memory_space<vmem>> -> memref<1x1x128xi32, #tpu.memory_space<vmem>>
          %dma_wait3A_155 = tpu.memref_squeeze %dma_wait3A_154 : memref<1x1x128xi32, #tpu.memory_space<vmem>> -> memref<128xi32, #tpu.memory_space<vmem>>
          %dma_wait3A_156 = arith.constant 0 : i32
          %dma_wait3A_157 = arith.constant 0 : i32
          %dma_wait3A_158 = tpu.memref_slice %arg16[%dma_wait3A_156, %dma_wait3A_157] : memref<10112x128xf32, #tpu.memory_space<vmem_shared>> -> memref<10112x128xf32, #tpu.memory_space<vmem_shared>>
          tpu.wait_indirect_dma semaphore(%run_scoped3A_146 : memref<!tpu.dma_semaphore, #tpu.memory_space<semaphore_mem>>) src(%arg13 : memref<128x128xf32, #tpu.memory_space<vmem>>) dst(%dma_wait3A_158 : memref<10112x128xf32, #tpu.memory_space<vmem_shared>>)
          tpu.yield
        }) : () -> ()
      } else {
      }
      %rem3A_120 = arith.constant 2 : i32
      %rem3A_121 = arith.remsi %while3A_81, %rem3A_120 : i32
      %eq3A_122 = arith.constant 1 : i32
      %eq3A_123 = arith.cmpi eq, %rem3A_121, %eq3A_122 : i32
      %convert_element_type3A_124 = arith.extui %eq3A_123 : i1 to i32
      %cond3A_125 = arith.constant 0 : i32
      %cond3A_126 = arith.cmpi ne, %convert_element_type3A_124, %cond3A_125 : i32
      scf.if %cond3A_126 {
        %dma_wait3A_138 = arith.constant 0 : i32
        %dma_wait3A_139 = arith.constant 0 : i32
        %dma_wait3A_140 = arith.constant 0 : i32
        %dma_wait3A_141 = tpu.memref_slice %arg11[%dma_wait3A_138, %dma_wait3A_139, %dma_wait3A_140] : memref<2x16x128xi32, #tpu.memory_space<vmem>> -> memref<1x1x128xi32, #tpu.memory_space<vmem>>
        %dma_wait3A_142 = tpu.memref_squeeze %dma_wait3A_141 : memref<1x1x128xi32, #tpu.memory_space<vmem>> -> memref<128xi32, #tpu.memory_space<vmem>>
        %dma_wait3A_143 = arith.constant 0 : i32
        %dma_wait3A_144 = arith.constant 0 : i32
        %dma_wait3A_145 = tpu.memref_slice %arg2[%dma_wait3A_143, %dma_wait3A_144] : memref<10112x128xf32, #tpu.memory_space<hbm>> -> memref<10112x128xf32, #tpu.memory_space<hbm>>
        tpu.wait_indirect_dma semaphore(%arg18 : memref<!tpu.dma_semaphore, #tpu.memory_space<semaphore_mem>>) src(%dma_wait3A_145 : memref<10112x128xf32, #tpu.memory_space<hbm>>) dst(%arg14 : memref<128x128xf32, #tpu.memory_space<vmem>>)
        "tpu.region"() ({
          %run_scoped3A_146 = tpu.sem_alloc : memref<!tpu.dma_semaphore, #tpu.memory_space<semaphore_mem>>
          %dma_start3A_147 = arith.constant 0 : i32
          %dma_start3A_148 = tpu.memref_slice %arg12[%rem3A_102, %rem3A_100, %dma_start3A_147] : memref<2x16x128xi32, #tpu.memory_space<vmem>> -> memref<1x1x128xi32, #tpu.memory_space<vmem>>
          %dma_start3A_149 = tpu.memref_squeeze %dma_start3A_148 : memref<1x1x128xi32, #tpu.memory_space<vmem>> -> memref<128xi32, #tpu.memory_space<vmem>>
          %dma_start3A_150 = arith.constant 0 : i32
          %dma_start3A_151 = arith.constant 0 : i32
          %dma_start3A_152 = tpu.memref_slice %arg16[%dma_start3A_150, %dma_start3A_151] : memref<10112x128xf32, #tpu.memory_space<vmem_shared>> -> memref<10112x128xf32, #tpu.memory_space<vmem_shared>>
          tpu.enqueue_indirect_dma source(%arg14 : memref<128x128xf32, #tpu.memory_space<vmem>>) target(%dma_start3A_152 : memref<10112x128xf32, #tpu.memory_space<vmem_shared>>) offsets(%dma_start3A_149 : memref<128xi32, #tpu.memory_space<vmem>>) semaphore(%run_scoped3A_146 : memref<!tpu.dma_semaphore, #tpu.memory_space<semaphore_mem>>) {add = true}
          %dma_wait3A_153 = arith.constant 0 : i32
          %dma_wait3A_154 = tpu.memref_slice %arg12[%rem3A_102, %rem3A_100, %dma_wait3A_153] : memref<2x16x128xi32, #tpu.memory_space<vmem>> -> memref<1x1x128xi32, #tpu.memory_space<vmem>>
          %dma_wait3A_155 = tpu.memref_squeeze %dma_wait3A_154 : memref<1x1x128xi32, #tpu.memory_space<vmem>> -> memref<128xi32, #tpu.memory_space<vmem>>
          %dma_wait3A_156 = arith.constant 0 : i32
          %dma_wait3A_157 = arith.constant 0 : i32
          %dma_wait3A_158 = tpu.memref_slice %arg16[%dma_wait3A_156, %dma_wait3A_157] : memref<10112x128xf32, #tpu.memory_space<vmem_shared>> -> memref<10112x128xf32, #tpu.memory_space<vmem_shared>>
          tpu.wait_indirect_dma semaphore(%run_scoped3A_146 : memref<!tpu.dma_semaphore, #tpu.memory_space<semaphore_mem>>) src(%arg14 : memref<128x128xf32, #tpu.memory_space<vmem>>) dst(%dma_wait3A_158 : memref<10112x128xf32, #tpu.memory_space<vmem_shared>>)
          tpu.yield
        }) : () -> ()
      } else {
      }
      %eq3A_127 = arith.constant 15 : i32
      %eq3A_128 = arith.cmpi eq, %rem3A_100, %eq3A_127 : i32
      %add3A_129 = arith.constant 16 : i32
      %add3A_130 = arith.addi %while3A_81, %add3A_129 : i32
      %add3A_131 = arith.constant 1 : i32
      %add3A_132 = arith.addi %add3A_130, %add3A_131 : i32
      %lt3A_133 = arith.cmpi slt, %add3A_132, %select_n3A_3 : i32
      %and3A_134 = arith.andi %eq3A_128, %lt3A_133 : i1
      %convert_element_type3A_135 = arith.extui %and3A_134 : i1 to i32
      %cond3A_136 = arith.constant 0 : i32
      %cond3A_137 = arith.cmpi ne, %convert_element_type3A_135, %cond3A_136 : i32
      scf.if %cond3A_137 {
        %add3A_138 = arith.constant 16 : i32
        %add3A_139 = arith.addi %while3A_81, %add3A_138 : i32
        %add3A_140 = arith.constant 1 : i32
        %add3A_141 = arith.addi %add3A_139, %add3A_140 : i32
        %jit3A_142 = arith.constant 16 : i32
        %div3A_143 = arith.divsi %add3A_141, %jit3A_142 : i32
        %sign3A_144 = arith.constant 0 : i32
        %sign3A_145 = arith.cmpi sgt, %add3A_141, %sign3A_144 : i32
        %sign3A_146 = arith.extui %sign3A_145 : i1 to i32
        %sign3A_147 = arith.constant 0 : i32
        %sign3A_148 = arith.cmpi slt, %add3A_141, %sign3A_147 : i32
        %sign3A_149 = arith.extui %sign3A_148 : i1 to i32
        %sign3A_150 = arith.subi %sign3A_146, %sign3A_149 : i32
        %sign3A_151 = arith.constant 0 : i32
        %sign3A_152 = arith.cmpi sgt, %jit3A_142, %sign3A_151 : i32
        %sign3A_153 = arith.extui %sign3A_152 : i1 to i32
        %sign3A_154 = arith.constant 0 : i32
        %sign3A_155 = arith.cmpi slt, %jit3A_142, %sign3A_154 : i32
        %sign3A_156 = arith.extui %sign3A_155 : i1 to i32
        %sign3A_157 = arith.subi %sign3A_153, %sign3A_156 : i32
        %ne3A_158 = arith.cmpi ne, %sign3A_150, %sign3A_157 : i32
        %rem3A_159 = arith.remsi %add3A_141, %jit3A_142 : i32
        %ne3A_160 = arith.constant 0 : i32
        %ne3A_161 = arith.cmpi ne, %rem3A_159, %ne3A_160 : i32
        %and3A_162 = arith.andi %ne3A_158, %ne3A_161 : i1
        %sub3A_163 = arith.constant 1 : i32
        %sub3A_164 = arith.subi %div3A_143, %sub3A_163 : i32
        %select_n3A_165 = arith.select %and3A_162, %sub3A_164, %div3A_143 : i32
        %mul3A_166 = arith.constant 16 : i32
        %mul3A_167 = arith.muli %select_n3A_165, %mul3A_166 : i32
        %add3A_168 = arith.addi %select_n3A_11, %mul3A_167 : i32
        %dma_start3A_169 = arith.constant 0 : i32
        %dma_start3A_170 = arith.constant 0 : i32
        %dma_start3A_171 = tpu.memref_slice %arg11[%rem3A_102, %dma_start3A_169, %dma_start3A_170] : memref<2x16x128xi32, #tpu.memory_space<vmem>> -> memref<1x16x128xi32, #tpu.memory_space<vmem>>
        %dma_start3A_172 = tpu.memref_squeeze %dma_start3A_171 : memref<1x16x128xi32, #tpu.memory_space<vmem>> -> memref<16x128xi32, #tpu.memory_space<vmem>>
        %dma_start3A_173 = arith.constant 0 : i32
        %dma_start3A_174 = tpu.memref_slice %arg3[%add3A_168, %dma_start3A_173] : memref<2560x128xi32, #tpu.memory_space<hbm>> -> memref<16x128xi32, #tpu.memory_space<hbm>>
        %dma_start3A_175 = arith.constant 0 : i32
        %dma_start3A_176 = arith.constant 0 : i32
        %dma_start3A_177 = tpu.memref_slice %arg11[%rem3A_102, %dma_start3A_175, %dma_start3A_176] : memref<2x16x128xi32, #tpu.memory_space<vmem>> -> memref<1x16x128xi32, #tpu.memory_space<vmem>>
        %dma_start3A_178 = tpu.memref_squeeze %dma_start3A_177 : memref<1x16x128xi32, #tpu.memory_space<vmem>> -> memref<16x128xi32, #tpu.memory_space<vmem>>
        %dma_start3A_179 = arith.constant 0 : i32
        %dma_start3A_180 = tpu.memref_slice %arg3[%add3A_168, %dma_start3A_179] : memref<2560x128xi32, #tpu.memory_space<hbm>> -> memref<16x128xi32, #tpu.memory_space<hbm>>
        tpu.enqueue_dma source(%dma_start3A_180 : memref<16x128xi32, #tpu.memory_space<hbm>>) target(%dma_start3A_178 : memref<16x128xi32, #tpu.memory_space<vmem>>) target_semaphore(%arg19 : memref<!tpu.dma_semaphore, #tpu.memory_space<semaphore_mem>>)
        %add3A_181 = arith.addi %select_n3A_11, %mul3A_167 : i32
        %dma_start3A_182 = arith.constant 0 : i32
        %dma_start3A_183 = arith.constant 0 : i32
        %dma_start3A_184 = tpu.memref_slice %arg12[%rem3A_102, %dma_start3A_182, %dma_start3A_183] : memref<2x16x128xi32, #tpu.memory_space<vmem>> -> memref<1x16x128xi32, #tpu.memory_space<vmem>>
        %dma_start3A_185 = tpu.memref_squeeze %dma_start3A_184 : memref<1x16x128xi32, #tpu.memory_space<vmem>> -> memref<16x128xi32, #tpu.memory_space<vmem>>
        %dma_start3A_186 = arith.constant 0 : i32
        %dma_start3A_187 = tpu.memref_slice %arg4[%add3A_181, %dma_start3A_186] : memref<2560x128xi32, #tpu.memory_space<hbm>> -> memref<16x128xi32, #tpu.memory_space<hbm>>
        %dma_start3A_188 = arith.constant 0 : i32
        %dma_start3A_189 = arith.constant 0 : i32
        %dma_start3A_190 = tpu.memref_slice %arg12[%rem3A_102, %dma_start3A_188, %dma_start3A_189] : memref<2x16x128xi32, #tpu.memory_space<vmem>> -> memref<1x16x128xi32, #tpu.memory_space<vmem>>
        %dma_start3A_191 = tpu.memref_squeeze %dma_start3A_190 : memref<1x16x128xi32, #tpu.memory_space<vmem>> -> memref<16x128xi32, #tpu.memory_space<vmem>>
        %dma_start3A_192 = arith.constant 0 : i32
        %dma_start3A_193 = tpu.memref_slice %arg4[%add3A_181, %dma_start3A_192] : memref<2560x128xi32, #tpu.memory_space<hbm>> -> memref<16x128xi32, #tpu.memory_space<hbm>>
        tpu.enqueue_dma source(%dma_start3A_193 : memref<16x128xi32, #tpu.memory_space<hbm>>) target(%dma_start3A_191 : memref<16x128xi32, #tpu.memory_space<vmem>>) target_semaphore(%arg19 : memref<!tpu.dma_semaphore, #tpu.memory_space<semaphore_mem>>)
      } else {
      }
    }
    %barrier3A_59 = arith.constant 0 : index
    tpu.barrier barrier_id(%barrier3A_59)
    %mul3A_60 = arith.constant 64 : i32
    %mul3A_61 = arith.muli %arg1, %mul3A_60 : i32
    "tpu.region"() ({
      %run_scoped3A_81 = tpu.sem_alloc : memref<!tpu.dma_semaphore, #tpu.memory_space<semaphore_mem>>
      %dma_start3A_82 = arith.constant 0 : i32
      %dma_start3A_83 = tpu.memref_slice %arg7[%arg1, %dma_start3A_82] : memref<16x64xi32, #tpu.memory_space<hbm>> -> memref<1x64xi32, #tpu.memory_space<hbm>>
      %dma_start3A_84 = tpu.memref_squeeze %dma_start3A_83 : memref<1x64xi32, #tpu.memory_space<hbm>> -> memref<64xi32, #tpu.memory_space<hbm>>
      %dma_start3A_85 = arith.constant 0 : i32
      %dma_start3A_86 = tpu.memref_slice %arg7[%arg1, %dma_start3A_85] : memref<16x64xi32, #tpu.memory_space<hbm>> -> memref<1x64xi32, #tpu.memory_space<hbm>>
      %dma_start3A_87 = tpu.memref_squeeze %dma_start3A_86 : memref<1x64xi32, #tpu.memory_space<hbm>> -> memref<64xi32, #tpu.memory_space<hbm>>
      tpu.enqueue_dma source(%dma_start3A_87 : memref<64xi32, #tpu.memory_space<hbm>>) target(%arg15 : memref<64xi32, #tpu.memory_space<vmem>>) target_semaphore(%run_scoped3A_81 : memref<!tpu.dma_semaphore, #tpu.memory_space<semaphore_mem>>)
      %dma_wait3A_88 = arith.constant 0 : i32
      %dma_wait3A_89 = tpu.memref_slice %arg7[%arg1, %dma_wait3A_88] : memref<16x64xi32, #tpu.memory_space<hbm>> -> memref<1x64xi32, #tpu.memory_space<hbm>>
      %dma_wait3A_90 = tpu.memref_squeeze %dma_wait3A_89 : memref<1x64xi32, #tpu.memory_space<hbm>> -> memref<64xi32, #tpu.memory_space<hbm>>
      %dma_wait3A_91 = arith.constant 0 : i32
      %dma_wait3A_92 = tpu.memref_slice %arg7[%arg1, %dma_wait3A_91] : memref<16x64xi32, #tpu.memory_space<hbm>> -> memref<1x64xi32, #tpu.memory_space<hbm>>
      %dma_wait3A_93 = tpu.memref_squeeze %dma_wait3A_92 : memref<1x64xi32, #tpu.memory_space<hbm>> -> memref<64xi32, #tpu.memory_space<hbm>>
      tpu.wait_dma2 semaphore(%run_scoped3A_81 : memref<!tpu.dma_semaphore, #tpu.memory_space<semaphore_mem>>) src(%dma_wait3A_93 : memref<64xi32, #tpu.memory_space<hbm>>) dst(%arg15 : memref<64xi32, #tpu.memory_space<vmem>>)
      tpu.yield
    }) : () -> ()
    %dma_start3A_62 = arith.constant 0 : i32
    %dma_start3A_63 = arith.constant 0 : i32
    %dma_start3A_64 = tpu.memref_slice %arg13[%dma_start3A_62, %dma_start3A_63] : memref<128x128xf32, #tpu.memory_space<vmem>> -> memref<64x128xf32, #tpu.memory_space<vmem>>
    %dma_start3A_65 = arith.constant 0 : i32
    %dma_start3A_66 = arith.constant 0 : i32
    %dma_start3A_67 = tpu.memref_slice %arg16[%dma_start3A_65, %dma_start3A_66] : memref<10112x128xf32, #tpu.memory_space<vmem_shared>> -> memref<10112x128xf32, #tpu.memory_space<vmem_shared>>
    tpu.enqueue_indirect_dma source(%dma_start3A_67 : memref<10112x128xf32, #tpu.memory_space<vmem_shared>>) target(%dma_start3A_64 : memref<64x128xf32, #tpu.memory_space<vmem>>) offsets(%arg15 : memref<64xi32, #tpu.memory_space<vmem>>) semaphore(%arg17 : memref<!tpu.dma_semaphore, #tpu.memory_space<semaphore_mem>>)
    %dma_wait3A = arith.constant 0 : i32
    %dma_wait3A_68 = arith.constant 0 : i32
    %dma_wait3A_69 = tpu.memref_slice %arg13[%dma_wait3A, %dma_wait3A_68] : memref<128x128xf32, #tpu.memory_space<vmem>> -> memref<64x128xf32, #tpu.memory_space<vmem>>
    %dma_wait3A_70 = arith.constant 0 : i32
    %dma_wait3A_71 = arith.constant 0 : i32
    %dma_wait3A_72 = tpu.memref_slice %arg16[%dma_wait3A_70, %dma_wait3A_71] : memref<10112x128xf32, #tpu.memory_space<vmem_shared>> -> memref<10112x128xf32, #tpu.memory_space<vmem_shared>>
    tpu.wait_indirect_dma semaphore(%arg17 : memref<!tpu.dma_semaphore, #tpu.memory_space<semaphore_mem>>) src(%dma_wait3A_72 : memref<10112x128xf32, #tpu.memory_space<vmem_shared>>) dst(%dma_wait3A_69 : memref<64x128xf32, #tpu.memory_space<vmem>>)
    "tpu.region"() ({
      %run_scoped3A_81 = tpu.sem_alloc : memref<!tpu.dma_semaphore, #tpu.memory_space<semaphore_mem>>
      %dma_start3A_82 = arith.constant 0 : i32
      %dma_start3A_83 = arith.constant 0 : i32
      %dma_start3A_84 = tpu.memref_slice %arg13[%dma_start3A_82, %dma_start3A_83] : memref<128x128xf32, #tpu.memory_space<vmem>> -> memref<64x128xf32, #tpu.memory_space<vmem>>
      %dma_start3A_85 = arith.constant 0 : i32
      %dma_start3A_86 = tpu.memref_slice %arg8[%arg0, %mul3A_61, %dma_start3A_85] : memref<2x1024x128xf32, #tpu.memory_space<hbm>> -> memref<1x64x128xf32, #tpu.memory_space<hbm>>
      %dma_start3A_87 = tpu.memref_squeeze %dma_start3A_86 : memref<1x64x128xf32, #tpu.memory_space<hbm>> -> memref<64x128xf32, #tpu.memory_space<hbm>>
      %dma_start3A_88 = arith.constant 0 : i32
      %dma_start3A_89 = tpu.memref_slice %arg8[%arg0, %mul3A_61, %dma_start3A_88] : memref<2x1024x128xf32, #tpu.memory_space<hbm>> -> memref<1x64x128xf32, #tpu.memory_space<hbm>>
      %dma_start3A_90 = tpu.memref_squeeze %dma_start3A_89 : memref<1x64x128xf32, #tpu.memory_space<hbm>> -> memref<64x128xf32, #tpu.memory_space<hbm>>
      %dma_start3A_91 = arith.constant 0 : i32
      %dma_start3A_92 = arith.constant 0 : i32
      %dma_start3A_93 = tpu.memref_slice %arg13[%dma_start3A_91, %dma_start3A_92] : memref<128x128xf32, #tpu.memory_space<vmem>> -> memref<64x128xf32, #tpu.memory_space<vmem>>
      tpu.enqueue_dma source(%dma_start3A_93 : memref<64x128xf32, #tpu.memory_space<vmem>>) target(%dma_start3A_90 : memref<64x128xf32, #tpu.memory_space<hbm>>) target_semaphore(%run_scoped3A_81 : memref<!tpu.dma_semaphore, #tpu.memory_space<semaphore_mem>>)
      %dma_wait3A_94 = arith.constant 0 : i32
      %dma_wait3A_95 = arith.constant 0 : i32
      %dma_wait3A_96 = tpu.memref_slice %arg13[%dma_wait3A_94, %dma_wait3A_95] : memref<128x128xf32, #tpu.memory_space<vmem>> -> memref<64x128xf32, #tpu.memory_space<vmem>>
      %dma_wait3A_97 = arith.constant 0 : i32
      %dma_wait3A_98 = tpu.memref_slice %arg8[%arg0, %mul3A_61, %dma_wait3A_97] : memref<2x1024x128xf32, #tpu.memory_space<hbm>> -> memref<1x64x128xf32, #tpu.memory_space<hbm>>
      %dma_wait3A_99 = tpu.memref_squeeze %dma_wait3A_98 : memref<1x64x128xf32, #tpu.memory_space<hbm>> -> memref<64x128xf32, #tpu.memory_space<hbm>>
      %dma_wait3A_100 = arith.constant 0 : i32
      %dma_wait3A_101 = tpu.memref_slice %arg8[%arg0, %mul3A_61, %dma_wait3A_100] : memref<2x1024x128xf32, #tpu.memory_space<hbm>> -> memref<1x64x128xf32, #tpu.memory_space<hbm>>
      %dma_wait3A_102 = tpu.memref_squeeze %dma_wait3A_101 : memref<1x64x128xf32, #tpu.memory_space<hbm>> -> memref<64x128xf32, #tpu.memory_space<hbm>>
      %dma_wait3A_103 = arith.constant 0 : i32
      %dma_wait3A_104 = arith.constant 0 : i32
      %dma_wait3A_105 = tpu.memref_slice %arg13[%dma_wait3A_103, %dma_wait3A_104] : memref<128x128xf32, #tpu.memory_space<vmem>> -> memref<64x128xf32, #tpu.memory_space<vmem>>
      tpu.wait_dma2 semaphore(%run_scoped3A_81 : memref<!tpu.dma_semaphore, #tpu.memory_space<semaphore_mem>>) src(%dma_wait3A_105 : memref<64x128xf32, #tpu.memory_space<vmem>>) dst(%dma_wait3A_102 : memref<64x128xf32, #tpu.memory_space<hbm>>)
      tpu.yield
    }) : () -> ()
    %eq3A_73 = arith.constant 0 : i32
    %eq3A_74 = arith.cmpi eq, %arg0, %eq3A_73 : i32
    %convert_element_type3A = arith.extui %eq3A_74 : i1 to i32
    %cond3A = arith.constant 0 : i32
    %cond3A_75 = arith.cmpi ne, %convert_element_type3A, %cond3A : i32
    scf.if %cond3A_75 {
      %dma_start3A_81 = arith.constant 0 : i32
      %dma_start3A_82 = arith.constant 0 : i32
      %dma_start3A_83 = tpu.memref_slice %arg13[%dma_start3A_81, %dma_start3A_82] : memref<128x128xf32, #tpu.memory_space<vmem>> -> memref<64x128xf32, #tpu.memory_space<vmem>>
      %dma_start3A_84 = arith.constant 0 : i32
      %dma_start3A_85 = arith.constant 0 : i32
      %dma_start3A_86 = tpu.memref_slice %arg2[%dma_start3A_84, %dma_start3A_85] : memref<10112x128xf32, #tpu.memory_space<hbm>> -> memref<10112x128xf32, #tpu.memory_space<hbm>>
      tpu.enqueue_indirect_dma source(%dma_start3A_86 : memref<10112x128xf32, #tpu.memory_space<hbm>>) target(%dma_start3A_83 : memref<64x128xf32, #tpu.memory_space<vmem>>) offsets(%arg15 : memref<64xi32, #tpu.memory_space<vmem>>) semaphore(%arg17 : memref<!tpu.dma_semaphore, #tpu.memory_space<semaphore_mem>>)
      %dma_wait3A_87 = arith.constant 0 : i32
      %dma_wait3A_88 = arith.constant 0 : i32
      %dma_wait3A_89 = tpu.memref_slice %arg13[%dma_wait3A_87, %dma_wait3A_88] : memref<128x128xf32, #tpu.memory_space<vmem>> -> memref<64x128xf32, #tpu.memory_space<vmem>>
      %dma_wait3A_90 = arith.constant 0 : i32
      %dma_wait3A_91 = arith.constant 0 : i32
      %dma_wait3A_92 = tpu.memref_slice %arg2[%dma_wait3A_90, %dma_wait3A_91] : memref<10112x128xf32, #tpu.memory_space<hbm>> -> memref<10112x128xf32, #tpu.memory_space<hbm>>
      tpu.wait_indirect_dma semaphore(%arg17 : memref<!tpu.dma_semaphore, #tpu.memory_space<semaphore_mem>>) src(%dma_wait3A_92 : memref<10112x128xf32, #tpu.memory_space<hbm>>) dst(%dma_wait3A_89 : memref<64x128xf32, #tpu.memory_space<vmem>>)
      "tpu.region"() ({
        %run_scoped3A_93 = tpu.sem_alloc : memref<!tpu.dma_semaphore, #tpu.memory_space<semaphore_mem>>
        %dma_start3A_94 = arith.constant 0 : i32
        %dma_start3A_95 = arith.constant 0 : i32
        %dma_start3A_96 = tpu.memref_slice %arg13[%dma_start3A_94, %dma_start3A_95] : memref<128x128xf32, #tpu.memory_space<vmem>> -> memref<64x128xf32, #tpu.memory_space<vmem>>
        %dma_start3A_97 = arith.constant 0 : i32
        %dma_start3A_98 = tpu.memref_slice %arg9[%mul3A_61, %dma_start3A_97] : memref<1024x128xf32, #tpu.memory_space<hbm>> -> memref<64x128xf32, #tpu.memory_space<hbm>>
        %dma_start3A_99 = arith.constant 0 : i32
        %dma_start3A_100 = tpu.memref_slice %arg9[%mul3A_61, %dma_start3A_99] : memref<1024x128xf32, #tpu.memory_space<hbm>> -> memref<64x128xf32, #tpu.memory_space<hbm>>
        %dma_start3A_101 = arith.constant 0 : i32
        %dma_start3A_102 = arith.constant 0 : i32
        %dma_start3A_103 = tpu.memref_slice %arg13[%dma_start3A_101, %dma_start3A_102] : memref<128x128xf32, #tpu.memory_space<vmem>> -> memref<64x128xf32, #tpu.memory_space<vmem>>
        tpu.enqueue_dma source(%dma_start3A_103 : memref<64x128xf32, #tpu.memory_space<vmem>>) target(%dma_start3A_100 : memref<64x128xf32, #tpu.memory_space<hbm>>) target_semaphore(%run_scoped3A_93 : memref<!tpu.dma_semaphore, #tpu.memory_space<semaphore_mem>>)
        %dma_wait3A_104 = arith.constant 0 : i32
        %dma_wait3A_105 = arith.constant 0 : i32
        %dma_wait3A_106 = tpu.memref_slice %arg13[%dma_wait3A_104, %dma_wait3A_105] : memref<128x128xf32, #tpu.memory_space<vmem>> -> memref<64x128xf32, #tpu.memory_space<vmem>>
        %dma_wait3A_107 = arith.constant 0 : i32
        %dma_wait3A_108 = tpu.memref_slice %arg9[%mul3A_61, %dma_wait3A_107] : memref<1024x128xf32, #tpu.memory_space<hbm>> -> memref<64x128xf32, #tpu.memory_space<hbm>>
        %dma_wait3A_109 = arith.constant 0 : i32
        %dma_wait3A_110 = tpu.memref_slice %arg9[%mul3A_61, %dma_wait3A_109] : memref<1024x128xf32, #tpu.memory_space<hbm>> -> memref<64x128xf32, #tpu.memory_space<hbm>>
        %dma_wait3A_111 = arith.constant 0 : i32
        %dma_wait3A_112 = arith.constant 0 : i32
        %dma_wait3A_113 = tpu.memref_slice %arg13[%dma_wait3A_111, %dma_wait3A_112] : memref<128x128xf32, #tpu.memory_space<vmem>> -> memref<64x128xf32, #tpu.memory_space<vmem>>
        tpu.wait_dma2 semaphore(%run_scoped3A_93 : memref<!tpu.dma_semaphore, #tpu.memory_space<semaphore_mem>>) src(%dma_wait3A_113 : memref<64x128xf32, #tpu.memory_space<vmem>>) dst(%dma_wait3A_110 : memref<64x128xf32, #tpu.memory_space<hbm>>)
        tpu.yield
      }) : () -> ()
    } else {
    }
    %eq3A_76 = arith.constant 1 : i32
    %eq3A_77 = arith.cmpi eq, %arg0, %eq3A_76 : i32
    %convert_element_type3A_78 = arith.extui %eq3A_77 : i1 to i32
    %cond3A_79 = arith.constant 0 : i32
    %cond3A_80 = arith.cmpi ne, %convert_element_type3A_78, %cond3A_79 : i32
    scf.if %cond3A_80 {
      %dma_start3A_81 = arith.constant 0 : i32
      %dma_start3A_82 = arith.constant 0 : i32
      %dma_start3A_83 = tpu.memref_slice %arg13[%dma_start3A_81, %dma_start3A_82] : memref<128x128xf32, #tpu.memory_space<vmem>> -> memref<64x128xf32, #tpu.memory_space<vmem>>
      %dma_start3A_84 = arith.constant 0 : i32
      %dma_start3A_85 = arith.constant 0 : i32
      %dma_start3A_86 = tpu.memref_slice %arg6[%dma_start3A_84, %dma_start3A_85] : memref<10112x128xf32, #tpu.memory_space<hbm>> -> memref<10112x128xf32, #tpu.memory_space<hbm>>
      tpu.enqueue_indirect_dma source(%dma_start3A_86 : memref<10112x128xf32, #tpu.memory_space<hbm>>) target(%dma_start3A_83 : memref<64x128xf32, #tpu.memory_space<vmem>>) offsets(%arg15 : memref<64xi32, #tpu.memory_space<vmem>>) semaphore(%arg17 : memref<!tpu.dma_semaphore, #tpu.memory_space<semaphore_mem>>)
      %dma_wait3A_87 = arith.constant 0 : i32
      %dma_wait3A_88 = arith.constant 0 : i32
      %dma_wait3A_89 = tpu.memref_slice %arg13[%dma_wait3A_87, %dma_wait3A_88] : memref<128x128xf32, #tpu.memory_space<vmem>> -> memref<64x128xf32, #tpu.memory_space<vmem>>
      %dma_wait3A_90 = arith.constant 0 : i32
      %dma_wait3A_91 = arith.constant 0 : i32
      %dma_wait3A_92 = tpu.memref_slice %arg6[%dma_wait3A_90, %dma_wait3A_91] : memref<10112x128xf32, #tpu.memory_space<hbm>> -> memref<10112x128xf32, #tpu.memory_space<hbm>>
      tpu.wait_indirect_dma semaphore(%arg17 : memref<!tpu.dma_semaphore, #tpu.memory_space<semaphore_mem>>) src(%dma_wait3A_92 : memref<10112x128xf32, #tpu.memory_space<hbm>>) dst(%dma_wait3A_89 : memref<64x128xf32, #tpu.memory_space<vmem>>)
      "tpu.region"() ({
        %run_scoped3A_93 = tpu.sem_alloc : memref<!tpu.dma_semaphore, #tpu.memory_space<semaphore_mem>>
        %dma_start3A_94 = arith.constant 0 : i32
        %dma_start3A_95 = arith.constant 0 : i32
        %dma_start3A_96 = tpu.memref_slice %arg13[%dma_start3A_94, %dma_start3A_95] : memref<128x128xf32, #tpu.memory_space<vmem>> -> memref<64x128xf32, #tpu.memory_space<vmem>>
        %dma_start3A_97 = arith.constant 0 : i32
        %dma_start3A_98 = tpu.memref_slice %arg10[%mul3A_61, %dma_start3A_97] : memref<1024x128xf32, #tpu.memory_space<hbm>> -> memref<64x128xf32, #tpu.memory_space<hbm>>
        %dma_start3A_99 = arith.constant 0 : i32
        %dma_start3A_100 = tpu.memref_slice %arg10[%mul3A_61, %dma_start3A_99] : memref<1024x128xf32, #tpu.memory_space<hbm>> -> memref<64x128xf32, #tpu.memory_space<hbm>>
        %dma_start3A_101 = arith.constant 0 : i32
        %dma_start3A_102 = arith.constant 0 : i32
        %dma_start3A_103 = tpu.memref_slice %arg13[%dma_start3A_101, %dma_start3A_102] : memref<128x128xf32, #tpu.memory_space<vmem>> -> memref<64x128xf32, #tpu.memory_space<vmem>>
        tpu.enqueue_dma source(%dma_start3A_103 : memref<64x128xf32, #tpu.memory_space<vmem>>) target(%dma_start3A_100 : memref<64x128xf32, #tpu.memory_space<hbm>>) target_semaphore(%run_scoped3A_93 : memref<!tpu.dma_semaphore, #tpu.memory_space<semaphore_mem>>)
        %dma_wait3A_104 = arith.constant 0 : i32
        %dma_wait3A_105 = arith.constant 0 : i32
        %dma_wait3A_106 = tpu.memref_slice %arg13[%dma_wait3A_104, %dma_wait3A_105] : memref<128x128xf32, #tpu.memory_space<vmem>> -> memref<64x128xf32, #tpu.memory_space<vmem>>
        %dma_wait3A_107 = arith.constant 0 : i32
        %dma_wait3A_108 = tpu.memref_slice %arg10[%mul3A_61, %dma_wait3A_107] : memref<1024x128xf32, #tpu.memory_space<hbm>> -> memref<64x128xf32, #tpu.memory_space<hbm>>
        %dma_wait3A_109 = arith.constant 0 : i32
        %dma_wait3A_110 = tpu.memref_slice %arg10[%mul3A_61, %dma_wait3A_109] : memref<1024x128xf32, #tpu.memory_space<hbm>> -> memref<64x128xf32, #tpu.memory_space<hbm>>
        %dma_wait3A_111 = arith.constant 0 : i32
        %dma_wait3A_112 = arith.constant 0 : i32
        %dma_wait3A_113 = tpu.memref_slice %arg13[%dma_wait3A_111, %dma_wait3A_112] : memref<128x128xf32, #tpu.memory_space<vmem>> -> memref<64x128xf32, #tpu.memory_space<vmem>>
        tpu.wait_dma2 semaphore(%run_scoped3A_93 : memref<!tpu.dma_semaphore, #tpu.memory_space<semaphore_mem>>) src(%dma_wait3A_113 : memref<64x128xf32, #tpu.memory_space<vmem>>) dst(%dma_wait3A_110 : memref<64x128xf32, #tpu.memory_space<hbm>>)
        tpu.yield
      }) : () -> ()
    } else {
    }
    return
  }
}

#map = affine_map<(d0, d1) -> (0, 0)>
#map1 = affine_map<(d0, d1) -> (0, 0, 0)>
module attributes {stable_mosaic.version = 14 : i64} {
  func.func @_sc_segsum(%arg0: i32, %arg1: i32, %arg2: memref<10112x128xf32, #tpu.memory_space<hbm>>, %arg3: memref<2560x128xi32, #tpu.memory_space<hbm>>, %arg4: memref<2560x128xi32, #tpu.memory_space<hbm>>, %arg5: memref<10112x128xf32, #tpu.memory_space<hbm>>, %arg6: memref<2x10112x128xf32, #tpu.memory_space<hbm>>, %arg7: memref<2x16x128xi32, #tpu.memory_space<vmem>>, %arg8: memref<2x16x128xi32, #tpu.memory_space<vmem>>, %arg9: memref<128x128xf32, #tpu.memory_space<vmem>>, %arg10: memref<128x128xf32, #tpu.memory_space<vmem>>, %arg11: memref<10112x128xf32, #tpu.memory_space<vmem_shared>>, %arg12: memref<!tpu.dma_semaphore, #tpu.memory_space<semaphore_mem>>, %arg13: memref<!tpu.dma_semaphore, #tpu.memory_space<semaphore_mem>>, %arg14: memref<!tpu.dma_semaphore, #tpu.memory_space<semaphore_mem>>) attributes {dimension_semantics = [#tpu.dimension_semantics<core_parallel>, #tpu.dimension_semantics<subcore_parallel>], iteration_bounds = array<i64: 2, 16>, scalar_prefetch = 0 : i64, scratch_operands = 8 : i64, tpu.core_type = #tpu.core_type<sc_vector_subcore>, window_params = [{transform_indices = #map}, {transform_indices = #map}, {transform_indices = #map}, {transform_indices = #map}, {transform_indices = #map1}]} {
    %mul3A = arith.constant 632 : i32
    %mul3A_0 = arith.muli %arg1, %mul3A : i32
    %eq3A = arith.constant 0 : i32
    %eq3A_1 = arith.cmpi eq, %arg0, %eq3A : i32
    %select_n3A = arith.constant 80 : i32
    %select_n3A_2 = arith.constant 80 : i32
    %select_n3A_3 = arith.select %eq3A_1, %select_n3A_2, %select_n3A : i32
    %eq3A_4 = arith.constant 0 : i32
    %eq3A_5 = arith.cmpi eq, %arg0, %eq3A_4 : i32
    %mul3A_6 = arith.constant 80 : i32
    %mul3A_7 = arith.muli %arg1, %mul3A_6 : i32
    %mul3A_8 = arith.constant 80 : i32
    %mul3A_9 = arith.muli %arg1, %mul3A_8 : i32
    %add3A = arith.constant 1280 : i32
    %add3A_10 = arith.addi %add3A, %mul3A_9 : i32
    %select_n3A_11 = arith.select %eq3A_5, %mul3A_7, %add3A_10 : i32
    "tpu.region"() ({
      %run_scoped3A_60 = tpu.sem_alloc : memref<!tpu.dma_semaphore, #tpu.memory_space<semaphore_mem>>
      %dma_start3A_61 = arith.constant 0 : i32
      %dma_start3A_62 = tpu.memref_slice %arg11[%mul3A_0, %dma_start3A_61] : memref<10112x128xf32, #tpu.memory_space<vmem_shared>> -> memref<632x128xf32, #tpu.memory_space<vmem_shared>>
      %dma_start3A_63 = arith.constant 0 : i32
      %dma_start3A_64 = tpu.memref_slice %arg5[%mul3A_0, %dma_start3A_63] : memref<10112x128xf32, #tpu.memory_space<hbm>> -> memref<632x128xf32, #tpu.memory_space<hbm>>
      tpu.enqueue_dma source(%dma_start3A_64 : memref<632x128xf32, #tpu.memory_space<hbm>>) target(%dma_start3A_62 : memref<632x128xf32, #tpu.memory_space<vmem_shared>>) target_semaphore(%run_scoped3A_60 : memref<!tpu.dma_semaphore, #tpu.memory_space<semaphore_mem>>)
      %dma_wait3A = arith.constant 0 : i32
      %dma_wait3A_65 = tpu.memref_slice %arg11[%mul3A_0, %dma_wait3A] : memref<10112x128xf32, #tpu.memory_space<vmem_shared>> -> memref<632x128xf32, #tpu.memory_space<vmem_shared>>
      %dma_wait3A_66 = arith.constant 0 : i32
      %dma_wait3A_67 = tpu.memref_slice %arg5[%mul3A_0, %dma_wait3A_66] : memref<10112x128xf32, #tpu.memory_space<hbm>> -> memref<632x128xf32, #tpu.memory_space<hbm>>
      tpu.wait_dma2 semaphore(%run_scoped3A_60 : memref<!tpu.dma_semaphore, #tpu.memory_space<semaphore_mem>>) src(%dma_wait3A_67 : memref<632x128xf32, #tpu.memory_space<hbm>>) dst(%dma_wait3A_65 : memref<632x128xf32, #tpu.memory_space<vmem_shared>>)
      tpu.yield
    }) : () -> ()
    %run_scoped3A = arith.constant 0 : i32
    "tpu.region"() ({
      %run_scoped3A_60 = tpu.sem_alloc : memref<!tpu.dma_semaphore, #tpu.memory_space<semaphore_mem>>
      %dma_start3A_61 = arith.constant 0 : i32
      %dma_start3A_62 = arith.constant 0 : i32
      %dma_start3A_63 = tpu.memref_slice %arg7[%run_scoped3A, %dma_start3A_61, %dma_start3A_62] : memref<2x16x128xi32, #tpu.memory_space<vmem>> -> memref<1x16x128xi32, #tpu.memory_space<vmem>>
      %dma_start3A_64 = tpu.memref_squeeze %dma_start3A_63 : memref<1x16x128xi32, #tpu.memory_space<vmem>> -> memref<16x128xi32, #tpu.memory_space<vmem>>
      %dma_start3A_65 = arith.constant 0 : i32
      %dma_start3A_66 = tpu.memref_slice %arg3[%select_n3A_11, %dma_start3A_65] : memref<2560x128xi32, #tpu.memory_space<hbm>> -> memref<16x128xi32, #tpu.memory_space<hbm>>
      %dma_start3A_67 = arith.constant 0 : i32
      %dma_start3A_68 = arith.constant 0 : i32
      %dma_start3A_69 = tpu.memref_slice %arg7[%run_scoped3A, %dma_start3A_67, %dma_start3A_68] : memref<2x16x128xi32, #tpu.memory_space<vmem>> -> memref<1x16x128xi32, #tpu.memory_space<vmem>>
      %dma_start3A_70 = tpu.memref_squeeze %dma_start3A_69 : memref<1x16x128xi32, #tpu.memory_space<vmem>> -> memref<16x128xi32, #tpu.memory_space<vmem>>
      %dma_start3A_71 = arith.constant 0 : i32
      %dma_start3A_72 = tpu.memref_slice %arg3[%select_n3A_11, %dma_start3A_71] : memref<2560x128xi32, #tpu.memory_space<hbm>> -> memref<16x128xi32, #tpu.memory_space<hbm>>
      tpu.enqueue_dma source(%dma_start3A_72 : memref<16x128xi32, #tpu.memory_space<hbm>>) target(%dma_start3A_70 : memref<16x128xi32, #tpu.memory_space<vmem>>) target_semaphore(%run_scoped3A_60 : memref<!tpu.dma_semaphore, #tpu.memory_space<semaphore_mem>>)
      %dma_wait3A = arith.constant 0 : i32
      %dma_wait3A_73 = arith.constant 0 : i32
      %dma_wait3A_74 = tpu.memref_slice %arg7[%run_scoped3A, %dma_wait3A, %dma_wait3A_73] : memref<2x16x128xi32, #tpu.memory_space<vmem>> -> memref<1x16x128xi32, #tpu.memory_space<vmem>>
      %dma_wait3A_75 = tpu.memref_squeeze %dma_wait3A_74 : memref<1x16x128xi32, #tpu.memory_space<vmem>> -> memref<16x128xi32, #tpu.memory_space<vmem>>
      %dma_wait3A_76 = arith.constant 0 : i32
      %dma_wait3A_77 = tpu.memref_slice %arg3[%select_n3A_11, %dma_wait3A_76] : memref<2560x128xi32, #tpu.memory_space<hbm>> -> memref<16x128xi32, #tpu.memory_space<hbm>>
      %dma_wait3A_78 = arith.constant 0 : i32
      %dma_wait3A_79 = arith.constant 0 : i32
      %dma_wait3A_80 = tpu.memref_slice %arg7[%run_scoped3A, %dma_wait3A_78, %dma_wait3A_79] : memref<2x16x128xi32, #tpu.memory_space<vmem>> -> memref<1x16x128xi32, #tpu.memory_space<vmem>>
      %dma_wait3A_81 = tpu.memref_squeeze %dma_wait3A_80 : memref<1x16x128xi32, #tpu.memory_space<vmem>> -> memref<16x128xi32, #tpu.memory_space<vmem>>
      %dma_wait3A_82 = arith.constant 0 : i32
      %dma_wait3A_83 = tpu.memref_slice %arg3[%select_n3A_11, %dma_wait3A_82] : memref<2560x128xi32, #tpu.memory_space<hbm>> -> memref<16x128xi32, #tpu.memory_space<hbm>>
      tpu.wait_dma2 semaphore(%run_scoped3A_60 : memref<!tpu.dma_semaphore, #tpu.memory_space<semaphore_mem>>) src(%dma_wait3A_83 : memref<16x128xi32, #tpu.memory_space<hbm>>) dst(%dma_wait3A_81 : memref<16x128xi32, #tpu.memory_space<vmem>>)
      tpu.yield
    }) : () -> ()
    %run_scoped3A_12 = arith.constant 0 : i32
    "tpu.region"() ({
      %run_scoped3A_60 = tpu.sem_alloc : memref<!tpu.dma_semaphore, #tpu.memory_space<semaphore_mem>>
      %dma_start3A_61 = arith.constant 0 : i32
      %dma_start3A_62 = arith.constant 0 : i32
      %dma_start3A_63 = tpu.memref_slice %arg8[%run_scoped3A_12, %dma_start3A_61, %dma_start3A_62] : memref<2x16x128xi32, #tpu.memory_space<vmem>> -> memref<1x16x128xi32, #tpu.memory_space<vmem>>
      %dma_start3A_64 = tpu.memref_squeeze %dma_start3A_63 : memref<1x16x128xi32, #tpu.memory_space<vmem>> -> memref<16x128xi32, #tpu.memory_space<vmem>>
      %dma_start3A_65 = arith.constant 0 : i32
      %dma_start3A_66 = tpu.memref_slice %arg4[%select_n3A_11, %dma_start3A_65] : memref<2560x128xi32, #tpu.memory_space<hbm>> -> memref<16x128xi32, #tpu.memory_space<hbm>>
      %dma_start3A_67 = arith.constant 0 : i32
      %dma_start3A_68 = arith.constant 0 : i32
      %dma_start3A_69 = tpu.memref_slice %arg8[%run_scoped3A_12, %dma_start3A_67, %dma_start3A_68] : memref<2x16x128xi32, #tpu.memory_space<vmem>> -> memref<1x16x128xi32, #tpu.memory_space<vmem>>
      %dma_start3A_70 = tpu.memref_squeeze %dma_start3A_69 : memref<1x16x128xi32, #tpu.memory_space<vmem>> -> memref<16x128xi32, #tpu.memory_space<vmem>>
      %dma_start3A_71 = arith.constant 0 : i32
      %dma_start3A_72 = tpu.memref_slice %arg4[%select_n3A_11, %dma_start3A_71] : memref<2560x128xi32, #tpu.memory_space<hbm>> -> memref<16x128xi32, #tpu.memory_space<hbm>>
      tpu.enqueue_dma source(%dma_start3A_72 : memref<16x128xi32, #tpu.memory_space<hbm>>) target(%dma_start3A_70 : memref<16x128xi32, #tpu.memory_space<vmem>>) target_semaphore(%run_scoped3A_60 : memref<!tpu.dma_semaphore, #tpu.memory_space<semaphore_mem>>)
      %dma_wait3A = arith.constant 0 : i32
      %dma_wait3A_73 = arith.constant 0 : i32
      %dma_wait3A_74 = tpu.memref_slice %arg8[%run_scoped3A_12, %dma_wait3A, %dma_wait3A_73] : memref<2x16x128xi32, #tpu.memory_space<vmem>> -> memref<1x16x128xi32, #tpu.memory_space<vmem>>
      %dma_wait3A_75 = tpu.memref_squeeze %dma_wait3A_74 : memref<1x16x128xi32, #tpu.memory_space<vmem>> -> memref<16x128xi32, #tpu.memory_space<vmem>>
      %dma_wait3A_76 = arith.constant 0 : i32
      %dma_wait3A_77 = tpu.memref_slice %arg4[%select_n3A_11, %dma_wait3A_76] : memref<2560x128xi32, #tpu.memory_space<hbm>> -> memref<16x128xi32, #tpu.memory_space<hbm>>
      %dma_wait3A_78 = arith.constant 0 : i32
      %dma_wait3A_79 = arith.constant 0 : i32
      %dma_wait3A_80 = tpu.memref_slice %arg8[%run_scoped3A_12, %dma_wait3A_78, %dma_wait3A_79] : memref<2x16x128xi32, #tpu.memory_space<vmem>> -> memref<1x16x128xi32, #tpu.memory_space<vmem>>
      %dma_wait3A_81 = tpu.memref_squeeze %dma_wait3A_80 : memref<1x16x128xi32, #tpu.memory_space<vmem>> -> memref<16x128xi32, #tpu.memory_space<vmem>>
      %dma_wait3A_82 = arith.constant 0 : i32
      %dma_wait3A_83 = tpu.memref_slice %arg4[%select_n3A_11, %dma_wait3A_82] : memref<2560x128xi32, #tpu.memory_space<hbm>> -> memref<16x128xi32, #tpu.memory_space<hbm>>
      tpu.wait_dma2 semaphore(%run_scoped3A_60 : memref<!tpu.dma_semaphore, #tpu.memory_space<semaphore_mem>>) src(%dma_wait3A_83 : memref<16x128xi32, #tpu.memory_space<hbm>>) dst(%dma_wait3A_81 : memref<16x128xi32, #tpu.memory_space<vmem>>)
      tpu.yield
    }) : () -> ()
    %add3A_13 = arith.constant 16 : i32
    %add3A_14 = arith.addi %select_n3A_11, %add3A_13 : i32
    %dma_start3A = arith.constant 1 : i32
    %dma_start3A_15 = arith.constant 0 : i32
    %dma_start3A_16 = arith.constant 0 : i32
    %dma_start3A_17 = tpu.memref_slice %arg7[%dma_start3A, %dma_start3A_15, %dma_start3A_16] : memref<2x16x128xi32, #tpu.memory_space<vmem>> -> memref<1x16x128xi32, #tpu.memory_space<vmem>>
    %dma_start3A_18 = tpu.memref_squeeze %dma_start3A_17 : memref<1x16x128xi32, #tpu.memory_space<vmem>> -> memref<16x128xi32, #tpu.memory_space<vmem>>
    %dma_start3A_19 = arith.constant 0 : i32
    %dma_start3A_20 = tpu.memref_slice %arg3[%add3A_14, %dma_start3A_19] : memref<2560x128xi32, #tpu.memory_space<hbm>> -> memref<16x128xi32, #tpu.memory_space<hbm>>
    %dma_start3A_21 = arith.constant 0 : i32
    %dma_start3A_22 = arith.constant 0 : i32
    %dma_start3A_23 = tpu.memref_slice %arg7[%dma_start3A, %dma_start3A_21, %dma_start3A_22] : memref<2x16x128xi32, #tpu.memory_space<vmem>> -> memref<1x16x128xi32, #tpu.memory_space<vmem>>
    %dma_start3A_24 = tpu.memref_squeeze %dma_start3A_23 : memref<1x16x128xi32, #tpu.memory_space<vmem>> -> memref<16x128xi32, #tpu.memory_space<vmem>>
    %dma_start3A_25 = arith.constant 0 : i32
    %dma_start3A_26 = tpu.memref_slice %arg3[%add3A_14, %dma_start3A_25] : memref<2560x128xi32, #tpu.memory_space<hbm>> -> memref<16x128xi32, #tpu.memory_space<hbm>>
    tpu.enqueue_dma source(%dma_start3A_26 : memref<16x128xi32, #tpu.memory_space<hbm>>) target(%dma_start3A_24 : memref<16x128xi32, #tpu.memory_space<vmem>>) target_semaphore(%arg14 : memref<!tpu.dma_semaphore, #tpu.memory_space<semaphore_mem>>)
    %add3A_27 = arith.constant 16 : i32
    %add3A_28 = arith.addi %select_n3A_11, %add3A_27 : i32
    %dma_start3A_29 = arith.constant 1 : i32
    %dma_start3A_30 = arith.constant 0 : i32
    %dma_start3A_31 = arith.constant 0 : i32
    %dma_start3A_32 = tpu.memref_slice %arg8[%dma_start3A_29, %dma_start3A_30, %dma_start3A_31] : memref<2x16x128xi32, #tpu.memory_space<vmem>> -> memref<1x16x128xi32, #tpu.memory_space<vmem>>
    %dma_start3A_33 = tpu.memref_squeeze %dma_start3A_32 : memref<1x16x128xi32, #tpu.memory_space<vmem>> -> memref<16x128xi32, #tpu.memory_space<vmem>>
    %dma_start3A_34 = arith.constant 0 : i32
    %dma_start3A_35 = tpu.memref_slice %arg4[%add3A_28, %dma_start3A_34] : memref<2560x128xi32, #tpu.memory_space<hbm>> -> memref<16x128xi32, #tpu.memory_space<hbm>>
    %dma_start3A_36 = arith.constant 0 : i32
    %dma_start3A_37 = arith.constant 0 : i32
    %dma_start3A_38 = tpu.memref_slice %arg8[%dma_start3A_29, %dma_start3A_36, %dma_start3A_37] : memref<2x16x128xi32, #tpu.memory_space<vmem>> -> memref<1x16x128xi32, #tpu.memory_space<vmem>>
    %dma_start3A_39 = tpu.memref_squeeze %dma_start3A_38 : memref<1x16x128xi32, #tpu.memory_space<vmem>> -> memref<16x128xi32, #tpu.memory_space<vmem>>
    %dma_start3A_40 = arith.constant 0 : i32
    %dma_start3A_41 = tpu.memref_slice %arg4[%add3A_28, %dma_start3A_40] : memref<2560x128xi32, #tpu.memory_space<hbm>> -> memref<16x128xi32, #tpu.memory_space<hbm>>
    tpu.enqueue_dma source(%dma_start3A_41 : memref<16x128xi32, #tpu.memory_space<hbm>>) target(%dma_start3A_39 : memref<16x128xi32, #tpu.memory_space<vmem>>) target_semaphore(%arg14 : memref<!tpu.dma_semaphore, #tpu.memory_space<semaphore_mem>>)
    %barrier3A = arith.constant 0 : index
    tpu.barrier barrier_id(%barrier3A)
    %dma_start3A_42 = arith.constant 0 : i32
    %dma_start3A_43 = arith.constant 0 : i32
    %dma_start3A_44 = arith.constant 0 : i32
    %dma_start3A_45 = tpu.memref_slice %arg7[%dma_start3A_42, %dma_start3A_43, %dma_start3A_44] : memref<2x16x128xi32, #tpu.memory_space<vmem>> -> memref<1x1x128xi32, #tpu.memory_space<vmem>>
    %dma_start3A_46 = tpu.memref_squeeze %dma_start3A_45 : memref<1x1x128xi32, #tpu.memory_space<vmem>> -> memref<128xi32, #tpu.memory_space<vmem>>
    %dma_start3A_47 = arith.constant 0 : i32
    %dma_start3A_48 = arith.constant 0 : i32
    %dma_start3A_49 = tpu.memref_slice %arg2[%dma_start3A_47, %dma_start3A_48] : memref<10112x128xf32, #tpu.memory_space<hbm>> -> memref<10112x128xf32, #tpu.memory_space<hbm>>
    tpu.enqueue_indirect_dma source(%dma_start3A_49 : memref<10112x128xf32, #tpu.memory_space<hbm>>) target(%arg9 : memref<128x128xf32, #tpu.memory_space<vmem>>) offsets(%dma_start3A_46 : memref<128xi32, #tpu.memory_space<vmem>>) semaphore(%arg12 : memref<!tpu.dma_semaphore, #tpu.memory_space<semaphore_mem>>)
    %while3A = arith.constant 0 : i32
    %while3A_50 = arith.constant 0 : i32
    %while3A_51 = arith.subi %select_n3A_3, %while3A_50 : i32
    %while3A_52 = arith.addi %while3A_50, %while3A_51 : i32
    %while3A_53 = arith.constant 1 : i32
    %while3A_54 = arith.divsi %while3A_51, %while3A_53 : i32
    %while3A_55 = arith.muli %while3A_54, %while3A_53 : i32
    %while3A_56 = arith.addi %while3A_50, %while3A_55 : i32
    %while3A_57 = arith.constant 1 : i32
    scf.for %while3A_60 = %while3A_50 to %while3A_56 step %while3A_57  : i32 {
      %jit3A = arith.constant 16 : i32
      %div3A = arith.divsi %while3A_60, %jit3A : i32
      %sign3A = arith.constant 0 : i32
      %sign3A_61 = arith.cmpi sgt, %while3A_60, %sign3A : i32
      %sign3A_62 = arith.extui %sign3A_61 : i1 to i32
      %sign3A_63 = arith.constant 0 : i32
      %sign3A_64 = arith.cmpi slt, %while3A_60, %sign3A_63 : i32
      %sign3A_65 = arith.extui %sign3A_64 : i1 to i32
      %sign3A_66 = arith.subi %sign3A_62, %sign3A_65 : i32
      %sign3A_67 = arith.constant 0 : i32
      %sign3A_68 = arith.cmpi sgt, %jit3A, %sign3A_67 : i32
      %sign3A_69 = arith.extui %sign3A_68 : i1 to i32
      %sign3A_70 = arith.constant 0 : i32
      %sign3A_71 = arith.cmpi slt, %jit3A, %sign3A_70 : i32
      %sign3A_72 = arith.extui %sign3A_71 : i1 to i32
      %sign3A_73 = arith.subi %sign3A_69, %sign3A_72 : i32
      %ne3A = arith.cmpi ne, %sign3A_66, %sign3A_73 : i32
      %rem3A = arith.remsi %while3A_60, %jit3A : i32
      %ne3A_74 = arith.constant 0 : i32
      %ne3A_75 = arith.cmpi ne, %rem3A, %ne3A_74 : i32
      %and3A = arith.andi %ne3A, %ne3A_75 : i1
      %sub3A = arith.constant 1 : i32
      %sub3A_76 = arith.subi %div3A, %sub3A : i32
      %select_n3A_77 = arith.select %and3A, %sub3A_76, %div3A : i32
      %rem3A_78 = arith.constant 16 : i32
      %rem3A_79 = arith.remsi %while3A_60, %rem3A_78 : i32
      %rem3A_80 = arith.constant 2 : i32
      %rem3A_81 = arith.remsi %select_n3A_77, %rem3A_80 : i32
      %eq3A_82 = arith.constant 15 : i32
      %eq3A_83 = arith.cmpi eq, %rem3A_79, %eq3A_82 : i32
      %convert_element_type3A = arith.extui %eq3A_83 : i1 to i32
      %cond3A = arith.constant 0 : i32
      %cond3A_84 = arith.cmpi ne, %convert_element_type3A, %cond3A : i32
      scf.if %cond3A_84 {
        %add3A_115 = arith.constant 1 : i32
        %add3A_116 = arith.addi %while3A_60, %add3A_115 : i32
        %lt3A_117 = arith.cmpi slt, %add3A_116, %select_n3A_3 : i32
        %convert_element_type3A_118 = arith.extui %lt3A_117 : i1 to i32
        %cond3A_119 = arith.constant 0 : i32
        %cond3A_120 = arith.cmpi ne, %convert_element_type3A_118, %cond3A_119 : i32
        scf.if %cond3A_120 {
          %dma_wait3A = arith.constant 0 : i32
          %dma_wait3A_121 = arith.constant 0 : i32
          %dma_wait3A_122 = tpu.memref_slice %arg7[%rem3A_81, %dma_wait3A, %dma_wait3A_121] : memref<2x16x128xi32, #tpu.memory_space<vmem>> -> memref<1x16x128xi32, #tpu.memory_space<vmem>>
          %dma_wait3A_123 = tpu.memref_squeeze %dma_wait3A_122 : memref<1x16x128xi32, #tpu.memory_space<vmem>> -> memref<16x128xi32, #tpu.memory_space<vmem>>
          %dma_wait3A_124 = arith.constant 0 : i32
          %dma_wait3A_125 = tpu.memref_slice %arg3[%select_n3A_11, %dma_wait3A_124] : memref<2560x128xi32, #tpu.memory_space<hbm>> -> memref<16x128xi32, #tpu.memory_space<hbm>>
          %dma_wait3A_126 = arith.constant 0 : i32
          %dma_wait3A_127 = arith.constant 0 : i32
          %dma_wait3A_128 = tpu.memref_slice %arg7[%rem3A_81, %dma_wait3A_126, %dma_wait3A_127] : memref<2x16x128xi32, #tpu.memory_space<vmem>> -> memref<1x16x128xi32, #tpu.memory_space<vmem>>
          %dma_wait3A_129 = tpu.memref_squeeze %dma_wait3A_128 : memref<1x16x128xi32, #tpu.memory_space<vmem>> -> memref<16x128xi32, #tpu.memory_space<vmem>>
          %dma_wait3A_130 = arith.constant 0 : i32
          %dma_wait3A_131 = tpu.memref_slice %arg3[%select_n3A_11, %dma_wait3A_130] : memref<2560x128xi32, #tpu.memory_space<hbm>> -> memref<16x128xi32, #tpu.memory_space<hbm>>
          tpu.wait_dma2 semaphore(%arg14 : memref<!tpu.dma_semaphore, #tpu.memory_space<semaphore_mem>>) src(%dma_wait3A_131 : memref<16x128xi32, #tpu.memory_space<hbm>>) dst(%dma_wait3A_129 : memref<16x128xi32, #tpu.memory_space<vmem>>)
          %dma_wait3A_132 = arith.constant 0 : i32
          %dma_wait3A_133 = arith.constant 0 : i32
          %dma_wait3A_134 = tpu.memref_slice %arg8[%rem3A_81, %dma_wait3A_132, %dma_wait3A_133] : memref<2x16x128xi32, #tpu.memory_space<vmem>> -> memref<1x16x128xi32, #tpu.memory_space<vmem>>
          %dma_wait3A_135 = tpu.memref_squeeze %dma_wait3A_134 : memref<1x16x128xi32, #tpu.memory_space<vmem>> -> memref<16x128xi32, #tpu.memory_space<vmem>>
          %dma_wait3A_136 = arith.constant 0 : i32
          %dma_wait3A_137 = tpu.memref_slice %arg4[%select_n3A_11, %dma_wait3A_136] : memref<2560x128xi32, #tpu.memory_space<hbm>> -> memref<16x128xi32, #tpu.memory_space<hbm>>
          %dma_wait3A_138 = arith.constant 0 : i32
          %dma_wait3A_139 = arith.constant 0 : i32
          %dma_wait3A_140 = tpu.memref_slice %arg8[%rem3A_81, %dma_wait3A_138, %dma_wait3A_139] : memref<2x16x128xi32, #tpu.memory_space<vmem>> -> memref<1x16x128xi32, #tpu.memory_space<vmem>>
          %dma_wait3A_141 = tpu.memref_squeeze %dma_wait3A_140 : memref<1x16x128xi32, #tpu.memory_space<vmem>> -> memref<16x128xi32, #tpu.memory_space<vmem>>
          %dma_wait3A_142 = arith.constant 0 : i32
          %dma_wait3A_143 = tpu.memref_slice %arg4[%select_n3A_11, %dma_wait3A_142] : memref<2560x128xi32, #tpu.memory_space<hbm>> -> memref<16x128xi32, #tpu.memory_space<hbm>>
          tpu.wait_dma2 semaphore(%arg14 : memref<!tpu.dma_semaphore, #tpu.memory_space<semaphore_mem>>) src(%dma_wait3A_143 : memref<16x128xi32, #tpu.memory_space<hbm>>) dst(%dma_wait3A_141 : memref<16x128xi32, #tpu.memory_space<vmem>>)
        } else {
        }
      } else {
      }
      %add3A_85 = arith.constant 1 : i32
      %add3A_86 = arith.addi %while3A_60, %add3A_85 : i32
      %lt3A = arith.cmpi slt, %add3A_86, %select_n3A_3 : i32
      %convert_element_type3A_87 = arith.extui %lt3A : i1 to i32
      %cond3A_88 = arith.constant 0 : i32
      %cond3A_89 = arith.cmpi ne, %convert_element_type3A_87, %cond3A_88 : i32
      scf.if %cond3A_89 {
        %add3A_115 = arith.constant 1 : i32
        %add3A_116 = arith.addi %while3A_60, %add3A_115 : i32
        %jit3A_117 = arith.constant 16 : i32
        %div3A_118 = arith.divsi %add3A_116, %jit3A_117 : i32
        %sign3A_119 = arith.constant 0 : i32
        %sign3A_120 = arith.cmpi sgt, %add3A_116, %sign3A_119 : i32
        %sign3A_121 = arith.extui %sign3A_120 : i1 to i32
        %sign3A_122 = arith.constant 0 : i32
        %sign3A_123 = arith.cmpi slt, %add3A_116, %sign3A_122 : i32
        %sign3A_124 = arith.extui %sign3A_123 : i1 to i32
        %sign3A_125 = arith.subi %sign3A_121, %sign3A_124 : i32
        %sign3A_126 = arith.constant 0 : i32
        %sign3A_127 = arith.cmpi sgt, %jit3A_117, %sign3A_126 : i32
        %sign3A_128 = arith.extui %sign3A_127 : i1 to i32
        %sign3A_129 = arith.constant 0 : i32
        %sign3A_130 = arith.cmpi slt, %jit3A_117, %sign3A_129 : i32
        %sign3A_131 = arith.extui %sign3A_130 : i1 to i32
        %sign3A_132 = arith.subi %sign3A_128, %sign3A_131 : i32
        %ne3A_133 = arith.cmpi ne, %sign3A_125, %sign3A_132 : i32
        %rem3A_134 = arith.remsi %add3A_116, %jit3A_117 : i32
        %ne3A_135 = arith.constant 0 : i32
        %ne3A_136 = arith.cmpi ne, %rem3A_134, %ne3A_135 : i32
        %and3A_137 = arith.andi %ne3A_133, %ne3A_136 : i1
        %sub3A_138 = arith.constant 1 : i32
        %sub3A_139 = arith.subi %div3A_118, %sub3A_138 : i32
        %select_n3A_140 = arith.select %and3A_137, %sub3A_139, %div3A_118 : i32
        %rem3A_141 = arith.constant 2 : i32
        %rem3A_142 = arith.remsi %select_n3A_140, %rem3A_141 : i32
        %rem3A_143 = arith.constant 16 : i32
        %rem3A_144 = arith.remsi %add3A_116, %rem3A_143 : i32
        %rem3A_145 = arith.constant 2 : i32
        %rem3A_146 = arith.remsi %add3A_116, %rem3A_145 : i32
        %eq3A_147 = arith.constant 0 : i32
        %eq3A_148 = arith.cmpi eq, %rem3A_146, %eq3A_147 : i32
        %convert_element_type3A_149 = arith.extui %eq3A_148 : i1 to i32
        %cond3A_150 = arith.constant 0 : i32
        %cond3A_151 = arith.cmpi ne, %convert_element_type3A_149, %cond3A_150 : i32
        scf.if %cond3A_151 {
          %dma_start3A_159 = arith.constant 0 : i32
          %dma_start3A_160 = tpu.memref_slice %arg7[%rem3A_142, %rem3A_144, %dma_start3A_159] : memref<2x16x128xi32, #tpu.memory_space<vmem>> -> memref<1x1x128xi32, #tpu.memory_space<vmem>>
          %dma_start3A_161 = tpu.memref_squeeze %dma_start3A_160 : memref<1x1x128xi32, #tpu.memory_space<vmem>> -> memref<128xi32, #tpu.memory_space<vmem>>
          %dma_start3A_162 = arith.constant 0 : i32
          %dma_start3A_163 = arith.constant 0 : i32
          %dma_start3A_164 = tpu.memref_slice %arg2[%dma_start3A_162, %dma_start3A_163] : memref<10112x128xf32, #tpu.memory_space<hbm>> -> memref<10112x128xf32, #tpu.memory_space<hbm>>
          tpu.enqueue_indirect_dma source(%dma_start3A_164 : memref<10112x128xf32, #tpu.memory_space<hbm>>) target(%arg9 : memref<128x128xf32, #tpu.memory_space<vmem>>) offsets(%dma_start3A_161 : memref<128xi32, #tpu.memory_space<vmem>>) semaphore(%arg12 : memref<!tpu.dma_semaphore, #tpu.memory_space<semaphore_mem>>)
        } else {
        }
        %rem3A_152 = arith.constant 2 : i32
        %rem3A_153 = arith.remsi %add3A_116, %rem3A_152 : i32
        %eq3A_154 = arith.constant 1 : i32
        %eq3A_155 = arith.cmpi eq, %rem3A_153, %eq3A_154 : i32
        %convert_element_type3A_156 = arith.extui %eq3A_155 : i1 to i32
        %cond3A_157 = arith.constant 0 : i32
        %cond3A_158 = arith.cmpi ne, %convert_element_type3A_156, %cond3A_157 : i32
        scf.if %cond3A_158 {
          %dma_start3A_159 = arith.constant 0 : i32
          %dma_start3A_160 = tpu.memref_slice %arg7[%rem3A_142, %rem3A_144, %dma_start3A_159] : memref<2x16x128xi32, #tpu.memory_space<vmem>> -> memref<1x1x128xi32, #tpu.memory_space<vmem>>
          %dma_start3A_161 = tpu.memref_squeeze %dma_start3A_160 : memref<1x1x128xi32, #tpu.memory_space<vmem>> -> memref<128xi32, #tpu.memory_space<vmem>>
          %dma_start3A_162 = arith.constant 0 : i32
          %dma_start3A_163 = arith.constant 0 : i32
          %dma_start3A_164 = tpu.memref_slice %arg2[%dma_start3A_162, %dma_start3A_163] : memref<10112x128xf32, #tpu.memory_space<hbm>> -> memref<10112x128xf32, #tpu.memory_space<hbm>>
          tpu.enqueue_indirect_dma source(%dma_start3A_164 : memref<10112x128xf32, #tpu.memory_space<hbm>>) target(%arg10 : memref<128x128xf32, #tpu.memory_space<vmem>>) offsets(%dma_start3A_161 : memref<128xi32, #tpu.memory_space<vmem>>) semaphore(%arg13 : memref<!tpu.dma_semaphore, #tpu.memory_space<semaphore_mem>>)
        } else {
        }
      } else {
      }
      %rem3A_90 = arith.constant 2 : i32
      %rem3A_91 = arith.remsi %while3A_60, %rem3A_90 : i32
      %eq3A_92 = arith.constant 0 : i32
      %eq3A_93 = arith.cmpi eq, %rem3A_91, %eq3A_92 : i32
      %convert_element_type3A_94 = arith.extui %eq3A_93 : i1 to i32
      %cond3A_95 = arith.constant 0 : i32
      %cond3A_96 = arith.cmpi ne, %convert_element_type3A_94, %cond3A_95 : i32
      scf.if %cond3A_96 {
        %dma_wait3A = arith.constant 0 : i32
        %dma_wait3A_115 = arith.constant 0 : i32
        %dma_wait3A_116 = arith.constant 0 : i32
        %dma_wait3A_117 = tpu.memref_slice %arg7[%dma_wait3A, %dma_wait3A_115, %dma_wait3A_116] : memref<2x16x128xi32, #tpu.memory_space<vmem>> -> memref<1x1x128xi32, #tpu.memory_space<vmem>>
        %dma_wait3A_118 = tpu.memref_squeeze %dma_wait3A_117 : memref<1x1x128xi32, #tpu.memory_space<vmem>> -> memref<128xi32, #tpu.memory_space<vmem>>
        %dma_wait3A_119 = arith.constant 0 : i32
        %dma_wait3A_120 = arith.constant 0 : i32
        %dma_wait3A_121 = tpu.memref_slice %arg2[%dma_wait3A_119, %dma_wait3A_120] : memref<10112x128xf32, #tpu.memory_space<hbm>> -> memref<10112x128xf32, #tpu.memory_space<hbm>>
        tpu.wait_indirect_dma semaphore(%arg12 : memref<!tpu.dma_semaphore, #tpu.memory_space<semaphore_mem>>) src(%dma_wait3A_121 : memref<10112x128xf32, #tpu.memory_space<hbm>>) dst(%arg9 : memref<128x128xf32, #tpu.memory_space<vmem>>)
        "tpu.region"() ({
          %run_scoped3A_122 = tpu.sem_alloc : memref<!tpu.dma_semaphore, #tpu.memory_space<semaphore_mem>>
          %dma_start3A_123 = arith.constant 0 : i32
          %dma_start3A_124 = tpu.memref_slice %arg8[%rem3A_81, %rem3A_79, %dma_start3A_123] : memref<2x16x128xi32, #tpu.memory_space<vmem>> -> memref<1x1x128xi32, #tpu.memory_space<vmem>>
          %dma_start3A_125 = tpu.memref_squeeze %dma_start3A_124 : memref<1x1x128xi32, #tpu.memory_space<vmem>> -> memref<128xi32, #tpu.memory_space<vmem>>
          %dma_start3A_126 = arith.constant 0 : i32
          %dma_start3A_127 = arith.constant 0 : i32
          %dma_start3A_128 = tpu.memref_slice %arg11[%dma_start3A_126, %dma_start3A_127] : memref<10112x128xf32, #tpu.memory_space<vmem_shared>> -> memref<10112x128xf32, #tpu.memory_space<vmem_shared>>
          tpu.enqueue_indirect_dma source(%arg9 : memref<128x128xf32, #tpu.memory_space<vmem>>) target(%dma_start3A_128 : memref<10112x128xf32, #tpu.memory_space<vmem_shared>>) offsets(%dma_start3A_125 : memref<128xi32, #tpu.memory_space<vmem>>) semaphore(%run_scoped3A_122 : memref<!tpu.dma_semaphore, #tpu.memory_space<semaphore_mem>>) {add = true}
          %dma_wait3A_129 = arith.constant 0 : i32
          %dma_wait3A_130 = tpu.memref_slice %arg8[%rem3A_81, %rem3A_79, %dma_wait3A_129] : memref<2x16x128xi32, #tpu.memory_space<vmem>> -> memref<1x1x128xi32, #tpu.memory_space<vmem>>
          %dma_wait3A_131 = tpu.memref_squeeze %dma_wait3A_130 : memref<1x1x128xi32, #tpu.memory_space<vmem>> -> memref<128xi32, #tpu.memory_space<vmem>>
          %dma_wait3A_132 = arith.constant 0 : i32
          %dma_wait3A_133 = arith.constant 0 : i32
          %dma_wait3A_134 = tpu.memref_slice %arg11[%dma_wait3A_132, %dma_wait3A_133] : memref<10112x128xf32, #tpu.memory_space<vmem_shared>> -> memref<10112x128xf32, #tpu.memory_space<vmem_shared>>
          tpu.wait_indirect_dma semaphore(%run_scoped3A_122 : memref<!tpu.dma_semaphore, #tpu.memory_space<semaphore_mem>>) src(%arg9 : memref<128x128xf32, #tpu.memory_space<vmem>>) dst(%dma_wait3A_134 : memref<10112x128xf32, #tpu.memory_space<vmem_shared>>)
          tpu.yield
        }) : () -> ()
      } else {
      }
      %rem3A_97 = arith.constant 2 : i32
      %rem3A_98 = arith.remsi %while3A_60, %rem3A_97 : i32
      %eq3A_99 = arith.constant 1 : i32
      %eq3A_100 = arith.cmpi eq, %rem3A_98, %eq3A_99 : i32
      %convert_element_type3A_101 = arith.extui %eq3A_100 : i1 to i32
      %cond3A_102 = arith.constant 0 : i32
      %cond3A_103 = arith.cmpi ne, %convert_element_type3A_101, %cond3A_102 : i32
      scf.if %cond3A_103 {
        %dma_wait3A = arith.constant 0 : i32
        %dma_wait3A_115 = arith.constant 0 : i32
        %dma_wait3A_116 = arith.constant 0 : i32
        %dma_wait3A_117 = tpu.memref_slice %arg7[%dma_wait3A, %dma_wait3A_115, %dma_wait3A_116] : memref<2x16x128xi32, #tpu.memory_space<vmem>> -> memref<1x1x128xi32, #tpu.memory_space<vmem>>
        %dma_wait3A_118 = tpu.memref_squeeze %dma_wait3A_117 : memref<1x1x128xi32, #tpu.memory_space<vmem>> -> memref<128xi32, #tpu.memory_space<vmem>>
        %dma_wait3A_119 = arith.constant 0 : i32
        %dma_wait3A_120 = arith.constant 0 : i32
        %dma_wait3A_121 = tpu.memref_slice %arg2[%dma_wait3A_119, %dma_wait3A_120] : memref<10112x128xf32, #tpu.memory_space<hbm>> -> memref<10112x128xf32, #tpu.memory_space<hbm>>
        tpu.wait_indirect_dma semaphore(%arg13 : memref<!tpu.dma_semaphore, #tpu.memory_space<semaphore_mem>>) src(%dma_wait3A_121 : memref<10112x128xf32, #tpu.memory_space<hbm>>) dst(%arg10 : memref<128x128xf32, #tpu.memory_space<vmem>>)
        "tpu.region"() ({
          %run_scoped3A_122 = tpu.sem_alloc : memref<!tpu.dma_semaphore, #tpu.memory_space<semaphore_mem>>
          %dma_start3A_123 = arith.constant 0 : i32
          %dma_start3A_124 = tpu.memref_slice %arg8[%rem3A_81, %rem3A_79, %dma_start3A_123] : memref<2x16x128xi32, #tpu.memory_space<vmem>> -> memref<1x1x128xi32, #tpu.memory_space<vmem>>
          %dma_start3A_125 = tpu.memref_squeeze %dma_start3A_124 : memref<1x1x128xi32, #tpu.memory_space<vmem>> -> memref<128xi32, #tpu.memory_space<vmem>>
          %dma_start3A_126 = arith.constant 0 : i32
          %dma_start3A_127 = arith.constant 0 : i32
          %dma_start3A_128 = tpu.memref_slice %arg11[%dma_start3A_126, %dma_start3A_127] : memref<10112x128xf32, #tpu.memory_space<vmem_shared>> -> memref<10112x128xf32, #tpu.memory_space<vmem_shared>>
          tpu.enqueue_indirect_dma source(%arg10 : memref<128x128xf32, #tpu.memory_space<vmem>>) target(%dma_start3A_128 : memref<10112x128xf32, #tpu.memory_space<vmem_shared>>) offsets(%dma_start3A_125 : memref<128xi32, #tpu.memory_space<vmem>>) semaphore(%run_scoped3A_122 : memref<!tpu.dma_semaphore, #tpu.memory_space<semaphore_mem>>) {add = true}
          %dma_wait3A_129 = arith.constant 0 : i32
          %dma_wait3A_130 = tpu.memref_slice %arg8[%rem3A_81, %rem3A_79, %dma_wait3A_129] : memref<2x16x128xi32, #tpu.memory_space<vmem>> -> memref<1x1x128xi32, #tpu.memory_space<vmem>>
          %dma_wait3A_131 = tpu.memref_squeeze %dma_wait3A_130 : memref<1x1x128xi32, #tpu.memory_space<vmem>> -> memref<128xi32, #tpu.memory_space<vmem>>
          %dma_wait3A_132 = arith.constant 0 : i32
          %dma_wait3A_133 = arith.constant 0 : i32
          %dma_wait3A_134 = tpu.memref_slice %arg11[%dma_wait3A_132, %dma_wait3A_133] : memref<10112x128xf32, #tpu.memory_space<vmem_shared>> -> memref<10112x128xf32, #tpu.memory_space<vmem_shared>>
          tpu.wait_indirect_dma semaphore(%run_scoped3A_122 : memref<!tpu.dma_semaphore, #tpu.memory_space<semaphore_mem>>) src(%arg10 : memref<128x128xf32, #tpu.memory_space<vmem>>) dst(%dma_wait3A_134 : memref<10112x128xf32, #tpu.memory_space<vmem_shared>>)
          tpu.yield
        }) : () -> ()
      } else {
      }
      %eq3A_104 = arith.constant 15 : i32
      %eq3A_105 = arith.cmpi eq, %rem3A_79, %eq3A_104 : i32
      %add3A_106 = arith.constant 16 : i32
      %add3A_107 = arith.addi %while3A_60, %add3A_106 : i32
      %add3A_108 = arith.constant 1 : i32
      %add3A_109 = arith.addi %add3A_107, %add3A_108 : i32
      %lt3A_110 = arith.cmpi slt, %add3A_109, %select_n3A_3 : i32
      %and3A_111 = arith.andi %eq3A_105, %lt3A_110 : i1
      %convert_element_type3A_112 = arith.extui %and3A_111 : i1 to i32
      %cond3A_113 = arith.constant 0 : i32
      %cond3A_114 = arith.cmpi ne, %convert_element_type3A_112, %cond3A_113 : i32
      scf.if %cond3A_114 {
        %add3A_115 = arith.constant 16 : i32
        %add3A_116 = arith.addi %while3A_60, %add3A_115 : i32
        %add3A_117 = arith.constant 1 : i32
        %add3A_118 = arith.addi %add3A_116, %add3A_117 : i32
        %jit3A_119 = arith.constant 16 : i32
        %div3A_120 = arith.divsi %add3A_118, %jit3A_119 : i32
        %sign3A_121 = arith.constant 0 : i32
        %sign3A_122 = arith.cmpi sgt, %add3A_118, %sign3A_121 : i32
        %sign3A_123 = arith.extui %sign3A_122 : i1 to i32
        %sign3A_124 = arith.constant 0 : i32
        %sign3A_125 = arith.cmpi slt, %add3A_118, %sign3A_124 : i32
        %sign3A_126 = arith.extui %sign3A_125 : i1 to i32
        %sign3A_127 = arith.subi %sign3A_123, %sign3A_126 : i32
        %sign3A_128 = arith.constant 0 : i32
        %sign3A_129 = arith.cmpi sgt, %jit3A_119, %sign3A_128 : i32
        %sign3A_130 = arith.extui %sign3A_129 : i1 to i32
        %sign3A_131 = arith.constant 0 : i32
        %sign3A_132 = arith.cmpi slt, %jit3A_119, %sign3A_131 : i32
        %sign3A_133 = arith.extui %sign3A_132 : i1 to i32
        %sign3A_134 = arith.subi %sign3A_130, %sign3A_133 : i32
        %ne3A_135 = arith.cmpi ne, %sign3A_127, %sign3A_134 : i32
        %rem3A_136 = arith.remsi %add3A_118, %jit3A_119 : i32
        %ne3A_137 = arith.constant 0 : i32
        %ne3A_138 = arith.cmpi ne, %rem3A_136, %ne3A_137 : i32
        %and3A_139 = arith.andi %ne3A_135, %ne3A_138 : i1
        %sub3A_140 = arith.constant 1 : i32
        %sub3A_141 = arith.subi %div3A_120, %sub3A_140 : i32
        %select_n3A_142 = arith.select %and3A_139, %sub3A_141, %div3A_120 : i32
        %mul3A_143 = arith.constant 16 : i32
        %mul3A_144 = arith.muli %select_n3A_142, %mul3A_143 : i32
        %add3A_145 = arith.addi %select_n3A_11, %mul3A_144 : i32
        %dma_start3A_146 = arith.constant 0 : i32
        %dma_start3A_147 = arith.constant 0 : i32
        %dma_start3A_148 = tpu.memref_slice %arg7[%rem3A_81, %dma_start3A_146, %dma_start3A_147] : memref<2x16x128xi32, #tpu.memory_space<vmem>> -> memref<1x16x128xi32, #tpu.memory_space<vmem>>
        %dma_start3A_149 = tpu.memref_squeeze %dma_start3A_148 : memref<1x16x128xi32, #tpu.memory_space<vmem>> -> memref<16x128xi32, #tpu.memory_space<vmem>>
        %dma_start3A_150 = arith.constant 0 : i32
        %dma_start3A_151 = tpu.memref_slice %arg3[%add3A_145, %dma_start3A_150] : memref<2560x128xi32, #tpu.memory_space<hbm>> -> memref<16x128xi32, #tpu.memory_space<hbm>>
        %dma_start3A_152 = arith.constant 0 : i32
        %dma_start3A_153 = arith.constant 0 : i32
        %dma_start3A_154 = tpu.memref_slice %arg7[%rem3A_81, %dma_start3A_152, %dma_start3A_153] : memref<2x16x128xi32, #tpu.memory_space<vmem>> -> memref<1x16x128xi32, #tpu.memory_space<vmem>>
        %dma_start3A_155 = tpu.memref_squeeze %dma_start3A_154 : memref<1x16x128xi32, #tpu.memory_space<vmem>> -> memref<16x128xi32, #tpu.memory_space<vmem>>
        %dma_start3A_156 = arith.constant 0 : i32
        %dma_start3A_157 = tpu.memref_slice %arg3[%add3A_145, %dma_start3A_156] : memref<2560x128xi32, #tpu.memory_space<hbm>> -> memref<16x128xi32, #tpu.memory_space<hbm>>
        tpu.enqueue_dma source(%dma_start3A_157 : memref<16x128xi32, #tpu.memory_space<hbm>>) target(%dma_start3A_155 : memref<16x128xi32, #tpu.memory_space<vmem>>) target_semaphore(%arg14 : memref<!tpu.dma_semaphore, #tpu.memory_space<semaphore_mem>>)
        %add3A_158 = arith.addi %select_n3A_11, %mul3A_144 : i32
        %dma_start3A_159 = arith.constant 0 : i32
        %dma_start3A_160 = arith.constant 0 : i32
        %dma_start3A_161 = tpu.memref_slice %arg8[%rem3A_81, %dma_start3A_159, %dma_start3A_160] : memref<2x16x128xi32, #tpu.memory_space<vmem>> -> memref<1x16x128xi32, #tpu.memory_space<vmem>>
        %dma_start3A_162 = tpu.memref_squeeze %dma_start3A_161 : memref<1x16x128xi32, #tpu.memory_space<vmem>> -> memref<16x128xi32, #tpu.memory_space<vmem>>
        %dma_start3A_163 = arith.constant 0 : i32
        %dma_start3A_164 = tpu.memref_slice %arg4[%add3A_158, %dma_start3A_163] : memref<2560x128xi32, #tpu.memory_space<hbm>> -> memref<16x128xi32, #tpu.memory_space<hbm>>
        %dma_start3A_165 = arith.constant 0 : i32
        %dma_start3A_166 = arith.constant 0 : i32
        %dma_start3A_167 = tpu.memref_slice %arg8[%rem3A_81, %dma_start3A_165, %dma_start3A_166] : memref<2x16x128xi32, #tpu.memory_space<vmem>> -> memref<1x16x128xi32, #tpu.memory_space<vmem>>
        %dma_start3A_168 = tpu.memref_squeeze %dma_start3A_167 : memref<1x16x128xi32, #tpu.memory_space<vmem>> -> memref<16x128xi32, #tpu.memory_space<vmem>>
        %dma_start3A_169 = arith.constant 0 : i32
        %dma_start3A_170 = tpu.memref_slice %arg4[%add3A_158, %dma_start3A_169] : memref<2560x128xi32, #tpu.memory_space<hbm>> -> memref<16x128xi32, #tpu.memory_space<hbm>>
        tpu.enqueue_dma source(%dma_start3A_170 : memref<16x128xi32, #tpu.memory_space<hbm>>) target(%dma_start3A_168 : memref<16x128xi32, #tpu.memory_space<vmem>>) target_semaphore(%arg14 : memref<!tpu.dma_semaphore, #tpu.memory_space<semaphore_mem>>)
      } else {
      }
    }
    %while3A_58 = arith.constant 1 : i32
    scf.for %while3A_60 = %while3A_56 to %while3A_52 step %while3A_58  : i32 {
      %jit3A = arith.constant 16 : i32
      %div3A = arith.divsi %while3A_60, %jit3A : i32
      %sign3A = arith.constant 0 : i32
      %sign3A_61 = arith.cmpi sgt, %while3A_60, %sign3A : i32
      %sign3A_62 = arith.extui %sign3A_61 : i1 to i32
      %sign3A_63 = arith.constant 0 : i32
      %sign3A_64 = arith.cmpi slt, %while3A_60, %sign3A_63 : i32
      %sign3A_65 = arith.extui %sign3A_64 : i1 to i32
      %sign3A_66 = arith.subi %sign3A_62, %sign3A_65 : i32
      %sign3A_67 = arith.constant 0 : i32
      %sign3A_68 = arith.cmpi sgt, %jit3A, %sign3A_67 : i32
      %sign3A_69 = arith.extui %sign3A_68 : i1 to i32
      %sign3A_70 = arith.constant 0 : i32
      %sign3A_71 = arith.cmpi slt, %jit3A, %sign3A_70 : i32
      %sign3A_72 = arith.extui %sign3A_71 : i1 to i32
      %sign3A_73 = arith.subi %sign3A_69, %sign3A_72 : i32
      %ne3A = arith.cmpi ne, %sign3A_66, %sign3A_73 : i32
      %rem3A = arith.remsi %while3A_60, %jit3A : i32
      %ne3A_74 = arith.constant 0 : i32
      %ne3A_75 = arith.cmpi ne, %rem3A, %ne3A_74 : i32
      %and3A = arith.andi %ne3A, %ne3A_75 : i1
      %sub3A = arith.constant 1 : i32
      %sub3A_76 = arith.subi %div3A, %sub3A : i32
      %select_n3A_77 = arith.select %and3A, %sub3A_76, %div3A : i32
      %rem3A_78 = arith.constant 16 : i32
      %rem3A_79 = arith.remsi %while3A_60, %rem3A_78 : i32
      %rem3A_80 = arith.constant 2 : i32
      %rem3A_81 = arith.remsi %select_n3A_77, %rem3A_80 : i32
      %eq3A_82 = arith.constant 15 : i32
      %eq3A_83 = arith.cmpi eq, %rem3A_79, %eq3A_82 : i32
      %convert_element_type3A = arith.extui %eq3A_83 : i1 to i32
      %cond3A = arith.constant 0 : i32
      %cond3A_84 = arith.cmpi ne, %convert_element_type3A, %cond3A : i32
      scf.if %cond3A_84 {
        %add3A_115 = arith.constant 1 : i32
        %add3A_116 = arith.addi %while3A_60, %add3A_115 : i32
        %lt3A_117 = arith.cmpi slt, %add3A_116, %select_n3A_3 : i32
        %convert_element_type3A_118 = arith.extui %lt3A_117 : i1 to i32
        %cond3A_119 = arith.constant 0 : i32
        %cond3A_120 = arith.cmpi ne, %convert_element_type3A_118, %cond3A_119 : i32
        scf.if %cond3A_120 {
          %dma_wait3A = arith.constant 0 : i32
          %dma_wait3A_121 = arith.constant 0 : i32
          %dma_wait3A_122 = tpu.memref_slice %arg7[%rem3A_81, %dma_wait3A, %dma_wait3A_121] : memref<2x16x128xi32, #tpu.memory_space<vmem>> -> memref<1x16x128xi32, #tpu.memory_space<vmem>>
          %dma_wait3A_123 = tpu.memref_squeeze %dma_wait3A_122 : memref<1x16x128xi32, #tpu.memory_space<vmem>> -> memref<16x128xi32, #tpu.memory_space<vmem>>
          %dma_wait3A_124 = arith.constant 0 : i32
          %dma_wait3A_125 = tpu.memref_slice %arg3[%select_n3A_11, %dma_wait3A_124] : memref<2560x128xi32, #tpu.memory_space<hbm>> -> memref<16x128xi32, #tpu.memory_space<hbm>>
          %dma_wait3A_126 = arith.constant 0 : i32
          %dma_wait3A_127 = arith.constant 0 : i32
          %dma_wait3A_128 = tpu.memref_slice %arg7[%rem3A_81, %dma_wait3A_126, %dma_wait3A_127] : memref<2x16x128xi32, #tpu.memory_space<vmem>> -> memref<1x16x128xi32, #tpu.memory_space<vmem>>
          %dma_wait3A_129 = tpu.memref_squeeze %dma_wait3A_128 : memref<1x16x128xi32, #tpu.memory_space<vmem>> -> memref<16x128xi32, #tpu.memory_space<vmem>>
          %dma_wait3A_130 = arith.constant 0 : i32
          %dma_wait3A_131 = tpu.memref_slice %arg3[%select_n3A_11, %dma_wait3A_130] : memref<2560x128xi32, #tpu.memory_space<hbm>> -> memref<16x128xi32, #tpu.memory_space<hbm>>
          tpu.wait_dma2 semaphore(%arg14 : memref<!tpu.dma_semaphore, #tpu.memory_space<semaphore_mem>>) src(%dma_wait3A_131 : memref<16x128xi32, #tpu.memory_space<hbm>>) dst(%dma_wait3A_129 : memref<16x128xi32, #tpu.memory_space<vmem>>)
          %dma_wait3A_132 = arith.constant 0 : i32
          %dma_wait3A_133 = arith.constant 0 : i32
          %dma_wait3A_134 = tpu.memref_slice %arg8[%rem3A_81, %dma_wait3A_132, %dma_wait3A_133] : memref<2x16x128xi32, #tpu.memory_space<vmem>> -> memref<1x16x128xi32, #tpu.memory_space<vmem>>
          %dma_wait3A_135 = tpu.memref_squeeze %dma_wait3A_134 : memref<1x16x128xi32, #tpu.memory_space<vmem>> -> memref<16x128xi32, #tpu.memory_space<vmem>>
          %dma_wait3A_136 = arith.constant 0 : i32
          %dma_wait3A_137 = tpu.memref_slice %arg4[%select_n3A_11, %dma_wait3A_136] : memref<2560x128xi32, #tpu.memory_space<hbm>> -> memref<16x128xi32, #tpu.memory_space<hbm>>
          %dma_wait3A_138 = arith.constant 0 : i32
          %dma_wait3A_139 = arith.constant 0 : i32
          %dma_wait3A_140 = tpu.memref_slice %arg8[%rem3A_81, %dma_wait3A_138, %dma_wait3A_139] : memref<2x16x128xi32, #tpu.memory_space<vmem>> -> memref<1x16x128xi32, #tpu.memory_space<vmem>>
          %dma_wait3A_141 = tpu.memref_squeeze %dma_wait3A_140 : memref<1x16x128xi32, #tpu.memory_space<vmem>> -> memref<16x128xi32, #tpu.memory_space<vmem>>
          %dma_wait3A_142 = arith.constant 0 : i32
          %dma_wait3A_143 = tpu.memref_slice %arg4[%select_n3A_11, %dma_wait3A_142] : memref<2560x128xi32, #tpu.memory_space<hbm>> -> memref<16x128xi32, #tpu.memory_space<hbm>>
          tpu.wait_dma2 semaphore(%arg14 : memref<!tpu.dma_semaphore, #tpu.memory_space<semaphore_mem>>) src(%dma_wait3A_143 : memref<16x128xi32, #tpu.memory_space<hbm>>) dst(%dma_wait3A_141 : memref<16x128xi32, #tpu.memory_space<vmem>>)
        } else {
        }
      } else {
      }
      %add3A_85 = arith.constant 1 : i32
      %add3A_86 = arith.addi %while3A_60, %add3A_85 : i32
      %lt3A = arith.cmpi slt, %add3A_86, %select_n3A_3 : i32
      %convert_element_type3A_87 = arith.extui %lt3A : i1 to i32
      %cond3A_88 = arith.constant 0 : i32
      %cond3A_89 = arith.cmpi ne, %convert_element_type3A_87, %cond3A_88 : i32
      scf.if %cond3A_89 {
        %add3A_115 = arith.constant 1 : i32
        %add3A_116 = arith.addi %while3A_60, %add3A_115 : i32
        %jit3A_117 = arith.constant 16 : i32
        %div3A_118 = arith.divsi %add3A_116, %jit3A_117 : i32
        %sign3A_119 = arith.constant 0 : i32
        %sign3A_120 = arith.cmpi sgt, %add3A_116, %sign3A_119 : i32
        %sign3A_121 = arith.extui %sign3A_120 : i1 to i32
        %sign3A_122 = arith.constant 0 : i32
        %sign3A_123 = arith.cmpi slt, %add3A_116, %sign3A_122 : i32
        %sign3A_124 = arith.extui %sign3A_123 : i1 to i32
        %sign3A_125 = arith.subi %sign3A_121, %sign3A_124 : i32
        %sign3A_126 = arith.constant 0 : i32
        %sign3A_127 = arith.cmpi sgt, %jit3A_117, %sign3A_126 : i32
        %sign3A_128 = arith.extui %sign3A_127 : i1 to i32
        %sign3A_129 = arith.constant 0 : i32
        %sign3A_130 = arith.cmpi slt, %jit3A_117, %sign3A_129 : i32
        %sign3A_131 = arith.extui %sign3A_130 : i1 to i32
        %sign3A_132 = arith.subi %sign3A_128, %sign3A_131 : i32
        %ne3A_133 = arith.cmpi ne, %sign3A_125, %sign3A_132 : i32
        %rem3A_134 = arith.remsi %add3A_116, %jit3A_117 : i32
        %ne3A_135 = arith.constant 0 : i32
        %ne3A_136 = arith.cmpi ne, %rem3A_134, %ne3A_135 : i32
        %and3A_137 = arith.andi %ne3A_133, %ne3A_136 : i1
        %sub3A_138 = arith.constant 1 : i32
        %sub3A_139 = arith.subi %div3A_118, %sub3A_138 : i32
        %select_n3A_140 = arith.select %and3A_137, %sub3A_139, %div3A_118 : i32
        %rem3A_141 = arith.constant 2 : i32
        %rem3A_142 = arith.remsi %select_n3A_140, %rem3A_141 : i32
        %rem3A_143 = arith.constant 16 : i32
        %rem3A_144 = arith.remsi %add3A_116, %rem3A_143 : i32
        %rem3A_145 = arith.constant 2 : i32
        %rem3A_146 = arith.remsi %add3A_116, %rem3A_145 : i32
        %eq3A_147 = arith.constant 0 : i32
        %eq3A_148 = arith.cmpi eq, %rem3A_146, %eq3A_147 : i32
        %convert_element_type3A_149 = arith.extui %eq3A_148 : i1 to i32
        %cond3A_150 = arith.constant 0 : i32
        %cond3A_151 = arith.cmpi ne, %convert_element_type3A_149, %cond3A_150 : i32
        scf.if %cond3A_151 {
          %dma_start3A_159 = arith.constant 0 : i32
          %dma_start3A_160 = tpu.memref_slice %arg7[%rem3A_142, %rem3A_144, %dma_start3A_159] : memref<2x16x128xi32, #tpu.memory_space<vmem>> -> memref<1x1x128xi32, #tpu.memory_space<vmem>>
          %dma_start3A_161 = tpu.memref_squeeze %dma_start3A_160 : memref<1x1x128xi32, #tpu.memory_space<vmem>> -> memref<128xi32, #tpu.memory_space<vmem>>
          %dma_start3A_162 = arith.constant 0 : i32
          %dma_start3A_163 = arith.constant 0 : i32
          %dma_start3A_164 = tpu.memref_slice %arg2[%dma_start3A_162, %dma_start3A_163] : memref<10112x128xf32, #tpu.memory_space<hbm>> -> memref<10112x128xf32, #tpu.memory_space<hbm>>
          tpu.enqueue_indirect_dma source(%dma_start3A_164 : memref<10112x128xf32, #tpu.memory_space<hbm>>) target(%arg9 : memref<128x128xf32, #tpu.memory_space<vmem>>) offsets(%dma_start3A_161 : memref<128xi32, #tpu.memory_space<vmem>>) semaphore(%arg12 : memref<!tpu.dma_semaphore, #tpu.memory_space<semaphore_mem>>)
        } else {
        }
        %rem3A_152 = arith.constant 2 : i32
        %rem3A_153 = arith.remsi %add3A_116, %rem3A_152 : i32
        %eq3A_154 = arith.constant 1 : i32
        %eq3A_155 = arith.cmpi eq, %rem3A_153, %eq3A_154 : i32
        %convert_element_type3A_156 = arith.extui %eq3A_155 : i1 to i32
        %cond3A_157 = arith.constant 0 : i32
        %cond3A_158 = arith.cmpi ne, %convert_element_type3A_156, %cond3A_157 : i32
        scf.if %cond3A_158 {
          %dma_start3A_159 = arith.constant 0 : i32
          %dma_start3A_160 = tpu.memref_slice %arg7[%rem3A_142, %rem3A_144, %dma_start3A_159] : memref<2x16x128xi32, #tpu.memory_space<vmem>> -> memref<1x1x128xi32, #tpu.memory_space<vmem>>
          %dma_start3A_161 = tpu.memref_squeeze %dma_start3A_160 : memref<1x1x128xi32, #tpu.memory_space<vmem>> -> memref<128xi32, #tpu.memory_space<vmem>>
          %dma_start3A_162 = arith.constant 0 : i32
          %dma_start3A_163 = arith.constant 0 : i32
          %dma_start3A_164 = tpu.memref_slice %arg2[%dma_start3A_162, %dma_start3A_163] : memref<10112x128xf32, #tpu.memory_space<hbm>> -> memref<10112x128xf32, #tpu.memory_space<hbm>>
          tpu.enqueue_indirect_dma source(%dma_start3A_164 : memref<10112x128xf32, #tpu.memory_space<hbm>>) target(%arg10 : memref<128x128xf32, #tpu.memory_space<vmem>>) offsets(%dma_start3A_161 : memref<128xi32, #tpu.memory_space<vmem>>) semaphore(%arg13 : memref<!tpu.dma_semaphore, #tpu.memory_space<semaphore_mem>>)
        } else {
        }
      } else {
      }
      %rem3A_90 = arith.constant 2 : i32
      %rem3A_91 = arith.remsi %while3A_60, %rem3A_90 : i32
      %eq3A_92 = arith.constant 0 : i32
      %eq3A_93 = arith.cmpi eq, %rem3A_91, %eq3A_92 : i32
      %convert_element_type3A_94 = arith.extui %eq3A_93 : i1 to i32
      %cond3A_95 = arith.constant 0 : i32
      %cond3A_96 = arith.cmpi ne, %convert_element_type3A_94, %cond3A_95 : i32
      scf.if %cond3A_96 {
        %dma_wait3A = arith.constant 0 : i32
        %dma_wait3A_115 = arith.constant 0 : i32
        %dma_wait3A_116 = arith.constant 0 : i32
        %dma_wait3A_117 = tpu.memref_slice %arg7[%dma_wait3A, %dma_wait3A_115, %dma_wait3A_116] : memref<2x16x128xi32, #tpu.memory_space<vmem>> -> memref<1x1x128xi32, #tpu.memory_space<vmem>>
        %dma_wait3A_118 = tpu.memref_squeeze %dma_wait3A_117 : memref<1x1x128xi32, #tpu.memory_space<vmem>> -> memref<128xi32, #tpu.memory_space<vmem>>
        %dma_wait3A_119 = arith.constant 0 : i32
        %dma_wait3A_120 = arith.constant 0 : i32
        %dma_wait3A_121 = tpu.memref_slice %arg2[%dma_wait3A_119, %dma_wait3A_120] : memref<10112x128xf32, #tpu.memory_space<hbm>> -> memref<10112x128xf32, #tpu.memory_space<hbm>>
        tpu.wait_indirect_dma semaphore(%arg12 : memref<!tpu.dma_semaphore, #tpu.memory_space<semaphore_mem>>) src(%dma_wait3A_121 : memref<10112x128xf32, #tpu.memory_space<hbm>>) dst(%arg9 : memref<128x128xf32, #tpu.memory_space<vmem>>)
        "tpu.region"() ({
          %run_scoped3A_122 = tpu.sem_alloc : memref<!tpu.dma_semaphore, #tpu.memory_space<semaphore_mem>>
          %dma_start3A_123 = arith.constant 0 : i32
          %dma_start3A_124 = tpu.memref_slice %arg8[%rem3A_81, %rem3A_79, %dma_start3A_123] : memref<2x16x128xi32, #tpu.memory_space<vmem>> -> memref<1x1x128xi32, #tpu.memory_space<vmem>>
          %dma_start3A_125 = tpu.memref_squeeze %dma_start3A_124 : memref<1x1x128xi32, #tpu.memory_space<vmem>> -> memref<128xi32, #tpu.memory_space<vmem>>
          %dma_start3A_126 = arith.constant 0 : i32
          %dma_start3A_127 = arith.constant 0 : i32
          %dma_start3A_128 = tpu.memref_slice %arg11[%dma_start3A_126, %dma_start3A_127] : memref<10112x128xf32, #tpu.memory_space<vmem_shared>> -> memref<10112x128xf32, #tpu.memory_space<vmem_shared>>
          tpu.enqueue_indirect_dma source(%arg9 : memref<128x128xf32, #tpu.memory_space<vmem>>) target(%dma_start3A_128 : memref<10112x128xf32, #tpu.memory_space<vmem_shared>>) offsets(%dma_start3A_125 : memref<128xi32, #tpu.memory_space<vmem>>) semaphore(%run_scoped3A_122 : memref<!tpu.dma_semaphore, #tpu.memory_space<semaphore_mem>>) {add = true}
          %dma_wait3A_129 = arith.constant 0 : i32
          %dma_wait3A_130 = tpu.memref_slice %arg8[%rem3A_81, %rem3A_79, %dma_wait3A_129] : memref<2x16x128xi32, #tpu.memory_space<vmem>> -> memref<1x1x128xi32, #tpu.memory_space<vmem>>
          %dma_wait3A_131 = tpu.memref_squeeze %dma_wait3A_130 : memref<1x1x128xi32, #tpu.memory_space<vmem>> -> memref<128xi32, #tpu.memory_space<vmem>>
          %dma_wait3A_132 = arith.constant 0 : i32
          %dma_wait3A_133 = arith.constant 0 : i32
          %dma_wait3A_134 = tpu.memref_slice %arg11[%dma_wait3A_132, %dma_wait3A_133] : memref<10112x128xf32, #tpu.memory_space<vmem_shared>> -> memref<10112x128xf32, #tpu.memory_space<vmem_shared>>
          tpu.wait_indirect_dma semaphore(%run_scoped3A_122 : memref<!tpu.dma_semaphore, #tpu.memory_space<semaphore_mem>>) src(%arg9 : memref<128x128xf32, #tpu.memory_space<vmem>>) dst(%dma_wait3A_134 : memref<10112x128xf32, #tpu.memory_space<vmem_shared>>)
          tpu.yield
        }) : () -> ()
      } else {
      }
      %rem3A_97 = arith.constant 2 : i32
      %rem3A_98 = arith.remsi %while3A_60, %rem3A_97 : i32
      %eq3A_99 = arith.constant 1 : i32
      %eq3A_100 = arith.cmpi eq, %rem3A_98, %eq3A_99 : i32
      %convert_element_type3A_101 = arith.extui %eq3A_100 : i1 to i32
      %cond3A_102 = arith.constant 0 : i32
      %cond3A_103 = arith.cmpi ne, %convert_element_type3A_101, %cond3A_102 : i32
      scf.if %cond3A_103 {
        %dma_wait3A = arith.constant 0 : i32
        %dma_wait3A_115 = arith.constant 0 : i32
        %dma_wait3A_116 = arith.constant 0 : i32
        %dma_wait3A_117 = tpu.memref_slice %arg7[%dma_wait3A, %dma_wait3A_115, %dma_wait3A_116] : memref<2x16x128xi32, #tpu.memory_space<vmem>> -> memref<1x1x128xi32, #tpu.memory_space<vmem>>
        %dma_wait3A_118 = tpu.memref_squeeze %dma_wait3A_117 : memref<1x1x128xi32, #tpu.memory_space<vmem>> -> memref<128xi32, #tpu.memory_space<vmem>>
        %dma_wait3A_119 = arith.constant 0 : i32
        %dma_wait3A_120 = arith.constant 0 : i32
        %dma_wait3A_121 = tpu.memref_slice %arg2[%dma_wait3A_119, %dma_wait3A_120] : memref<10112x128xf32, #tpu.memory_space<hbm>> -> memref<10112x128xf32, #tpu.memory_space<hbm>>
        tpu.wait_indirect_dma semaphore(%arg13 : memref<!tpu.dma_semaphore, #tpu.memory_space<semaphore_mem>>) src(%dma_wait3A_121 : memref<10112x128xf32, #tpu.memory_space<hbm>>) dst(%arg10 : memref<128x128xf32, #tpu.memory_space<vmem>>)
        "tpu.region"() ({
          %run_scoped3A_122 = tpu.sem_alloc : memref<!tpu.dma_semaphore, #tpu.memory_space<semaphore_mem>>
          %dma_start3A_123 = arith.constant 0 : i32
          %dma_start3A_124 = tpu.memref_slice %arg8[%rem3A_81, %rem3A_79, %dma_start3A_123] : memref<2x16x128xi32, #tpu.memory_space<vmem>> -> memref<1x1x128xi32, #tpu.memory_space<vmem>>
          %dma_start3A_125 = tpu.memref_squeeze %dma_start3A_124 : memref<1x1x128xi32, #tpu.memory_space<vmem>> -> memref<128xi32, #tpu.memory_space<vmem>>
          %dma_start3A_126 = arith.constant 0 : i32
          %dma_start3A_127 = arith.constant 0 : i32
          %dma_start3A_128 = tpu.memref_slice %arg11[%dma_start3A_126, %dma_start3A_127] : memref<10112x128xf32, #tpu.memory_space<vmem_shared>> -> memref<10112x128xf32, #tpu.memory_space<vmem_shared>>
          tpu.enqueue_indirect_dma source(%arg10 : memref<128x128xf32, #tpu.memory_space<vmem>>) target(%dma_start3A_128 : memref<10112x128xf32, #tpu.memory_space<vmem_shared>>) offsets(%dma_start3A_125 : memref<128xi32, #tpu.memory_space<vmem>>) semaphore(%run_scoped3A_122 : memref<!tpu.dma_semaphore, #tpu.memory_space<semaphore_mem>>) {add = true}
          %dma_wait3A_129 = arith.constant 0 : i32
          %dma_wait3A_130 = tpu.memref_slice %arg8[%rem3A_81, %rem3A_79, %dma_wait3A_129] : memref<2x16x128xi32, #tpu.memory_space<vmem>> -> memref<1x1x128xi32, #tpu.memory_space<vmem>>
          %dma_wait3A_131 = tpu.memref_squeeze %dma_wait3A_130 : memref<1x1x128xi32, #tpu.memory_space<vmem>> -> memref<128xi32, #tpu.memory_space<vmem>>
          %dma_wait3A_132 = arith.constant 0 : i32
          %dma_wait3A_133 = arith.constant 0 : i32
          %dma_wait3A_134 = tpu.memref_slice %arg11[%dma_wait3A_132, %dma_wait3A_133] : memref<10112x128xf32, #tpu.memory_space<vmem_shared>> -> memref<10112x128xf32, #tpu.memory_space<vmem_shared>>
          tpu.wait_indirect_dma semaphore(%run_scoped3A_122 : memref<!tpu.dma_semaphore, #tpu.memory_space<semaphore_mem>>) src(%arg10 : memref<128x128xf32, #tpu.memory_space<vmem>>) dst(%dma_wait3A_134 : memref<10112x128xf32, #tpu.memory_space<vmem_shared>>)
          tpu.yield
        }) : () -> ()
      } else {
      }
      %eq3A_104 = arith.constant 15 : i32
      %eq3A_105 = arith.cmpi eq, %rem3A_79, %eq3A_104 : i32
      %add3A_106 = arith.constant 16 : i32
      %add3A_107 = arith.addi %while3A_60, %add3A_106 : i32
      %add3A_108 = arith.constant 1 : i32
      %add3A_109 = arith.addi %add3A_107, %add3A_108 : i32
      %lt3A_110 = arith.cmpi slt, %add3A_109, %select_n3A_3 : i32
      %and3A_111 = arith.andi %eq3A_105, %lt3A_110 : i1
      %convert_element_type3A_112 = arith.extui %and3A_111 : i1 to i32
      %cond3A_113 = arith.constant 0 : i32
      %cond3A_114 = arith.cmpi ne, %convert_element_type3A_112, %cond3A_113 : i32
      scf.if %cond3A_114 {
        %add3A_115 = arith.constant 16 : i32
        %add3A_116 = arith.addi %while3A_60, %add3A_115 : i32
        %add3A_117 = arith.constant 1 : i32
        %add3A_118 = arith.addi %add3A_116, %add3A_117 : i32
        %jit3A_119 = arith.constant 16 : i32
        %div3A_120 = arith.divsi %add3A_118, %jit3A_119 : i32
        %sign3A_121 = arith.constant 0 : i32
        %sign3A_122 = arith.cmpi sgt, %add3A_118, %sign3A_121 : i32
        %sign3A_123 = arith.extui %sign3A_122 : i1 to i32
        %sign3A_124 = arith.constant 0 : i32
        %sign3A_125 = arith.cmpi slt, %add3A_118, %sign3A_124 : i32
        %sign3A_126 = arith.extui %sign3A_125 : i1 to i32
        %sign3A_127 = arith.subi %sign3A_123, %sign3A_126 : i32
        %sign3A_128 = arith.constant 0 : i32
        %sign3A_129 = arith.cmpi sgt, %jit3A_119, %sign3A_128 : i32
        %sign3A_130 = arith.extui %sign3A_129 : i1 to i32
        %sign3A_131 = arith.constant 0 : i32
        %sign3A_132 = arith.cmpi slt, %jit3A_119, %sign3A_131 : i32
        %sign3A_133 = arith.extui %sign3A_132 : i1 to i32
        %sign3A_134 = arith.subi %sign3A_130, %sign3A_133 : i32
        %ne3A_135 = arith.cmpi ne, %sign3A_127, %sign3A_134 : i32
        %rem3A_136 = arith.remsi %add3A_118, %jit3A_119 : i32
        %ne3A_137 = arith.constant 0 : i32
        %ne3A_138 = arith.cmpi ne, %rem3A_136, %ne3A_137 : i32
        %and3A_139 = arith.andi %ne3A_135, %ne3A_138 : i1
        %sub3A_140 = arith.constant 1 : i32
        %sub3A_141 = arith.subi %div3A_120, %sub3A_140 : i32
        %select_n3A_142 = arith.select %and3A_139, %sub3A_141, %div3A_120 : i32
        %mul3A_143 = arith.constant 16 : i32
        %mul3A_144 = arith.muli %select_n3A_142, %mul3A_143 : i32
        %add3A_145 = arith.addi %select_n3A_11, %mul3A_144 : i32
        %dma_start3A_146 = arith.constant 0 : i32
        %dma_start3A_147 = arith.constant 0 : i32
        %dma_start3A_148 = tpu.memref_slice %arg7[%rem3A_81, %dma_start3A_146, %dma_start3A_147] : memref<2x16x128xi32, #tpu.memory_space<vmem>> -> memref<1x16x128xi32, #tpu.memory_space<vmem>>
        %dma_start3A_149 = tpu.memref_squeeze %dma_start3A_148 : memref<1x16x128xi32, #tpu.memory_space<vmem>> -> memref<16x128xi32, #tpu.memory_space<vmem>>
        %dma_start3A_150 = arith.constant 0 : i32
        %dma_start3A_151 = tpu.memref_slice %arg3[%add3A_145, %dma_start3A_150] : memref<2560x128xi32, #tpu.memory_space<hbm>> -> memref<16x128xi32, #tpu.memory_space<hbm>>
        %dma_start3A_152 = arith.constant 0 : i32
        %dma_start3A_153 = arith.constant 0 : i32
        %dma_start3A_154 = tpu.memref_slice %arg7[%rem3A_81, %dma_start3A_152, %dma_start3A_153] : memref<2x16x128xi32, #tpu.memory_space<vmem>> -> memref<1x16x128xi32, #tpu.memory_space<vmem>>
        %dma_start3A_155 = tpu.memref_squeeze %dma_start3A_154 : memref<1x16x128xi32, #tpu.memory_space<vmem>> -> memref<16x128xi32, #tpu.memory_space<vmem>>
        %dma_start3A_156 = arith.constant 0 : i32
        %dma_start3A_157 = tpu.memref_slice %arg3[%add3A_145, %dma_start3A_156] : memref<2560x128xi32, #tpu.memory_space<hbm>> -> memref<16x128xi32, #tpu.memory_space<hbm>>
        tpu.enqueue_dma source(%dma_start3A_157 : memref<16x128xi32, #tpu.memory_space<hbm>>) target(%dma_start3A_155 : memref<16x128xi32, #tpu.memory_space<vmem>>) target_semaphore(%arg14 : memref<!tpu.dma_semaphore, #tpu.memory_space<semaphore_mem>>)
        %add3A_158 = arith.addi %select_n3A_11, %mul3A_144 : i32
        %dma_start3A_159 = arith.constant 0 : i32
        %dma_start3A_160 = arith.constant 0 : i32
        %dma_start3A_161 = tpu.memref_slice %arg8[%rem3A_81, %dma_start3A_159, %dma_start3A_160] : memref<2x16x128xi32, #tpu.memory_space<vmem>> -> memref<1x16x128xi32, #tpu.memory_space<vmem>>
        %dma_start3A_162 = tpu.memref_squeeze %dma_start3A_161 : memref<1x16x128xi32, #tpu.memory_space<vmem>> -> memref<16x128xi32, #tpu.memory_space<vmem>>
        %dma_start3A_163 = arith.constant 0 : i32
        %dma_start3A_164 = tpu.memref_slice %arg4[%add3A_158, %dma_start3A_163] : memref<2560x128xi32, #tpu.memory_space<hbm>> -> memref<16x128xi32, #tpu.memory_space<hbm>>
        %dma_start3A_165 = arith.constant 0 : i32
        %dma_start3A_166 = arith.constant 0 : i32
        %dma_start3A_167 = tpu.memref_slice %arg8[%rem3A_81, %dma_start3A_165, %dma_start3A_166] : memref<2x16x128xi32, #tpu.memory_space<vmem>> -> memref<1x16x128xi32, #tpu.memory_space<vmem>>
        %dma_start3A_168 = tpu.memref_squeeze %dma_start3A_167 : memref<1x16x128xi32, #tpu.memory_space<vmem>> -> memref<16x128xi32, #tpu.memory_space<vmem>>
        %dma_start3A_169 = arith.constant 0 : i32
        %dma_start3A_170 = tpu.memref_slice %arg4[%add3A_158, %dma_start3A_169] : memref<2560x128xi32, #tpu.memory_space<hbm>> -> memref<16x128xi32, #tpu.memory_space<hbm>>
        tpu.enqueue_dma source(%dma_start3A_170 : memref<16x128xi32, #tpu.memory_space<hbm>>) target(%dma_start3A_168 : memref<16x128xi32, #tpu.memory_space<vmem>>) target_semaphore(%arg14 : memref<!tpu.dma_semaphore, #tpu.memory_space<semaphore_mem>>)
      } else {
      }
    }
    %barrier3A_59 = arith.constant 0 : index
    tpu.barrier barrier_id(%barrier3A_59)
    "tpu.region"() ({
      %run_scoped3A_60 = tpu.sem_alloc : memref<!tpu.dma_semaphore, #tpu.memory_space<semaphore_mem>>
      %dma_start3A_61 = arith.constant 0 : i32
      %dma_start3A_62 = tpu.memref_slice %arg6[%arg0, %mul3A_0, %dma_start3A_61] : memref<2x10112x128xf32, #tpu.memory_space<hbm>> -> memref<1x632x128xf32, #tpu.memory_space<hbm>>
      %dma_start3A_63 = tpu.memref_squeeze %dma_start3A_62 : memref<1x632x128xf32, #tpu.memory_space<hbm>> -> memref<632x128xf32, #tpu.memory_space<hbm>>
      %dma_start3A_64 = arith.constant 0 : i32
      %dma_start3A_65 = tpu.memref_slice %arg11[%mul3A_0, %dma_start3A_64] : memref<10112x128xf32, #tpu.memory_space<vmem_shared>> -> memref<632x128xf32, #tpu.memory_space<vmem_shared>>
      tpu.enqueue_dma source(%dma_start3A_65 : memref<632x128xf32, #tpu.memory_space<vmem_shared>>) target(%dma_start3A_63 : memref<632x128xf32, #tpu.memory_space<hbm>>) target_semaphore(%run_scoped3A_60 : memref<!tpu.dma_semaphore, #tpu.memory_space<semaphore_mem>>)
      %dma_wait3A = arith.constant 0 : i32
      %dma_wait3A_66 = tpu.memref_slice %arg6[%arg0, %mul3A_0, %dma_wait3A] : memref<2x10112x128xf32, #tpu.memory_space<hbm>> -> memref<1x632x128xf32, #tpu.memory_space<hbm>>
      %dma_wait3A_67 = tpu.memref_squeeze %dma_wait3A_66 : memref<1x632x128xf32, #tpu.memory_space<hbm>> -> memref<632x128xf32, #tpu.memory_space<hbm>>
      %dma_wait3A_68 = arith.constant 0 : i32
      %dma_wait3A_69 = tpu.memref_slice %arg11[%mul3A_0, %dma_wait3A_68] : memref<10112x128xf32, #tpu.memory_space<vmem_shared>> -> memref<632x128xf32, #tpu.memory_space<vmem_shared>>
      tpu.wait_dma2 semaphore(%run_scoped3A_60 : memref<!tpu.dma_semaphore, #tpu.memory_space<semaphore_mem>>) src(%dma_wait3A_69 : memref<632x128xf32, #tpu.memory_space<vmem_shared>>) dst(%dma_wait3A_67 : memref<632x128xf32, #tpu.memory_space<hbm>>)
      tpu.yield
    }) : () -> ()
    return
  }
}

module attributes {stable_mosaic.version = 14 : i64} {
  func.func @_tc_proj_body(%arg0: memref<10000x128xf32, #tpu.memory_space<vmem>>, %arg1: memref<4x128x128xf32, #tpu.memory_space<vmem>>, %arg2: memref<4x1x128xf32, #tpu.memory_space<vmem>>, %arg3: memref<128x128xf32, #tpu.memory_space<vmem>>, %arg4: memref<10112x128xf32, #tpu.memory_space<vmem>>) attributes {dimension_semantics = [], scalar_prefetch = 0 : i64, scratch_operands = 0 : i64, tpu.core_type = #tpu.core_type<tc>} {
    %get3A = arith.constant 0 : index
    %get3A_0 = arith.constant 0 : index
    %get3A_1 = vector.load %arg0[%get3A, %get3A_0] : memref<10000x128xf32, #tpu.memory_space<vmem>>, vector<10000x128xf32>
    %iota3A = tpu.iota {dimensions = array<i32: 0>} : vector<10000x128xi32>
    %jit3A = arith.constant 2500 : i32
    %div3A = vector.broadcast %jit3A : i32 to vector<10000x128xi32>
    %div3A_2 = arith.divsi %iota3A, %div3A : vector<10000x128xi32>
    %sign3A = arith.constant 0 : i32
    %sign3A_3 = vector.broadcast %sign3A : i32 to vector<10000x128xi32>
    %sign3A_4 = arith.cmpi sgt, %iota3A, %sign3A_3 : vector<10000x128xi32>
    %sign3A_5 = arith.extui %sign3A_4 : vector<10000x128xi1> to vector<10000x128xi32>
    %sign3A_6 = arith.constant 0 : i32
    %sign3A_7 = vector.broadcast %sign3A_6 : i32 to vector<10000x128xi32>
    %sign3A_8 = arith.cmpi slt, %iota3A, %sign3A_7 : vector<10000x128xi32>
    %sign3A_9 = arith.extui %sign3A_8 : vector<10000x128xi1> to vector<10000x128xi32>
    %sign3A_10 = arith.subi %sign3A_5, %sign3A_9 : vector<10000x128xi32>
    %sign3A_11 = arith.constant 0 : i32
    %sign3A_12 = arith.cmpi sgt, %jit3A, %sign3A_11 : i32
    %sign3A_13 = arith.extui %sign3A_12 : i1 to i32
    %sign3A_14 = arith.constant 0 : i32
    %sign3A_15 = arith.cmpi slt, %jit3A, %sign3A_14 : i32
    %sign3A_16 = arith.extui %sign3A_15 : i1 to i32
    %sign3A_17 = arith.subi %sign3A_13, %sign3A_16 : i32
    %ne3A = vector.broadcast %sign3A_17 : i32 to vector<10000x128xi32>
    %ne3A_18 = arith.cmpi ne, %sign3A_10, %ne3A : vector<10000x128xi32>
    %rem3A = vector.broadcast %jit3A : i32 to vector<10000x128xi32>
    %rem3A_19 = arith.remsi %iota3A, %rem3A : vector<10000x128xi32>
    %ne3A_20 = arith.constant 0 : i32
    %ne3A_21 = vector.broadcast %ne3A_20 : i32 to vector<10000x128xi32>
    %ne3A_22 = arith.cmpi ne, %rem3A_19, %ne3A_21 : vector<10000x128xi32>
    %and3A = arith.andi %ne3A_18, %ne3A_22 : vector<10000x128xi1>
    %sub3A = arith.constant 1 : i32
    %sub3A_23 = vector.broadcast %sub3A : i32 to vector<10000x128xi32>
    %sub3A_24 = arith.subi %div3A_2, %sub3A_23 : vector<10000x128xi32>
    %select_n3A = arith.select %and3A, %sub3A_24, %div3A_2 : vector<10000x128xi1>, vector<10000x128xi32>
    %broadcast_in_dim3A = arith.constant 0.000000e+00 : f32
    %broadcast_in_dim3A_25 = vector.broadcast %broadcast_in_dim3A : f32 to vector<10000x128xf32>
    %get3A_26 = arith.constant 0 : index
    %get3A_27 = arith.constant 0 : index
    %get3A_28 = arith.constant 0 : index
    %get3A_29 = vector.load %arg1[%get3A_26, %get3A_27, %get3A_28] : memref<4x128x128xf32, #tpu.memory_space<vmem>>, vector<1x128x128xf32>
    %get3A_30 = vector.shape_cast %get3A_29 : vector<1x128x128xf32> to vector<128x128xf32>
    %dot_general3A = arith.constant dense<0.000000e+00> : vector<10000x128xf32>
    %dot_general3A_31 = tpu.matmul %get3A_1, %get3A_30, %dot_general3A {dimension_numbers = #tpu.dot_dimension_numbers<[1], [0], [0], [1], [0, 0, 1, 1], [], []>, transpose_lhs_hint = false} : vector<10000x128xf32>, vector<128x128xf32>, vector<10000x128xf32> -> vector<10000x128xf32>
    %get3A_32 = arith.constant 0 : index
    %get3A_33 = arith.constant 0 : index
    %get3A_34 = arith.constant 0 : index
    %get3A_35 = vector.load %arg2[%get3A_32, %get3A_33, %get3A_34] : memref<4x1x128xf32, #tpu.memory_space<vmem>>, vector<1x1x128xf32>
    %get3A_36 = vector.shape_cast %get3A_35 : vector<1x1x128xf32> to vector<1x128xf32>
    %add3A = vector.broadcast %get3A_36 : vector<1x128xf32> to vector<10000x128xf32>
    %add3A_37 = arith.addf %dot_general3A_31, %add3A : vector<10000x128xf32>
    %eq3A = arith.constant 0 : i32
    %eq3A_38 = vector.broadcast %eq3A : i32 to vector<10000x128xi32>
    %eq3A_39 = arith.cmpi eq, %select_n3A, %eq3A_38 : vector<10000x128xi32>
    %select_n3A_40 = arith.select %eq3A_39, %add3A_37, %broadcast_in_dim3A_25 : vector<10000x128xi1>, vector<10000x128xf32>
    %get3A_41 = arith.constant 1 : index
    %get3A_42 = arith.constant 0 : index
    %get3A_43 = arith.constant 0 : index
    %get3A_44 = vector.load %arg1[%get3A_41, %get3A_42, %get3A_43] : memref<4x128x128xf32, #tpu.memory_space<vmem>>, vector<1x128x128xf32>
    %get3A_45 = vector.shape_cast %get3A_44 : vector<1x128x128xf32> to vector<128x128xf32>
    %dot_general3A_46 = arith.constant dense<0.000000e+00> : vector<10000x128xf32>
    %dot_general3A_47 = tpu.matmul %get3A_1, %get3A_45, %dot_general3A_46 {dimension_numbers = #tpu.dot_dimension_numbers<[1], [0], [0], [1], [0, 0, 1, 1], [], []>, transpose_lhs_hint = false} : vector<10000x128xf32>, vector<128x128xf32>, vector<10000x128xf32> -> vector<10000x128xf32>
    %get3A_48 = arith.constant 1 : index
    %get3A_49 = arith.constant 0 : index
    %get3A_50 = arith.constant 0 : index
    %get3A_51 = vector.load %arg2[%get3A_48, %get3A_49, %get3A_50] : memref<4x1x128xf32, #tpu.memory_space<vmem>>, vector<1x1x128xf32>
    %get3A_52 = vector.shape_cast %get3A_51 : vector<1x1x128xf32> to vector<1x128xf32>
    %add3A_53 = vector.broadcast %get3A_52 : vector<1x128xf32> to vector<10000x128xf32>
    %add3A_54 = arith.addf %dot_general3A_47, %add3A_53 : vector<10000x128xf32>
    %eq3A_55 = arith.constant 1 : i32
    %eq3A_56 = vector.broadcast %eq3A_55 : i32 to vector<10000x128xi32>
    %eq3A_57 = arith.cmpi eq, %select_n3A, %eq3A_56 : vector<10000x128xi32>
    %select_n3A_58 = arith.select %eq3A_57, %add3A_54, %select_n3A_40 : vector<10000x128xi1>, vector<10000x128xf32>
    %get3A_59 = arith.constant 2 : index
    %get3A_60 = arith.constant 0 : index
    %get3A_61 = arith.constant 0 : index
    %get3A_62 = vector.load %arg1[%get3A_59, %get3A_60, %get3A_61] : memref<4x128x128xf32, #tpu.memory_space<vmem>>, vector<1x128x128xf32>
    %get3A_63 = vector.shape_cast %get3A_62 : vector<1x128x128xf32> to vector<128x128xf32>
    %dot_general3A_64 = arith.constant dense<0.000000e+00> : vector<10000x128xf32>
    %dot_general3A_65 = tpu.matmul %get3A_1, %get3A_63, %dot_general3A_64 {dimension_numbers = #tpu.dot_dimension_numbers<[1], [0], [0], [1], [0, 0, 1, 1], [], []>, transpose_lhs_hint = false} : vector<10000x128xf32>, vector<128x128xf32>, vector<10000x128xf32> -> vector<10000x128xf32>
    %get3A_66 = arith.constant 2 : index
    %get3A_67 = arith.constant 0 : index
    %get3A_68 = arith.constant 0 : index
    %get3A_69 = vector.load %arg2[%get3A_66, %get3A_67, %get3A_68] : memref<4x1x128xf32, #tpu.memory_space<vmem>>, vector<1x1x128xf32>
    %get3A_70 = vector.shape_cast %get3A_69 : vector<1x1x128xf32> to vector<1x128xf32>
    %add3A_71 = vector.broadcast %get3A_70 : vector<1x128xf32> to vector<10000x128xf32>
    %add3A_72 = arith.addf %dot_general3A_65, %add3A_71 : vector<10000x128xf32>
    %eq3A_73 = arith.constant 2 : i32
    %eq3A_74 = vector.broadcast %eq3A_73 : i32 to vector<10000x128xi32>
    %eq3A_75 = arith.cmpi eq, %select_n3A, %eq3A_74 : vector<10000x128xi32>
    %select_n3A_76 = arith.select %eq3A_75, %add3A_72, %select_n3A_58 : vector<10000x128xi1>, vector<10000x128xf32>
    %get3A_77 = arith.constant 3 : index
    %get3A_78 = arith.constant 0 : index
    %get3A_79 = arith.constant 0 : index
    %get3A_80 = vector.load %arg1[%get3A_77, %get3A_78, %get3A_79] : memref<4x128x128xf32, #tpu.memory_space<vmem>>, vector<1x128x128xf32>
    %get3A_81 = vector.shape_cast %get3A_80 : vector<1x128x128xf32> to vector<128x128xf32>
    %dot_general3A_82 = arith.constant dense<0.000000e+00> : vector<10000x128xf32>
    %dot_general3A_83 = tpu.matmul %get3A_1, %get3A_81, %dot_general3A_82 {dimension_numbers = #tpu.dot_dimension_numbers<[1], [0], [0], [1], [0, 0, 1, 1], [], []>, transpose_lhs_hint = false} : vector<10000x128xf32>, vector<128x128xf32>, vector<10000x128xf32> -> vector<10000x128xf32>
    %get3A_84 = arith.constant 3 : index
    %get3A_85 = arith.constant 0 : index
    %get3A_86 = arith.constant 0 : index
    %get3A_87 = vector.load %arg2[%get3A_84, %get3A_85, %get3A_86] : memref<4x1x128xf32, #tpu.memory_space<vmem>>, vector<1x1x128xf32>
    %get3A_88 = vector.shape_cast %get3A_87 : vector<1x1x128xf32> to vector<1x128xf32>
    %add3A_89 = vector.broadcast %get3A_88 : vector<1x128xf32> to vector<10000x128xf32>
    %add3A_90 = arith.addf %dot_general3A_83, %add3A_89 : vector<10000x128xf32>
    %eq3A_91 = arith.constant 3 : i32
    %eq3A_92 = vector.broadcast %eq3A_91 : i32 to vector<10000x128xi32>
    %eq3A_93 = arith.cmpi eq, %select_n3A, %eq3A_92 : vector<10000x128xi32>
    %select_n3A_94 = arith.select %eq3A_93, %add3A_90, %select_n3A_76 : vector<10000x128xi1>, vector<10000x128xf32>
    %get3A_95 = arith.constant 0 : index
    %get3A_96 = arith.constant 0 : index
    %get3A_97 = vector.load %arg3[%get3A_95, %get3A_96] : memref<128x128xf32, #tpu.memory_space<vmem>>, vector<128x128xf32>
    %dot_general3A_98 = arith.constant dense<0.000000e+00> : vector<10000x128xf32>
    %dot_general3A_99 = tpu.matmul %select_n3A_94, %get3A_97, %dot_general3A_98 {dimension_numbers = #tpu.dot_dimension_numbers<[1], [0], [0], [1], [0, 0, 1, 1], [], []>, transpose_lhs_hint = false} : vector<10000x128xf32>, vector<128x128xf32>, vector<10000x128xf32> -> vector<10000x128xf32>
    %broadcast_in_dim3A_100 = arith.constant 0.000000e+00 : f32
    %broadcast_in_dim3A_101 = vector.broadcast %broadcast_in_dim3A_100 : f32 to vector<112x128xf32>
    %concatenate3A = tpu.concatenate %dot_general3A_99, %broadcast_in_dim3A_101 in 0 : vector<10000x128xf32>, vector<112x128xf32> -> vector<10112x128xf32>
    %swap3A = arith.constant 0 : index
    %swap3A_102 = arith.constant 0 : index
    %swap3A_103 = vector.load %arg4[%swap3A, %swap3A_102] : memref<10112x128xf32, #tpu.memory_space<vmem>>, vector<10112x128xf32>
    tpu.vector_store %arg4[%swap3A, %swap3A_102], %concatenate3A {strides = array<i32>} : memref<10112x128xf32, #tpu.memory_space<vmem>>, vector<10112x128xf32>,
    return
  }
}

module attributes {stable_mosaic.version = 14 : i64} {
  func.func @_tc_scale_body(%arg0: memref<10112x128xf32, #tpu.memory_space<vmem>>, %arg1: memref<2x10112x128xf32, #tpu.memory_space<vmem>>, %arg2: memref<10112x8xf32, #tpu.memory_space<vmem>>, %arg3: memref<10112x128xf32, #tpu.memory_space<vmem>>, %arg4: memref<10112x128xf32, #tpu.memory_space<vmem>>) attributes {dimension_semantics = [], scalar_prefetch = 0 : i64, scratch_operands = 0 : i64, tpu.core_type = #tpu.core_type<tc>} {
    %get3A = arith.constant 0 : index
    %get3A_0 = arith.constant 0 : index
    %get3A_1 = arith.constant 0 : index
    %get3A_2 = vector.load %arg1[%get3A, %get3A_0, %get3A_1] : memref<2x10112x128xf32, #tpu.memory_space<vmem>>, vector<1x10112x1xf32>
    %get3A_3 = vector.shape_cast %get3A_2 : vector<1x10112x1xf32> to vector<10112x1xf32>
    %get3A_4 = arith.constant 1 : index
    %get3A_5 = arith.constant 0 : index
    %get3A_6 = arith.constant 0 : index
    %get3A_7 = vector.load %arg1[%get3A_4, %get3A_5, %get3A_6] : memref<2x10112x128xf32, #tpu.memory_space<vmem>>, vector<1x10112x1xf32>
    %get3A_8 = vector.shape_cast %get3A_7 : vector<1x10112x1xf32> to vector<10112x1xf32>
    %add3A = arith.addf %get3A_3, %get3A_8 : vector<10112x1xf32>
    %add3A_9 = arith.constant 1.000000e+00 : f32
    %add3A_10 = vector.broadcast %add3A_9 : f32 to vector<10112x1xf32>
    %add3A_11 = arith.addf %add3A, %add3A_10 : vector<10112x1xf32>
    %rsqrt3A = math.rsqrt %add3A_11 : vector<10112x1xf32>
    %get3A_12 = arith.constant 0 : index
    %get3A_13 = arith.constant 0 : index
    %get3A_14 = vector.load %arg0[%get3A_12, %get3A_13] : memref<10112x128xf32, #tpu.memory_space<vmem>>, vector<10112x128xf32>
    %mul3A = vector.broadcast %rsqrt3A : vector<10112x1xf32> to vector<10112x128xf32>
    %mul3A_15 = arith.mulf %get3A_14, %mul3A : vector<10112x128xf32>
    %swap3A = arith.constant 0 : index
    %swap3A_16 = arith.constant 0 : index
    %swap3A_17 = vector.load %arg3[%swap3A, %swap3A_16] : memref<10112x128xf32, #tpu.memory_space<vmem>>, vector<10112x128xf32>
    tpu.vector_store %arg3[%swap3A, %swap3A_16], %mul3A_15 {strides = array<i32>} : memref<10112x128xf32, #tpu.memory_space<vmem>>, vector<10112x128xf32>,
    %iota3A = tpu.iota {dimensions = array<i32: 1>} : vector<10112x128xi32>
    %eq3A = arith.constant 0 : i32
    %eq3A_18 = vector.broadcast %eq3A : i32 to vector<10112x128xi32>
    %eq3A_19 = arith.cmpi eq, %iota3A, %eq3A_18 : vector<10112x128xi32>
    %jit3A = arith.constant 0.000000e+00 : f32
    %broadcast_in_dim3A = vector.shape_cast %rsqrt3A : vector<10112x1xf32> to vector<10112x1xf32>
    %broadcast_in_dim3A_20 = vector.broadcast %broadcast_in_dim3A : vector<10112x1xf32> to vector<10112x128xf32>
    %broadcast_in_dim3A_21 = vector.broadcast %jit3A : f32 to vector<10112x128xf32>
    %select_n3A = arith.select %eq3A_19, %broadcast_in_dim3A_20, %broadcast_in_dim3A_21 : vector<10112x128xi1>, vector<10112x128xf32>
    %eq3A_22 = arith.constant 1 : i32
    %eq3A_23 = vector.broadcast %eq3A_22 : i32 to vector<10112x128xi32>
    %eq3A_24 = arith.cmpi eq, %iota3A, %eq3A_23 : vector<10112x128xi32>
    %get3A_25 = arith.constant 0 : index
    %get3A_26 = arith.constant 0 : index
    %get3A_27 = vector.load %arg2[%get3A_25, %get3A_26] : memref<10112x8xf32, #tpu.memory_space<vmem>>, vector<10112x1xf32>
    %jit3A_28 = arith.constant 0.000000e+00 : f32
    %broadcast_in_dim3A_29 = vector.shape_cast %get3A_27 : vector<10112x1xf32> to vector<10112x1xf32>
    %broadcast_in_dim3A_30 = vector.broadcast %broadcast_in_dim3A_29 : vector<10112x1xf32> to vector<10112x128xf32>
    %broadcast_in_dim3A_31 = vector.broadcast %jit3A_28 : f32 to vector<10112x128xf32>
    %select_n3A_32 = arith.select %eq3A_24, %broadcast_in_dim3A_30, %broadcast_in_dim3A_31 : vector<10112x128xi1>, vector<10112x128xf32>
    %add3A_33 = arith.addf %select_n3A, %select_n3A_32 : vector<10112x128xf32>
    %swap3A_34 = arith.constant 0 : index
    %swap3A_35 = arith.constant 0 : index
    %swap3A_36 = vector.load %arg4[%swap3A_34, %swap3A_35] : memref<10112x128xf32, #tpu.memory_space<vmem>>, vector<10112x128xf32>
    tpu.vector_store %arg4[%swap3A_34, %swap3A_35], %add3A_33 {strides = array<i32>} : memref<10112x128xf32, #tpu.memory_space<vmem>>, vector<10112x128xf32>,
    return
  }
}

module attributes {stable_mosaic.version = 14 : i64} {
  func.func @_tc_layer_body(%arg0: memref<2x10112x128xf32, #tpu.memory_space<vmem>>, %arg1: memref<10112x128xf32, #tpu.memory_space<vmem>>, %arg2: memref<10112x128xf32, #tpu.memory_space<vmem>>, %arg3: memref<1x128xf32, #tpu.memory_space<vmem>>, %arg4: memref<128x128xf32, #tpu.memory_space<vmem>>, %arg5: memref<10112x128xf32, #tpu.memory_space<vmem>>) attributes {dimension_semantics = [], scalar_prefetch = 0 : i64, scratch_operands = 0 : i64, tpu.core_type = #tpu.core_type<tc>} {
    %get3A = arith.constant 0 : index
    %get3A_0 = arith.constant 0 : index
    %get3A_1 = vector.load %arg2[%get3A, %get3A_0] : memref<10112x128xf32, #tpu.memory_space<vmem>>, vector<10112x1xf32>
    %get3A_2 = arith.constant 0 : index
    %get3A_3 = arith.constant 0 : index
    %get3A_4 = arith.constant 0 : index
    %get3A_5 = vector.load %arg0[%get3A_2, %get3A_3, %get3A_4] : memref<2x10112x128xf32, #tpu.memory_space<vmem>>, vector<1x10112x128xf32>
    %get3A_6 = vector.shape_cast %get3A_5 : vector<1x10112x128xf32> to vector<10112x128xf32>
    %get3A_7 = arith.constant 1 : index
    %get3A_8 = arith.constant 0 : index
    %get3A_9 = arith.constant 0 : index
    %get3A_10 = vector.load %arg0[%get3A_7, %get3A_8, %get3A_9] : memref<2x10112x128xf32, #tpu.memory_space<vmem>>, vector<1x10112x128xf32>
    %get3A_11 = vector.shape_cast %get3A_10 : vector<1x10112x128xf32> to vector<10112x128xf32>
    %add3A = arith.addf %get3A_6, %get3A_11 : vector<10112x128xf32>
    %get3A_12 = arith.constant 0 : index
    %get3A_13 = arith.constant 0 : index
    %get3A_14 = vector.load %arg1[%get3A_12, %get3A_13] : memref<10112x128xf32, #tpu.memory_space<vmem>>, vector<10112x128xf32>
    %add3A_15 = arith.addf %add3A, %get3A_14 : vector<10112x128xf32>
    %mul3A = vector.broadcast %get3A_1 : vector<10112x1xf32> to vector<10112x128xf32>
    %mul3A_16 = arith.mulf %mul3A, %add3A_15 : vector<10112x128xf32>
    %get3A_17 = arith.constant 0 : index
    %get3A_18 = arith.constant 0 : index
    %get3A_19 = vector.load %arg3[%get3A_17, %get3A_18] : memref<1x128xf32, #tpu.memory_space<vmem>>, vector<1x128xf32>
    %add3A_20 = vector.broadcast %get3A_19 : vector<1x128xf32> to vector<10112x128xf32>
    %add3A_21 = arith.addf %mul3A_16, %add3A_20 : vector<10112x128xf32>
    %max3A = arith.constant 0.000000e+00 : f32
    %max3A_22 = vector.broadcast %max3A : f32 to vector<10112x128xf32>
    %max3A_23 = arith.maximumf %add3A_21, %max3A_22 : vector<10112x128xf32>
    %get3A_24 = arith.constant 0 : index
    %get3A_25 = arith.constant 0 : index
    %get3A_26 = vector.load %arg4[%get3A_24, %get3A_25] : memref<128x128xf32, #tpu.memory_space<vmem>>, vector<128x128xf32>
    %dot_general3A = arith.constant dense<0.000000e+00> : vector<10112x128xf32>
    %dot_general3A_27 = tpu.matmul %max3A_23, %get3A_26, %dot_general3A {dimension_numbers = #tpu.dot_dimension_numbers<[1], [0], [0], [1], [0, 0, 1, 1], [], []>, transpose_lhs_hint = false} : vector<10112x128xf32>, vector<128x128xf32>, vector<10112x128xf32> -> vector<10112x128xf32>
    %mul3A_28 = vector.broadcast %get3A_1 : vector<10112x1xf32> to vector<10112x128xf32>
    %mul3A_29 = arith.mulf %dot_general3A_27, %mul3A_28 : vector<10112x128xf32>
    %swap3A = arith.constant 0 : index
    %swap3A_30 = arith.constant 0 : index
    %swap3A_31 = vector.load %arg5[%swap3A, %swap3A_30] : memref<10112x128xf32, #tpu.memory_space<vmem>>, vector<10112x128xf32>
    tpu.vector_store %arg5[%swap3A, %swap3A_30], %mul3A_29 {strides = array<i32>} : memref<10112x128xf32, #tpu.memory_space<vmem>>, vector<10112x128xf32>,
    return
  }
}

module attributes {stable_mosaic.version = 14 : i64} {
  func.func @_tc_final_body(%arg0: memref<1024x128xf32, #tpu.memory_space<vmem>>, %arg1: memref<1024x128xf32, #tpu.memory_space<vmem>>, %arg2: memref<1024x128xf32, #tpu.memory_space<vmem>>, %arg3: memref<1024x128xf32, #tpu.memory_space<vmem>>, %arg4: memref<1x128xf32, #tpu.memory_space<vmem>>, %arg5: memref<128x128xf32, #tpu.memory_space<vmem>>, %arg6: memref<1x128xf32, #tpu.memory_space<vmem>>, %arg7: memref<1024x128xf32, #tpu.memory_space<vmem>>) attributes {dimension_semantics = [], scalar_prefetch = 0 : i64, scratch_operands = 0 : i64, tpu.core_type = #tpu.core_type<tc>} {
    %get3A = arith.constant 0 : index
    %get3A_0 = arith.constant 0 : index
    %get3A_1 = vector.load %arg3[%get3A, %get3A_0] : memref<1024x128xf32, #tpu.memory_space<vmem>>, vector<1024x1xf32>
    %get3A_2 = arith.constant 0 : index
    %get3A_3 = arith.constant 0 : index
    %get3A_4 = vector.load %arg0[%get3A_2, %get3A_3] : memref<1024x128xf32, #tpu.memory_space<vmem>>, vector<1024x128xf32>
    %get3A_5 = arith.constant 0 : index
    %get3A_6 = arith.constant 0 : index
    %get3A_7 = vector.load %arg1[%get3A_5, %get3A_6] : memref<1024x128xf32, #tpu.memory_space<vmem>>, vector<1024x128xf32>
    %add3A = arith.addf %get3A_4, %get3A_7 : vector<1024x128xf32>
    %get3A_8 = arith.constant 0 : index
    %get3A_9 = arith.constant 0 : index
    %get3A_10 = vector.load %arg2[%get3A_8, %get3A_9] : memref<1024x128xf32, #tpu.memory_space<vmem>>, vector<1024x128xf32>
    %add3A_11 = arith.addf %add3A, %get3A_10 : vector<1024x128xf32>
    %mul3A = vector.broadcast %get3A_1 : vector<1024x1xf32> to vector<1024x128xf32>
    %mul3A_12 = arith.mulf %mul3A, %add3A_11 : vector<1024x128xf32>
    %get3A_13 = arith.constant 0 : index
    %get3A_14 = arith.constant 0 : index
    %get3A_15 = vector.load %arg4[%get3A_13, %get3A_14] : memref<1x128xf32, #tpu.memory_space<vmem>>, vector<1x128xf32>
    %add3A_16 = vector.broadcast %get3A_15 : vector<1x128xf32> to vector<1024x128xf32>
    %add3A_17 = arith.addf %mul3A_12, %add3A_16 : vector<1024x128xf32>
    %max3A = arith.constant 0.000000e+00 : f32
    %max3A_18 = vector.broadcast %max3A : f32 to vector<1024x128xf32>
    %max3A_19 = arith.maximumf %add3A_17, %max3A_18 : vector<1024x128xf32>
    %get3A_20 = arith.constant 0 : index
    %get3A_21 = arith.constant 0 : index
    %get3A_22 = vector.load %arg5[%get3A_20, %get3A_21] : memref<128x128xf32, #tpu.memory_space<vmem>>, vector<128x128xf32>
    %dot_general3A = arith.constant dense<0.000000e+00> : vector<1024x128xf32>
    %dot_general3A_23 = tpu.matmul %max3A_19, %get3A_22, %dot_general3A {dimension_numbers = #tpu.dot_dimension_numbers<[1], [0], [0], [1], [0, 0, 1, 1], [], []>, transpose_lhs_hint = false} : vector<1024x128xf32>, vector<128x128xf32>, vector<1024x128xf32> -> vector<1024x128xf32>
    %get3A_24 = arith.constant 0 : index
    %get3A_25 = arith.constant 0 : index
    %get3A_26 = vector.load %arg6[%get3A_24, %get3A_25] : memref<1x128xf32, #tpu.memory_space<vmem>>, vector<1x128xf32>
    %add3A_27 = vector.broadcast %get3A_26 : vector<1x128xf32> to vector<1024x128xf32>
    %add3A_28 = arith.addf %dot_general3A_23, %add3A_27 : vector<1024x128xf32>
    %swap3A = arith.constant 0 : index
    %swap3A_29 = arith.constant 0 : index
    %swap3A_30 = vector.load %arg7[%swap3A, %swap3A_29] : memref<1024x128xf32, #tpu.memory_space<vmem>>, vector<1024x128xf32>
    tpu.vector_store %arg7[%swap3A, %swap3A_29], %add3A_28 {strides = array<i32>} : memref<1024x128xf32, #tpu.memory_space<vmem>>, vector<1024x128xf32>,
    return
  }
}

</mosaic_0001>

<sc_bundles>
// kernel: kernel.12.cloned.1.call-start
scs
__scs_entry_jumppad:
0x0: {  	(pc) =	sbr.rel $0x88, $3  }
0x1: {  	(tag) =	ssettag $0x0;
	lr =	simm.s32 $0x1  }
0x2: {  	[smem:$0x3F97] =	sst lr;
	_ =	strace $0xD0000000  }
0x3: {  	_ = 	snop  }
0x4: {  	_ = 	snop  }
0x5: {  	_ = 	snop  }
0x6: {  	_ = 	snop  }
0x7: {  	_ = 	snop  }
__scs_overlays_trampoline_lowered:
0x8: {  	[smem:$0x3FA6] =	sst s0  }
0x9: {  	[smem:$0x3FA7] =	sst s1  }
0xa: {  	[smem:$0x3FA8] =	sst s2  }
0xb: {  	[smem:$0x3FA9] =	sst s3  }
0xc: {  	[smem:$0x3FAA] =	sst s4  }
0xd: {  	[smem:$0x3FAB] =	sst s5  }
0xe: {  	[smem:$0x3FAC] =	sst s6  }
0xf: {  	[smem:$0x3FAD] =	sst s7  }
0x10: {  	[smem:$0x3FAE] =	sst s8  }
0x11: {  	[smem:$0x3FAF] =	sst s9;
	s0 =	simm.s32 @!p0 $0x0  }
0x12: {  	s1 =	sld [smem:$0x3F95];
	s0 =	simm.s32 @p0 $0x1  }
0x13: {  	[smem:$0x3FB0] =	sst s0;
	s0 =	simm.s32 @!p1 $0x0  }
0x14: {  	s2 =	sld [smem:$0x3F94];
	s0 =	simm.s32 @p1 $0x1  }
0x15: {  	[smem:$0x3FB1] =	sst s0;
	s0 =	simm.s32 @!p2 $0x0  }
0x16: {  	s3 =	sld [smem:$0x3FDB];
	s0 =	simm.s32 @p2 $0x1  }
0x17: {  	s4 =	simm.s32 $0x1BF5;
	[smem:$0x3FB3] =	sst s0  }
0x18: {  	s0 =	sld [smem:$0x3F96];
	_ =	swait.ge [sflag:s4], $0x0  }
0x19: {  	s7 =	sld [smem:$0x3F97]  }
0x1a: {  	s8 =	sadd.s32 $0xFFFFE003, lr  }
0x1b: {  	s9 =	sadd.s32 $0xFFFFFEF7, lr;
	s5 =	simm.s32 $0xFFFFFFFF;
	p2 =	slt.u32 s8, $0xFFFFF086  }
0x1c: {  	p1 =	slt.u32 s9, $0xF7A;
	s5 =	simm.s32 @!p2 $0x0  }
0x1d: {  	s5 =	simm.s32 @p1 $0x1;
	p0 =	seq.s32 s7, s2  }
0x1e: {  	s7 =	smul.u32 @!p0 $0xF7A, s2;
	p2 =	seq.s32 @!p0 s5, $0x0  }
0x1f: {  	s9 =	smul.u32 $0xF7A, s1;
	s8 =	simm.s32 @!p0 $0x1BF5;
	p2 =	por !p2, p0  }
0x20: {  	[sflag:s8] =	ssyncset.s32 @!p0 $0xFFFFF086;
	s6 =	sadd.s32 @!p0 s3, s7;
	s7 =	simm.s32 @!p0 $0x108  }
0x21: {  	s3 =	sadd.s32 s3, s9;
	s6 =	sadd.s32 @!p0 $0x88, s6;
	s7 =	simm.s32 @p2 $0x1082  }
0x22: {  	[simem:s7], [sflag:s8] =	dma.local @!p0 [hbm:s6], $0xF7A  }
0x23: {  	s9 =	sor.u32 $0xD0000000, s2;
	s6 =	simm.s32 $0x108;
	_ =	swait.ge @!p0 [sflag:s8], $0x0  }
0x24: {  	s3 =	sadd.s32 $0x88, s3;
	s6 =	simm.s32 @!p1 $0x1082;
	[sflag:s4] =	ssyncset.s32 $0xFFFFF086  }
0x25: {  	[simem:s6], [sflag:s4] =	dma.local [hbm:s3], $0xF7A  }
0x26: {  	[smem:$0x3F97] =	sst s1;
	(tag) =	ssettag s2;
	_ =	strace s9  }
0x27: {  	s1 =	sld [smem:$0x3FA7]  }
0x28: {  	s2 =	sld [smem:$0x3FA8]  }
0x29: {  	s4 =	sld [smem:$0x3FAA]  }
0x2a: {  	p0 =	seq.s32 s5, $0x0;
	s5 =	sld [smem:$0x3FAB]  }
0x2b: {  	s6 =	sld [smem:$0x3FAC]  }
0x2c: {  	s7 =	sld [smem:$0x3FAD]  }
0x2d: {  	s3 =	simm.s32 $0x108;
	s8 =	sld [smem:$0x3FAE]  }
0x2e: {  	s3 =	simm.s32 @!p0 $0x1082;
	s9 =	sld [smem:$0x3FAF]  }
0x2f: {  	lr =	sadd.s32 s0, s3;
	s0 =	sld [smem:$0x3FA6]  }
0x30: {  	s3 =	sld [smem:$0x3FA9]  }
0x31: {  	[smem:$0x3FB2] =	sst s10  }
0x32: {  	s10 =	sld [smem:$0x3FB0];
	_ =	sdelay $0x3  }
0x33: {  	p0 =	seq.s32 s10, $0x1;
	s10 =	sld [smem:$0x3FB2];
	_ =	sdelay $0x3  }
0x34: {  	[smem:$0x3FB2] =	sst s10  }
0x35: {  	s10 =	sld [smem:$0x3FB1];
	_ =	sdelay $0x3  }
0x36: {  	p1 =	seq.s32 s10, $0x1;
	s10 =	sld [smem:$0x3FB2];
	_ =	sdelay $0x3  }
0x37: {  	[smem:$0x3FB2] =	sst s10  }
0x38: {  	s10 =	sld [smem:$0x3FB3]  }
0x39: {  	_ = 	snop;
	(pc) =	sbr.ind lr, $3  }
0x3a: {  	_ = 	snop  }
0x3b: {  	_ = 	snop  }
0x3c: {  	p2 =	seq.s32 s10, $0x1;
	s10 =	sld [smem:$0x3FB2]  }
0x3d: {  	_ =	shalt  }
0x3e: {  	_ =	shalt  }
0x3f: {  	_ =	shalt  }
0x40: {  	_ =	shalt  }
0x41: {  	_ =	shalt  }
0x42: {  	_ =	shalt  }
0x43: {  	_ =	shalt  }
0x44: {  	_ =	shalt  }
0x45: {  	_ =	shalt  }
0x46: {  	_ =	shalt  }
0x47: {  	_ =	shalt  }
0x48: {  	_ =	shalt  }
0x49: {  	_ =	shalt  }
0x4a: {  	_ =	shalt  }
0x4b: {  	_ =	shalt  }
0x4c: {  	_ =	shalt  }
0x4d: {  	_ =	shalt  }
0x4e: {  	_ =	shalt  }
0x4f: {  	_ =	shalt  }
0x50: {  	_ =	shalt  }
0x51: {  	_ =	shalt  }
0x52: {  	_ =	shalt  }
0x53: {  	_ =	shalt  }
0x54: {  	_ =	shalt  }
0x55: {  	_ =	shalt  }
0x56: {  	_ =	shalt  }
0x57: {  	_ =	shalt  }
0x58: {  	_ =	shalt  }
0x59: {  	_ =	shalt  }
0x5a: {  	_ =	shalt  }
0x5b: {  	_ =	shalt  }
0x5c: {  	_ =	shalt  }
0x5d: {  	_ =	shalt  }
0x5e: {  	_ =	shalt  }
0x5f: {  	_ =	shalt  }
0x60: {  	_ =	shalt  }
0x61: {  	_ =	shalt  }
0x62: {  	_ =	shalt  }
0x63: {  	_ =	shalt  }
0x64: {  	_ =	shalt  }
0x65: {  	_ =	shalt  }
0x66: {  	_ =	shalt  }
0x67: {  	_ =	shalt  }
0x68: {  	_ =	shalt  }
0x69: {  	_ =	shalt  }
0x6a: {  	_ =	shalt  }
0x6b: {  	_ =	shalt  }
0x6c: {  	_ =	shalt  }
0x6d: {  	_ =	shalt  }
0x6e: {  	_ =	shalt  }
0x6f: {  	_ =	shalt  }
0x70: {  	_ =	shalt  }
0x71: {  	_ =	shalt  }
0x72: {  	_ =	shalt  }
0x73: {  	_ =	shalt  }
0x74: {  	_ =	shalt  }
0x75: {  	_ =	shalt  }
0x76: {  	_ =	shalt  }
0x77: {  	_ =	shalt  }
0x78: {  	_ =	shalt  }
0x79: {  	_ =	shalt  }
0x7a: {  	_ =	shalt  }
0x7b: {  	_ =	shalt  }
0x7c: {  	_ =	shalt  }
0x7d: {  	_ =	shalt  }
0x7e: {  	_ =	shalt  }
0x7f: {  	_ =	shalt  }
0x80: {  	_ =	shalt  }
0x81: {  	_ =	shalt  }
0x82: {  	_ =	shalt  }
0x83: {  	_ =	shalt  }
0x84: {  	_ =	shalt  }
0x85: {  	_ =	shalt  }
0x86: {  	_ =	shalt  }
0x87: {  	_ =	shalt  }
.Lfunc_end0:
.L_simem_size_0:
called_computation.1_lowered:
.L_overlay_start_0:
0x88: {  	s2 =	sld [smem:$0x3FD9]  }
0x89: {  	s3 =	sld [smem:$0x3FFE];
	_ =	sdelay $0x1  }
0x8a: {  	s1 =	srdreg.scid  }
0x8b: {  	s0 =	sand.u32 $0x1, s1  }
0x8c: {  	s16 =	sshll.u32 s0, $0xA;
	s2 =	sadd.s32 s3, s2  }
0x8d: {  	s2 =	sadd.s32 s2, s16  }
0x8e: {  	[smem:$0x3FBE] =	sst s2  }
0x8f: {  	_ = 	snop  }
0x90: {  	(tm) =	ssettm $0x1  }
0x91: {  	s17 =	sld [smem:$0x3FFB];
	_ =	sdelay $0x3  }
0x92: {  	_ =	strace s17  }
0x93: {  	s2 =	sld [smem:$0x3FFC];
	_ =	sdelay $0x3  }
0x94: {  	_ =	strace s2  }
0x95: {  	s2 =	sld [smem:$0x3FFD];
	_ =	sdelay $0x3  }
0x96: {  	_ =	strace s2  }
0x97: {  	_ =	strace $0x8FFFFFFF  }
0x98: {  	s18 =	sld [smem:$0x3FDB];
	_ =	sdelay $0x1  }
0x99: {  	s19 =	simm.s32 $_scs_section_size  }
0x9a: {  	s4 =	simm.s32 $_size__tile_overlayer_lowered;
	s5 =	simm.s32 $_tile_overlayer_lowered  }
0x9b: {  	s22 =	simm.s32 $0x1BFF;
	s21 =	sshll.u32 s5, $0x1;
	s2 =	sadd.s32 s19, s18  }
0x9c: {  	s6 =	simm.s32 $0x0;
	s20 =	sshll.u32 s4, $0x1;
	s4 =	sadd.s32 s21, s2  }
0x9d: {  	[timem:s6], [sflag:s22] =	dma.local [hbm:s4], s20  }
0x9e: {  	_ =	swait.ge [sflag:s22], s20  }
0x9f: {  	s3 =	ssub.s32 $0x0, s20;
	[sflag:s22] =	ssyncset.done $0x0  }
0xa0: {  	[sflag:s22] =	ssyncadd.s32 s3;
	_ =	sdelay $0x1  }
0xa1: {  	s23 =	simm.s32 $0x1B8B  }
0xa2: {  	_ =	swait.ge [sflag:s23], $0x1  }
0xa3: {  	[sflag:s23] =	ssyncset.done $0x0  }
0xa4: {  	s25 =	simm.s32 $0x1B8E;
	s24 =	sld [smem:$0x3FFE];
	[sflag:s23] =	ssyncadd.s32 $0xFFFFFFFF  }
0xa5: {  	s26 =	simm.s32 $execute0_lowered;
	[smem:$0x3FD2] =	sst s25  }
0xa6: {  	s4 =	sshll.u32 s26, $0x1;
	_ =	strace $0x80000049;
	[dreg:$0x1] =	wrdreg $0xFFFFFFFF  }
0xa7: {  	s28 =	simm.s32 $_size_execute0_lowered;
	s2 =	sadd.s32 s2, s4;
	[dreg:$0x0] =	wrdreg $0x0  }
0xa8: {  	s4 =	sshll.u32 s28, $0x1;
	[dreg:$0x2] =	wrdreg s2  }
0xa9: {  	[dreg:$0x3] =	wrdreg s4  }
0xaa: {  	[dreg:$0x4] =	wrdreg $0xC0  }
0xab: {  	_ =	task [dreg:s6], $0x5FFFF  }
0xac: {  	[dreg:$0x1] =	wrdreg $0xFFFFFFFF  }
0xad: {  	[dreg:$0x0] =	wrdreg $0x60  }
0xae: {  	[dreg:$0x2] =	wrdreg s24  }
0xaf: {  	[dreg:$0x3] =	wrdreg $0xA0000  }
0xb0: {  	[dreg:$0x4] =	wrdreg $0x9  }
0xb1: {  	_ =	task.clear_ibuf [dreg:s6], $0x5FFFF;
	_ =	strace $0x90000049  }
0xb2: {  	s29 =	simm.s32 $0x9;
	_ =	strace $0x8000004B  }
0xb3: {  	_ =	swait.ge [sflag:s29], $0x1  }
0xb4: {  	[sflag:s29] =	ssyncadd.s32 $0xFFFFFFFF  }
0xb5: {  	_ =	strace $0x9000004B  }
0xb6: {  	_ =	sfence  }
0xb7: {  	s30 =	sld [smem:$0x0];
	_ =	sdelay $0x2  }
0xb8: {  	s31 =	sshll.u32 s1, $0xD;
	s1 =	sshrl.u32 s1, $0x2  }
0xb9: {  	s3 =	sand.u32 $0x4000, s31;
	s1 =	sadd.s32 s1, s30  }
0xba: {  	s0 =	sor.u32 s3, s0;
	s1 =	sshll.u32 s1, $0x11  }
0xbb: {  	s0 =	sor.u32 s1, s0  }
0xbc: {  	s0 =	sadd.s32 $0x8F2B, s0  }
0xbd: {  	[sflag:s0] =	ssyncadd.remote.s32 $0x1  }
0xbe: {  	_ =	sfence.sel $0xFFFF  }
0xbf: {  	[dreg:$0x0] =	wrdreg $0xFFFFFFFF;
	(pc) =	sbr.abs _section_cstart, $3  }
0xc0: {  	[dreg:$0x1] =	wrdreg $0xFFFFFFFF  }
0xc1: {  	_ =	task.clear_ibuf [dreg:s6], $0x2FFFF;
	_ =	strace $0x9FFFFFFF  }
0xc2: {  	(tm) =	ssettm $0x7FFFFFFF  }
0xc3: {  	_ =	shalt  }
tec
execute0_lowered:
.L_overlay_start_1:
0x0: {  	(tag) =	ssettag $0x1  }
0x1: {  	s0 =	rddreg [dreg:$0x0]  }
0x2: {  	s2 =	rddreg [dreg:$0x1];
	s3 =	simm.s32 $0x0  }
0x3: {  	s13 =	stileid.u32;
	s1 =	srdreg.scid;
	s16 =	simm.s32 $0x4  }
0x4: {  	s20 =	simm.s32 $0x80;
	s22 =	simm.s32 $0x2;
	s25 =	simm.s32 $0x0  }
0x5: {  	[smem:$0x7FF] =	sst s3;
	s5 =	smul.u32 $0x13C00, s13;
	s1 =	sand.u32 $0x1, s1  }
0x6: {  	s4 =	sadd.s32 $0x3E600, s0;
	s9 =	sadd.s32 $0x8D600, s0;
	s10 =	sadd.s32 $0xCE00, s0  }
0x7: {  	s11 =	smul.u32 $0x4F000, s13;
	s29 =	sshll.u32 s13, $0x6;
	_ =	strace $0x8000004A  }
0x8: {  	s6 =	smul.u32 $0x13C000, s1;
	s8 =	ssub.s32 $0x2, s1;
	p0 =	seq.s32 s1, $0x0  }
0x9: {  	s7 =	sshrl.u32 s5, $0x3;
	s26 =	sshrl.u32 s8, $0x1;
	s11 =	sshrl.u32 s11, $0x2  }
0xa: {  	s5 =	sadd.s32 s5, s6;
	s6 =	smul.u32 $0x50, s13;
	s7 =	sadd.s32 s7, s0  }
0xb: {  	s12 =	ssub.s32 s8, s26;
	s14 =	sadd.s32 s11, s2;
	s5 =	sshrl.u32 s5, $0x3  }
0xc: {  	s28 =	sadd.s32 $0x16E00, s7;
	s12 =	smax.u32 s12, $0x1;
	s1 =	sadd.s32 $0x500, s6  }
0xd: {  	s15 =	sshrl.u32 s14, $0x3;
	s0 =	sadd.s32 s5, s0;
	s1 =	smov.u32 @p0 s6  }
0xe: {  	[dreg:$0x3] =	wrdreg s28;
	s6 =	sor.u32 $0x1C04, s29;
	s1 =	sshll.u32 s1, $0x4  }
0xf: {  	s11 =	sadd.s32 $0x97600, s0;
	s7 =	sadd.s32 s9, s1;
	s30 =	sadd.s32 $0x100, s1  }
0x10: {  	s8 =	sadd.s32 s10, s1;
	s31 =	sadd.s32 s9, s30;
	s10 =	sadd.s32 s10, s30  }
0x11: {  	s13 =	sadd.s32 $0x110, s7;
	s1 =	sadd.s32 $0x110, s8;
	[dreg:$0x4] =	wrdreg s31  }
.LBB2_1:
0x12: {  	s0 =	rddreg [dreg:$0x3]  }
0x13: {  	[spmem:s15], [sflag:s6] =	dma.local [hbm:s0], $0x2780  }
0x14: {  	_ =	swait.ge [sflag:s16], $0x2780  }
0x15: {  	[sflag:s16] =	ssyncset.done $0x0  }
0x16: {  	[sflag:s16] =	ssyncadd.s32 $0xFFFFD880  }
0x17: {  	[tilespmem:s3], [sflag:$0x4] =	stream.linear.gather [hbm4b:s7+s3], $0x800, $0x38;
	[tilespmem:$0x1DC00] =	vst v63  }
0x18: {  	_ =	swait.ge [sflag:s16], $0x800  }
0x19: {  	[sflag:s16] =	ssyncset.done $0x0  }
0x1a: {  	s17 =	simm.s32 $0x1000;
	[sflag:s16] =	ssyncadd.s32 $0xFFFFF800  }
0x1b: {  	[tilespmem:s17], [sflag:$0x4] =	stream.linear.gather [hbm4b:s8+s3], $0x800, $0x38;
	[tilespmem:$0x1DC00] =	vst v63  }
0x1c: {  	s5 =	simm.s32 $0x800;
	_ =	swait.ge [sflag:s16], $0x800  }
0x1d: {  	s19 =	simm.s32 $0x1800;
	s23 =	simm.s32 $0x0;
	[sflag:s16] =	ssyncset.done $0x0  }
0x1e: {  	s14 =	sand.u32 $0xF, s23;
	s18 =	rddreg [dreg:$0x4];
	[sflag:s16] =	ssyncadd.s32 $0xFFFFF800  }
0x1f: {  	[tilespmem:s5], [sflag:$0x3] =	stream.linear.gather [hbm4b:s18+s3], $0x800, $0x38;
	[tilespmem:$0x1DC00] =	vst v63  }
0x20: {  	s21 =	simm.s32 $0x2000;
	s26 =	simm.s32 $0x1;
	p0 =	sne.s32 s14, $0xF  }
0x21: {  	[tilespmem:s19], [sflag:$0x3] =	stream.linear.gather [hbm4b:s10+s3], $0x800, $0x38;
	[tilespmem:$0x1DC00] =	vst v63  }
0x22: {  	s31 =	simm.s32 $0x2;
	s17 =	simm.s32 @!p0 $0x3;
	[bflag:$0x0] =	sbarrier.arrive $0xFFFF  }
0x23: {  	[tilespmem:s21], [sflag:$0x1] =	stream.indirect.gather [hbm4b:s4+s20], $0x80, s3, s20, $0xb8;
	[tilespmem:$0x1DC00] =	vst v63  }
0x24: {  	s30 =	simm.s32 $0x1;
	s26 =	sand.u32 $0x1, s26;
	_ =	swait.ge @!p0 [sflag:s17], $0x800  }
0x25: {  	s0 =	sand.u32 $0x1, s23;
	p1 =	seq.s32 s26, $0x1;
	[sflag:s17] =	ssyncset.done @!p0 $0x0  }
0x26: {  	s24 =	sshll.u32 s14, $0x7;
	s26 =	simm.s32 @p1 $0x6000;
	[sflag:s17] =	ssyncadd.s32 @!p0 $0xFFFFF800  }
0x27: {  	s29 =	simm.s32 @!p1 $0x2000;
	s19 =	simm.s32 $0x200;
	_ =	swait.ge @!p0 [sflag:s17], $0x800  }
0x28: {  	s18 =	simm.s32 $0x0;
	s19 =	sand.u32 $0x3E00, s19;
	[sflag:s17] =	ssyncset.done @!p0 $0x0  }
0x29: {  	s18 =	sand.u32 $0x1, s18;
	[sflag:s17] =	ssyncadd.s32 @!p0 $0xFFFFF800;
	s17 =	sshrl.u32 s19, $0x2  }
0x2a: {  	s19 =	simm.s32 @p1 $0x80;
	p0 =	seq.s32 s0, $0x1;
	s0 =	simm.s32 $0x2  }
0x2b: {  	[tilespmem:s26], [sflag:$0x2] =	stream.indirect.gather @p1 [hbm4b:s4+s19], $0x80, s17, s19, $0xb8;
	[tilespmem:$0x1DC00] =	vst v63  }
0x2c: {  	s26 =	simm.s32 @!p1 $0x80;
	s0 =	simm.s32 @!p0 $0x1;
	s19 =	simm.s32 $0x6000  }
0x2d: {  	[tilespmem:s29], [sflag:$0x1] =	stream.indirect.gather @!p1 [hbm4b:s4+s26], $0x80, s17, s26, $0xb8;
	[tilespmem:$0x1DC00] =	vst v63  }
0x2e: {  	s28 =	sshll.u32 s18, $0xB;
	s19 =	simm.s32 @!p0 $0x2000;
	_ =	swait.ge [sflag:s0], $0x4000  }
0x2f: {  	s26 =	sor.u32 s24, s28;
	p1 =	por $0x0, $0x0;
	[sflag:s0] =	ssyncset.done $0x0  }
0x30: {  	s29 =	simm.s32 $0x400;
	s17 =	sor.u32 $0x1000, s26;
	[sflag:s0] =	ssyncadd.s32 $0xFFFFC000  }
0x31: {  	[spmem:s2] =	stream.indirect.scatter.add.f32 [tilespmem:s19], [sflag:$0x4], $0x80, s17, s20, $0xb8;
	[tilespmem:$0x1DC00] =	vst v63  }
0x32: {  	s28 =	sadd.s32 $0x10, s13;
	p0 =	sne.s32 @!p1 s14, $0xF;
	_ =	swait.ge [sflag:s16], $0x4000  }
0x33: {  	s26 =	sadd.s32 $0x10, s1;
	p1 =	por p0, p1;
	[sflag:s16] =	ssyncset.done $0x0  }
0x34: {  	s14 =	sshll.u32 @!p1 s18, $0xB;
	s18 =	simm.s32 @!p1 $0x0;
	[sflag:s16] =	ssyncadd.s32 $0xFFFFC000  }
0x35: {  	[tilespmem:s14], [sflag:$0x3] =	stream.linear.gather @!p1 [hbm4b:s13+s18], $0x800, $0x38;
	[tilespmem:$0x1DC00] =	vst v63  }
0x36: {  	s0 =	simm.s32 $0x600;
	s19 =	sor.u32 @!p1 $0x1000, s14;
	s14 =	smov.u32 s1  }
.LBB2_2:
0x37: {  	s21 =	sshrl.u32 s30, $0x4;
	s23 =	sand.u32 $0xF, s30;
	s24 =	smov.u32 s29  }
0x38: {  	s29 =	smov.u32 s0;
	s0 =	sadd.s32 $0x200, s0;
	s17 =	smov.u32 s28  }
0x39: {  	p0 =	sne.s32 s0, $0xA000;
	s21 =	sand.u32 $0x1, s21;
	p2 =	sne.s32 s23, $0xF  }
0x3a: {  	[tilespmem:s19], [sflag:$0x3] =	stream.linear.gather @!p1 [hbm4b:s14+s18], $0x800, $0x38;
	[tilespmem:$0x1DC00] =	vst v63  }
0x3b: {  	s18 =	simm.s32 @!p2 $0x3;
	s14 =	sshll.u32 s21, $0xB;
	s19 =	sshll.u32 s23, $0x7  }
0x3c: {  	s19 =	sor.u32 s19, s14;
	s14 =	smov.u32 s26;
	_ =	swait.ge @!p2 [sflag:s18], $0x800  }
0x3d: {  	[sflag:s18] =	ssyncset.done @!p2 $0x0  }
0x3e: {  	[sflag:s18] =	ssyncadd.s32 @!p2 $0xFFFFF800  }
0x3f: {  	s5 =	sand.u32 $0x1, s31;
	_ =	swait.ge @!p2 [sflag:s18], $0x800  }
0x40: {  	p3 =	seq.s32 s5, $0x1;
	s5 =	sand.u32 $0x3E00, s24;
	[sflag:s18] =	ssyncset.done @!p2 $0x0  }
0x41: {  	s5 =	sshrl.u32 s5, $0x2;
	[sflag:s18] =	ssyncadd.s32 @!p2 $0xFFFFF800;
	s18 =	sand.u32 $0x1, s30  }
0x42: {  	s24 =	simm.s32 @p3 $0x80;
	s9 =	simm.s32 @p3 $0x6000;
	p1 =	seq.s32 s18, $0x1  }
0x43: {  	[tilespmem:s9], [sflag:$0x2] =	stream.indirect.gather @p3 [hbm4b:s4+s24], $0x80, s5, s24, $0xb8;
	[tilespmem:$0x1DC00] =	vst v63  }
0x44: {  	s28 =	sadd.s32 $0x10, s28;
	s24 =	simm.s32 $0x2  }
0x45: {  	s18 =	simm.s32 @!p3 $0x2000;
	s9 =	simm.s32 @!p3 $0x80;
	s24 =	simm.s32 @!p1 $0x1  }
0x46: {  	[tilespmem:s18], [sflag:$0x1] =	stream.indirect.gather @!p3 [hbm4b:s4+s9], $0x80, s5, s9, $0xb8;
	[tilespmem:$0x1DC00] =	vst v63  }
0x47: {  	s26 =	sadd.s32 $0x10, s26;
	p2 =	sgt.u32 s30, $0x3E;
	_ =	swait.ge [sflag:s24], $0x4000  }
0x48: {  	s5 =	sor.u32 $0x1000, s19;
	s9 =	simm.s32 $0x6000;
	[sflag:s24] =	ssyncset.done $0x0  }
0x49: {  	s9 =	simm.s32 @!p1 $0x2000;
	p1 =	sne.s32 @!p2 s23, $0xF;
	[sflag:s24] =	ssyncadd.s32 $0xFFFFC000  }
0x4a: {  	[spmem:s2] =	stream.indirect.scatter.add.f32 [tilespmem:s9], [sflag:$0x4], $0x80, s5, s20, $0xb8;
	[tilespmem:$0x1DC00] =	vst v63  }
.Ltmp0:
0x4b: {  	_ = 	snop;
	(pc) =	sbr.rel @p0 .LBB2_2-.Ltmp0, $4  }
0x4c: {  	s31 =	sadd.s32 $0x1, s31;
	p1 =	por p1, p2;
	_ =	swait.ge [sflag:s16], $0x4000  }
0x4d: {  	s18 =	simm.s32 @!p1 $0x0;
	s5 =	sshll.u32 @!p1 s21, $0xB;
	[sflag:s16] =	ssyncset.done $0x0  }
0x4e: {  	s30 =	sadd.s32 $0xFFFFFFFF, s31;
	s19 =	sor.u32 @!p1 $0x1000, s5;
	[sflag:s16] =	ssyncadd.s32 $0xFFFFC000  }
0x4f: {  	[tilespmem:s5], [sflag:$0x3] =	stream.linear.gather @!p1 [hbm4b:s17+s18], $0x800, $0x38;
	[tilespmem:$0x1DC00] =	vst v63  }
0x50: {  	s0 =	sand.u32 $0xF, s30  }
0x51: {  	[tilespmem:s19], [sflag:$0x3] =	stream.linear.gather @!p1 [hbm4b:s14+s18], $0x800, $0x38;
	[tilespmem:$0x1DC00] =	vst v63  }
0x52: {  	p0 =	sne.s32 s0, $0xF  }
0x53: {  	s5 =	simm.s32 @!p0 $0x3  }
0x54: {  	_ =	swait.ge @!p0 [sflag:s5], $0x800  }
0x55: {  	s9 =	sshrl.u32 s30, $0x4;
	s19 =	sand.u32 $0x1, s31;
	[sflag:s5] =	ssyncset.done @!p0 $0x0  }
0x56: {  	s21 =	sand.u32 $0x3E00, s29;
	s23 =	sand.u32 $0x1, s30;
	[sflag:s5] =	ssyncadd.s32 @!p0 $0xFFFFF800  }
0x57: {  	s9 =	sand.u32 $0x1, s9;
	p1 =	seq.s32 s19, $0x1;
	_ =	swait.ge @!p0 [sflag:s5], $0x800  }
0x58: {  	s29 =	sshll.u32 s0, $0x7;
	s17 =	simm.s32 @p1 $0x80;
	[sflag:s5] =	ssyncset.done @!p0 $0x0  }
0x59: {  	s18 =	simm.s32 @p1 $0x6000;
	[sflag:s5] =	ssyncadd.s32 @!p0 $0xFFFFF800;
	s5 =	sshrl.u32 s21, $0x2  }
0x5a: {  	[tilespmem:s18], [sflag:$0x2] =	stream.indirect.gather @p1 [hbm4b:s4+s17], $0x80, s5, s17, $0xb8;
	[tilespmem:$0x1DC00] =	vst v63  }
0x5b: {  	s14 =	simm.s32 @!p1 $0x80;
	p0 =	seq.s32 s23, $0x1;
	s18 =	simm.s32 $0x2  }
0x5c: {  	s24 =	sshll.u32 s9, $0xB;
	s17 =	simm.s32 @!p1 $0x2000;
	s18 =	simm.s32 @!p0 $0x1  }
0x5d: {  	[tilespmem:s17], [sflag:$0x1] =	stream.indirect.gather @!p1 [hbm4b:s4+s14], $0x80, s5, s14, $0xb8;
	[tilespmem:$0x1DC00] =	vst v63  }
0x5e: {  	s5 =	sor.u32 s29, s24;
	_ =	swait.ge [sflag:s18], $0x4000  }
0x5f: {  	s14 =	simm.s32 $0x6000;
	p1 =	sgt.u32 s30, $0x3E;
	[sflag:s18] =	ssyncset.done $0x0  }
0x60: {  	s5 =	sor.u32 $0x1000, s5;
	s14 =	simm.s32 @!p0 $0x2000;
	[sflag:s18] =	ssyncadd.s32 $0xFFFFC000  }
0x61: {  	[spmem:s2] =	stream.indirect.scatter.add.f32 [tilespmem:s14], [sflag:$0x4], $0x80, s5, s20, $0xb8;
	[tilespmem:$0x1DC00] =	vst v63  }
0x62: {  	p0 =	sne.s32 @!p1 s0, $0xF;
	_ =	swait.ge [sflag:s16], $0x4000  }
0x63: {  	p0 =	por p0, p1;
	[sflag:s16] =	ssyncset.done $0x0  }
0x64: {  	s0 =	sshll.u32 @!p0 s9, $0xB;
	s5 =	simm.s32 @!p0 $0x0;
	[sflag:s16] =	ssyncadd.s32 $0xFFFFC000  }
0x65: {  	[tilespmem:s0], [sflag:$0x3] =	stream.linear.gather @!p0 [hbm4b:s28+s5], $0x800, $0x38;
	[tilespmem:$0x1DC00] =	vst v63  }
0x66: {  	s0 =	sor.u32 @!p0 $0x1000, s0  }
0x67: {  	[tilespmem:s0], [sflag:$0x3] =	stream.linear.gather @!p0 [hbm4b:s26+s5], $0x800, $0x38;
	[tilespmem:$0x1DC00] =	vst v63  }
0x68: {  	_ =	swait.ge [sflag:s22], $0x4000  }
0x69: {  	[sflag:s22] =	ssyncset.done $0x0  }
0x6a: {  	s31 =	simm.s32 $0x1780;
	s30 =	simm.s32 $0x6000;
	[sflag:s22] =	ssyncadd.s32 $0xFFFFC000  }
0x6b: {  	[spmem:s2] =	stream.indirect.scatter.add.f32 [tilespmem:s30], [sflag:$0x4], $0x80, s31, s20, $0xb8;
	[tilespmem:$0x1DC00] =	vst v63  }
0x6c: {  	_ =	swait.ge [sflag:s16], $0x4000  }
0x6d: {  	s25 =	sadd.s32 $0x1, s25;
	[sflag:s16] =	ssyncset.done $0x0  }
0x6e: {  	p0 =	sne.s32 s25, s12;
	[sflag:s16] =	ssyncadd.s32 $0xFFFFC000  }
.Ltmp1:
0x6f: {  	[bflag:$0x0] =	sbarrier.arrive $0xFFFF;
	(pc) =	sbr.rel @p0 .LBB2_1-.Ltmp1, $4  }
0x70: {  	[hbm:s11], [sflag:s6] =	dma.local [spmem:s15], $0x2780  }
0x71: {  	_ =	swait.ge [sflag:s16], $0x2780  }
0x72: {  	[sflag:s16] =	ssyncset.done $0x0  }
0x73: {  	[sflag:s16] =	ssyncadd.s32 $0xFFFFD880  }
0x74: {  	_ =	sfence.sel $0x180000  }
0x75: {  	[bflag:$0x0] =	sbarrier.arrive $0xFFFF  }
0x76: {  	_ =	strace $0x9000004A  }
0x77: {  	s0 =	stileid.u32;
	[bflag:$0x2] =	sbarrier.arrive $0xFFFF  }
0x78: {  	p0 =	sne.s32 s0, $0x0;
	s0 =	rddreg [dreg:$0x2]  }
0x79: {  	s0 =	sadd.s32 @!p0 $0x100000, s0  }
0x7a: {  	[sflag:s0] =	ssyncadd.tile.s32 @!p0 $0x1;
	_ =	shalt  }
.Lfunc_end2:
_tile_overlayer_lowered:
.L_overlay_start_2:
0x7b: {  	(tag) =	ssettag $0x2  }
0x7c: {  	s0 =	rddreg [dreg:$0x0];
	s2 =	stileid.u32  }
0x7d: {  	s1 =	rddreg [dreg:$0x1];
	p0 =	sne.s32 s2, $0x0  }
0x7e: {  	s3 =	rddreg [dreg:$0x2];
	[bflag:$0x3] =	sbarrier.arrive $0xFFFF;
	s2 =	simm.s32 @!p0 $0x1C04  }
0x7f: {  	[timem:s3], [sflag:s2] =	dma.local @!p0 [hbm:s0], s1  }
0x80: {  	s0 =	simm.s32 @!p0 $0x4  }
0x81: {  	_ =	swait.ge @!p0 [sflag:s0], s1  }
0x82: {  	s1 =	ssub.s32 @!p0 $0x0, s1;
	[sflag:s0] =	ssyncset.done @!p0 $0x0  }
0x83: {  	[sflag:s0] =	ssyncadd.s32 @!p0 s1  }
0x84: {  	[bflag:$0x3] =	sbarrier.arrive $0xFFFF  }
0x85: {  	_ =	shalt  }

// kernel: kernel.15.cloned.1.call-start
scs
__scs_entry_jumppad:
0x0: {  	(pc) =	sbr.rel $0x88, $3  }
0x1: {  	(tag) =	ssettag $0x0;
	lr =	simm.s32 $0x1  }
0x2: {  	[smem:$0x3F97] =	sst lr;
	_ =	strace $0xD0000000  }
0x3: {  	_ = 	snop  }
0x4: {  	_ = 	snop  }
0x5: {  	_ = 	snop  }
0x6: {  	_ = 	snop  }
0x7: {  	_ = 	snop  }
__scs_overlays_trampoline_lowered:
0x8: {  	[smem:$0x3FA6] =	sst s0  }
0x9: {  	[smem:$0x3FA7] =	sst s1  }
0xa: {  	[smem:$0x3FA8] =	sst s2  }
0xb: {  	[smem:$0x3FA9] =	sst s3  }
0xc: {  	[smem:$0x3FAA] =	sst s4  }
0xd: {  	[smem:$0x3FAB] =	sst s5  }
0xe: {  	[smem:$0x3FAC] =	sst s6  }
0xf: {  	[smem:$0x3FAD] =	sst s7  }
0x10: {  	[smem:$0x3FAE] =	sst s8  }
0x11: {  	[smem:$0x3FAF] =	sst s9;
	s0 =	simm.s32 @!p0 $0x0  }
0x12: {  	s1 =	sld [smem:$0x3F95];
	s0 =	simm.s32 @p0 $0x1  }
0x13: {  	[smem:$0x3FB0] =	sst s0;
	s0 =	simm.s32 @!p1 $0x0  }
0x14: {  	s2 =	sld [smem:$0x3F94];
	s0 =	simm.s32 @p1 $0x1  }
0x15: {  	[smem:$0x3FB1] =	sst s0;
	s0 =	simm.s32 @!p2 $0x0  }
0x16: {  	s3 =	sld [smem:$0x3FDB];
	s0 =	simm.s32 @p2 $0x1  }
0x17: {  	s4 =	simm.s32 $0x1BF5;
	[smem:$0x3FB3] =	sst s0  }
0x18: {  	s0 =	sld [smem:$0x3F96];
	_ =	swait.ge [sflag:s4], $0x0  }
0x19: {  	s7 =	sld [smem:$0x3F97]  }
0x1a: {  	s8 =	sadd.s32 $0xFFFFE003, lr  }
0x1b: {  	s9 =	sadd.s32 $0xFFFFFEF7, lr;
	s5 =	simm.s32 $0xFFFFFFFF;
	p2 =	slt.u32 s8, $0xFFFFF086  }
0x1c: {  	p1 =	slt.u32 s9, $0xF7A;
	s5 =	simm.s32 @!p2 $0x0  }
0x1d: {  	s5 =	simm.s32 @p1 $0x1;
	p0 =	seq.s32 s7, s2  }
0x1e: {  	s7 =	smul.u32 @!p0 $0xF7A, s2;
	p2 =	seq.s32 @!p0 s5, $0x0  }
0x1f: {  	s9 =	smul.u32 $0xF7A, s1;
	s8 =	simm.s32 @!p0 $0x1BF5;
	p2 =	por !p2, p0  }
0x20: {  	[sflag:s8] =	ssyncset.s32 @!p0 $0xFFFFF086;
	s6 =	sadd.s32 @!p0 s3, s7;
	s7 =	simm.s32 @!p0 $0x108  }
0x21: {  	s3 =	sadd.s32 s3, s9;
	s6 =	sadd.s32 @!p0 $0x88, s6;
	s7 =	simm.s32 @p2 $0x1082  }
0x22: {  	[simem:s7], [sflag:s8] =	dma.local @!p0 [hbm:s6], $0xF7A  }
0x23: {  	s9 =	sor.u32 $0xD0000000, s2;
	s6 =	simm.s32 $0x108;
	_ =	swait.ge @!p0 [sflag:s8], $0x0  }
0x24: {  	s3 =	sadd.s32 $0x88, s3;
	s6 =	simm.s32 @!p1 $0x1082;
	[sflag:s4] =	ssyncset.s32 $0xFFFFF086  }
0x25: {  	[simem:s6], [sflag:s4] =	dma.local [hbm:s3], $0xF7A  }
0x26: {  	[smem:$0x3F97] =	sst s1;
	(tag) =	ssettag s2;
	_ =	strace s9  }
0x27: {  	s1 =	sld [smem:$0x3FA7]  }
0x28: {  	s2 =	sld [smem:$0x3FA8]  }
0x29: {  	s4 =	sld [smem:$0x3FAA]  }
0x2a: {  	p0 =	seq.s32 s5, $0x0;
	s5 =	sld [smem:$0x3FAB]  }
0x2b: {  	s6 =	sld [smem:$0x3FAC]  }
0x2c: {  	s7 =	sld [smem:$0x3FAD]  }
0x2d: {  	s3 =	simm.s32 $0x108;
	s8 =	sld [smem:$0x3FAE]  }
0x2e: {  	s3 =	simm.s32 @!p0 $0x1082;
	s9 =	sld [smem:$0x3FAF]  }
0x2f: {  	lr =	sadd.s32 s0, s3;
	s0 =	sld [smem:$0x3FA6]  }
0x30: {  	s3 =	sld [smem:$0x3FA9]  }
0x31: {  	[smem:$0x3FB2] =	sst s10  }
0x32: {  	s10 =	sld [smem:$0x3FB0];
	_ =	sdelay $0x3  }
0x33: {  	p0 =	seq.s32 s10, $0x1;
	s10 =	sld [smem:$0x3FB2];
	_ =	sdelay $0x3  }
0x34: {  	[smem:$0x3FB2] =	sst s10  }
0x35: {  	s10 =	sld [smem:$0x3FB1];
	_ =	sdelay $0x3  }
0x36: {  	p1 =	seq.s32 s10, $0x1;
	s10 =	sld [smem:$0x3FB2];
	_ =	sdelay $0x3  }
0x37: {  	[smem:$0x3FB2] =	sst s10  }
0x38: {  	s10 =	sld [smem:$0x3FB3]  }
0x39: {  	_ = 	snop;
	(pc) =	sbr.ind lr, $3  }
0x3a: {  	_ = 	snop  }
0x3b: {  	_ = 	snop  }
0x3c: {  	p2 =	seq.s32 s10, $0x1;
	s10 =	sld [smem:$0x3FB2]  }
0x3d: {  	_ =	shalt  }
0x3e: {  	_ =	shalt  }
0x3f: {  	_ =	shalt  }
0x40: {  	_ =	shalt  }
0x41: {  	_ =	shalt  }
0x42: {  	_ =	shalt  }
0x43: {  	_ =	shalt  }
0x44: {  	_ =	shalt  }
0x45: {  	_ =	shalt  }
0x46: {  	_ =	shalt  }
0x47: {  	_ =	shalt  }
0x48: {  	_ =	shalt  }
0x49: {  	_ =	shalt  }
0x4a: {  	_ =	shalt  }
0x4b: {  	_ =	shalt  }
0x4c: {  	_ =	shalt  }
0x4d: {  	_ =	shalt  }
0x4e: {  	_ =	shalt  }
0x4f: {  	_ =	shalt  }
0x50: {  	_ =	shalt  }
0x51: {  	_ =	shalt  }
0x52: {  	_ =	shalt  }
0x53: {  	_ =	shalt  }
0x54: {  	_ =	shalt  }
0x55: {  	_ =	shalt  }
0x56: {  	_ =	shalt  }
0x57: {  	_ =	shalt  }
0x58: {  	_ =	shalt  }
0x59: {  	_ =	shalt  }
0x5a: {  	_ =	shalt  }
0x5b: {  	_ =	shalt  }
0x5c: {  	_ =	shalt  }
0x5d: {  	_ =	shalt  }
0x5e: {  	_ =	shalt  }
0x5f: {  	_ =	shalt  }
0x60: {  	_ =	shalt  }
0x61: {  	_ =	shalt  }
0x62: {  	_ =	shalt  }
0x63: {  	_ =	shalt  }
0x64: {  	_ =	shalt  }
0x65: {  	_ =	shalt  }
0x66: {  	_ =	shalt  }
0x67: {  	_ =	shalt  }
0x68: {  	_ =	shalt  }
0x69: {  	_ =	shalt  }
0x6a: {  	_ =	shalt  }
0x6b: {  	_ =	shalt  }
0x6c: {  	_ =	shalt  }
0x6d: {  	_ =	shalt  }
0x6e: {  	_ =	shalt  }
0x6f: {  	_ =	shalt  }
0x70: {  	_ =	shalt  }
0x71: {  	_ =	shalt  }
0x72: {  	_ =	shalt  }
0x73: {  	_ =	shalt  }
0x74: {  	_ =	shalt  }
0x75: {  	_ =	shalt  }
0x76: {  	_ =	shalt  }
0x77: {  	_ =	shalt  }
0x78: {  	_ =	shalt  }
0x79: {  	_ =	shalt  }
0x7a: {  	_ =	shalt  }
0x7b: {  	_ =	shalt  }
0x7c: {  	_ =	shalt  }
0x7d: {  	_ =	shalt  }
0x7e: {  	_ =	shalt  }
0x7f: {  	_ =	shalt  }
0x80: {  	_ =	shalt  }
0x81: {  	_ =	shalt  }
0x82: {  	_ =	shalt  }
0x83: {  	_ =	shalt  }
0x84: {  	_ =	shalt  }
0x85: {  	_ =	shalt  }
0x86: {  	_ =	shalt  }
0x87: {  	_ =	shalt  }
.Lfunc_end0:
.L_simem_size_0:
called_computation.2_lowered:
.L_overlay_start_0:
0x88: {  	s2 =	sld [smem:$0x3FD9]  }
0x89: {  	s3 =	sld [smem:$0x3FFE];
	_ =	sdelay $0x1  }
0x8a: {  	s1 =	srdreg.scid  }
0x8b: {  	s0 =	sand.u32 $0x1, s1  }
0x8c: {  	s14 =	sshll.u32 s0, $0xA;
	s2 =	sadd.s32 s3, s2  }
0x8d: {  	s2 =	sadd.s32 s2, s14  }
0x8e: {  	[smem:$0x3FBE] =	sst s2  }
0x8f: {  	_ = 	snop  }
0x90: {  	s2 =	sld [smem:$0x3FD0];
	_ =	sdelay $0x2  }
0x91: {  	s15 =	simm.s32 $0xA;
	s4 =	simm.s32 $0x10  }
0x92: {  	[smem:s4], [sflag:s15] =	dma.local [hbm:s2], $0x1  }
0x93: {  	_ =	swait.eq [sflag:s15], $0x1  }
0x94: {  	[sflag:s15] =	ssyncset.done $0x0  }
0x95: {  	[sflag:s15] =	ssyncadd.s32 $0xFFFFFFFF  }
0x96: {  	s16 =	sld [smem:$0x10];
	(tm) =	ssettm $0x1  }
0x97: {  	s17 =	sld [smem:$0x3FFB];
	_ =	sdelay $0x3  }
0x98: {  	_ =	strace s17  }
0x99: {  	s3 =	sld [smem:$0x3FFC];
	_ =	sdelay $0x3  }
0x9a: {  	_ =	strace s3  }
0x9b: {  	s3 =	sld [smem:$0x3FFD];
	_ =	sdelay $0x3  }
0x9c: {  	_ =	strace s3  }
0x9d: {  	_ =	strace $0x8FFFFFFF  }
0x9e: {  	s18 =	sld [smem:$0x3FDB];
	_ =	sdelay $0x1  }
0x9f: {  	s19 =	simm.s32 $_scs_section_size  }
0xa0: {  	s5 =	simm.s32 $_size__tile_overlayer_lowered;
	s6 =	simm.s32 $_tile_overlayer_lowered  }
0xa1: {  	s22 =	simm.s32 $0x1BFF;
	s21 =	sshll.u32 s6, $0x1;
	s3 =	sadd.s32 s19, s18  }
0xa2: {  	s7 =	simm.s32 $0x0;
	s20 =	sshll.u32 s5, $0x1;
	s5 =	sadd.s32 s21, s3  }
0xa3: {  	[timem:s7], [sflag:s22] =	dma.local [hbm:s5], s20  }
0xa4: {  	_ =	swait.ge [sflag:s22], s20  }
0xa5: {  	s4 =	ssub.s32 $0x0, s20;
	[sflag:s22] =	ssyncset.done $0x0  }
0xa6: {  	[sflag:s22] =	ssyncadd.s32 s4;
	_ =	sdelay $0x1  }
0xa7: {  	s23 =	simm.s32 $0x1B8B  }
0xa8: {  	_ =	swait.ge [sflag:s23], $0x1  }
0xa9: {  	[sflag:s23] =	ssyncset.done $0x0  }
0xaa: {  	s25 =	simm.s32 $0x1B8E;
	s24 =	sld [smem:$0x3FFE];
	[sflag:s23] =	ssyncadd.s32 $0xFFFFFFFF  }
0xab: {  	s26 =	simm.s32 $execute0_lowered;
	[smem:$0x3FD2] =	sst s25  }
0xac: {  	s5 =	sshll.u32 s26, $0x1;
	_ =	strace $0x8000004C;
	[dreg:$0x1] =	wrdreg $0xFFFFFFFF  }
0xad: {  	s28 =	simm.s32 $_size_execute0_lowered;
	s3 =	sadd.s32 s3, s5;
	[dreg:$0x0] =	wrdreg $0x0  }
0xae: {  	s5 =	sshll.u32 s28, $0x1;
	[dreg:$0x2] =	wrdreg s3  }
0xaf: {  	[dreg:$0x3] =	wrdreg s5  }
0xb0: {  	[dreg:$0x4] =	wrdreg $0xC0  }
0xb1: {  	_ =	task [dreg:s7], $0x5FFFF  }
0xb2: {  	[dreg:$0x1] =	wrdreg $0xFFFFFFFF  }
0xb3: {  	[dreg:$0x0] =	wrdreg $0x60  }
0xb4: {  	[dreg:$0x2] =	wrdreg s24  }
0xb5: {  	[dreg:$0x3] =	wrdreg s16  }
0xb6: {  	[dreg:$0x4] =	wrdreg $0xA0800  }
0xb7: {  	[dreg:$0x5] =	wrdreg $0x9  }
0xb8: {  	_ =	task.clear_ibuf [dreg:s7], $0x6FFFF;
	_ =	strace $0x9000004C  }
0xb9: {  	s29 =	simm.s32 $0x9;
	_ =	strace $0x8000004E  }
0xba: {  	_ =	swait.ge [sflag:s29], $0x1  }
0xbb: {  	[sflag:s29] =	ssyncadd.s32 $0xFFFFFFFF  }
0xbc: {  	_ =	strace $0x9000004E  }
0xbd: {  	_ =	sfence  }
0xbe: {  	s30 =	sld [smem:$0x0];
	_ =	sdelay $0x2  }
0xbf: {  	s31 =	sshll.u32 s1, $0xD;
	s1 =	sshrl.u32 s1, $0x2  }
0xc0: {  	s3 =	sand.u32 $0x4000, s31;
	s1 =	sadd.s32 s1, s30  }
0xc1: {  	s0 =	sor.u32 s3, s0;
	s1 =	sshll.u32 s1, $0x11  }
0xc2: {  	s0 =	sor.u32 s1, s0  }
0xc3: {  	s0 =	sadd.s32 $0x8F2B, s0  }
0xc4: {  	[sflag:s0] =	ssyncadd.remote.s32 $0x1  }
0xc5: {  	_ =	sfence.sel $0xFFFF  }
0xc6: {  	[dreg:$0x0] =	wrdreg $0xFFFFFFFF;
	(pc) =	sbr.abs _section_cstart, $3  }
0xc7: {  	[dreg:$0x1] =	wrdreg $0xFFFFFFFF  }
0xc8: {  	_ =	task.clear_ibuf [dreg:s7], $0x2FFFF;
	_ =	strace $0x9FFFFFFF  }
0xc9: {  	(tm) =	ssettm $0x7FFFFFFF  }
tec
execute0_lowered:
.L_overlay_start_1:
0x0: {  	(tag) =	ssettag $0x1  }
0x1: {  	s0 =	rddreg [dreg:$0x0]  }
0x2: {  	s1 =	rddreg [dreg:$0x1]  }
0x3: {  	s2 =	rddreg [dreg:$0x2]  }
0x4: {  	s3 =	simm.s32 $0x0;
	s18 =	stileid.u32;
	s8 =	srdreg.scid  }
0x5: {  	s29 =	simm.s32 $0xA000;
	s30 =	simm.s32 $0x40;
	s31 =	simm.s32 $0x1  }
0x6: {  	[smem:$0x7FF] =	sst s3;
	s4 =	sadd.s32 $0x3E600, s0;
	s5 =	smul.u32 $0x2780, s18  }
0x7: {  	s6 =	sadd.s32 $0x8D600, s0;
	s7 =	sadd.s32 $0xCE00, s0;
	s19 =	sadd.s32 $0x65E00, s0  }
0x8: {  	s10 =	sand.u32 $0x1, s8;
	s15 =	sshll.u32 s18, $0xA;
	s9 =	smul.u32 $0x50, s18  }
0x9: {  	s12 =	smul.u32 $0x4F000, s18;
	s16 =	sadd.s32 $0x9B600, s0;
	s21 =	sshll.u32 s18, $0x6  }
0xa: {  	s25 =	sshll.u32 s18, $0x4;
	_ =	strace $0x8000004D;
	s8 =	ssub.s32 $0x2, s10  }
0xb: {  	s13 =	sadd.s32 s15, s0;
	p0 =	seq.s32 s10, $0x0;
	s22 =	sor.u32 $0x1C04, s21  }
0xc: {  	s10 =	sshll.u32 s10, $0xE;
	s1 =	sadd.s32 s1, s25;
	s25 =	simm.s32 $0x2  }
0xd: {  	s5 =	sadd.s32 s5, s0;
	s11 =	sshrl.u32 s8, $0x1;
	[dreg:$0x5] =	wrdreg s22  }
0xe: {  	s0 =	sadd.s32 $0x97600, s0;
	s20 =	sshrl.u32 s12, $0x2;
	[dreg:$0x9] =	wrdreg s1  }
0xf: {  	s26 =	sadd.s32 s10, s13;
	s19 =	smov.u32 @p0 s4;
	s14 =	ssub.s32 s8, s11  }
0x10: {  	s8 =	sadd.s32 $0x500, s9;
	s17 =	sadd.s32 s20, s2;
	s5 =	sadd.s32 $0x16E00, s5  }
0x11: {  	s1 =	sadd.s32 $0x2E00, s26;
	s0 =	smov.u32 @p0 s16;
	[dreg:$0x6] =	wrdreg s19  }
0x12: {  	s19 =	simm.s32 $0x4;
	s8 =	smov.u32 @p0 s9;
	[dreg:$0x4] =	wrdreg s5  }
0x13: {  	[dreg:$0xa] =	wrdreg s1;
	s28 =	smax.u32 s14, $0x1;
	s0 =	sadd.s32 s0, s15  }
0x14: {  	s18 =	sshrl.u32 s17, $0x3;
	s23 =	sshll.u32 s8, $0x4;
	[dreg:$0xb] =	wrdreg s28  }
0x15: {  	[dreg:$0xc] =	wrdreg s0;
	s0 =	simm.s32 $0x0;
	s8 =	sadd.s32 s6, s23  }
0x16: {  	s24 =	sadd.s32 s7, s23;
	s5 =	sadd.s32 $0x100, s23;
	s23 =	simm.s32 $0x80  }
0x17: {  	s6 =	sadd.s32 s6, s5;
	s5 =	sadd.s32 s7, s5;
	s15 =	smov.u32 s8  }
0x18: {  	s16 =	sadd.s32 $0x110, s8;
	s14 =	smov.u32 s24;
	[dreg:$0x7] =	wrdreg s6  }
0x19: {  	[dreg:$0x8] =	wrdreg s5;
	s6 =	sadd.s32 $0x110, s24;
	s24 =	simm.s32 $0x2000  }
.LBB2_1:
0x1a: {  	s1 =	rddreg [dreg:$0x4]  }
0x1b: {  	s5 =	rddreg [dreg:$0x5]  }
0x1c: {  	[spmem:s18], [sflag:s5] =	dma.local [hbm:s1], $0x2780  }
0x1d: {  	_ =	swait.ge [sflag:s19], $0x2780  }
0x1e: {  	[sflag:s19] =	ssyncset.done $0x0  }
0x1f: {  	[sflag:s19] =	ssyncadd.s32 $0xFFFFD880  }
0x20: {  	[tilespmem:s3], [sflag:$0x4] =	stream.linear.gather [hbm4b:s15+s3], $0x800, $0x38;
	[tilespmem:$0x1DC80] =	vst v63  }
0x21: {  	_ =	swait.ge [sflag:s19], $0x800  }
0x22: {  	[sflag:s19] =	ssyncset.done $0x0  }
0x23: {  	s7 =	simm.s32 $0x1000;
	s9 =	simm.s32 $0x800;
	[sflag:s19] =	ssyncadd.s32 $0xFFFFF800  }
0x24: {  	[tilespmem:s7], [sflag:$0x4] =	stream.linear.gather [hbm4b:s14+s3], $0x800, $0x38;
	[tilespmem:$0x1DC80] =	vst v63  }
0x25: {  	s11 =	simm.s32 $0x1800;
	s12 =	simm.s32 $0x0;
	_ =	swait.ge [sflag:s19], $0x800  }
0x26: {  	s17 =	simm.s32 $0x200;
	s21 =	sand.u32 $0x1, s31;
	[sflag:s19] =	ssyncset.done $0x0  }
0x27: {  	s5 =	sand.u32 $0xF, s12;
	s8 =	rddreg [dreg:$0x7];
	[sflag:s19] =	ssyncadd.s32 $0xFFFFF800  }
0x28: {  	[tilespmem:s9], [sflag:$0x3] =	stream.linear.gather [hbm4b:s8+s3], $0x800, $0x38;
	[tilespmem:$0x1DC80] =	vst v63  }
0x29: {  	s28 =	simm.s32 $0x600;
	p0 =	sne.s32 s5, $0xF;
	s10 =	rddreg [dreg:$0x8]  }
0x2a: {  	[tilespmem:s11], [sflag:$0x3] =	stream.linear.gather [hbm4b:s10+s3], $0x800, $0x38;
	[tilespmem:$0x1DC80] =	vst v63  }
0x2b: {  	s17 =	sand.u32 $0x3E00, s17;
	s7 =	simm.s32 @!p0 $0x3;
	[bflag:$0x0] =	sbarrier.arrive $0xFFFF  }
0x2c: {  	[tilespmem:s24], [sflag:$0x1] =	stream.indirect.gather [hbm4b:s4+s23], $0x80, s3, s23, $0xb8;
	[tilespmem:$0x1DC80] =	vst v63  }
0x2d: {  	p1 =	seq.s32 s21, $0x1;
	s1 =	sand.u32 $0x1, s12;
	_ =	swait.ge @!p0 [sflag:s7], $0x800  }
0x2e: {  	s21 =	simm.s32 @p1 $0x6000;
	s10 =	simm.s32 $0x0;
	[sflag:s7] =	ssyncset.done @!p0 $0x0  }
0x2f: {  	s13 =	sshll.u32 s5, $0x7;
	s10 =	sand.u32 $0x1, s10;
	[sflag:s7] =	ssyncadd.s32 @!p0 $0xFFFFF800  }
0x30: {  	s22 =	simm.s32 @!p1 $0x2000;
	s20 =	sshll.u32 s10, $0xB;
	_ =	swait.ge @!p0 [sflag:s7], $0x800  }
0x31: {  	s26 =	sor.u32 s13, s20;
	s20 =	sadd.s32 $0x10, s16;
	[sflag:s7] =	ssyncset.done @!p0 $0x0  }
0x32: {  	[sflag:s7] =	ssyncadd.s32 @!p0 $0xFFFFF800;
	s7 =	sshrl.u32 s17, $0x2;
	s17 =	simm.s32 @p1 $0x80  }
0x33: {  	[tilespmem:s21], [sflag:$0x2] =	stream.indirect.gather @p1 [hbm4b:s4+s17], $0x80, s7, s17, $0xb8;
	[tilespmem:$0x1DC80] =	vst v63  }
0x34: {  	p0 =	seq.s32 s1, $0x1;
	s1 =	simm.s32 $0x2;
	s17 =	simm.s32 $0x6000  }
0x35: {  	s21 =	simm.s32 @!p1 $0x80;
	s1 =	simm.s32 @!p0 $0x1;
	s17 =	simm.s32 @!p0 $0x2000  }
0x36: {  	[tilespmem:s22], [sflag:$0x1] =	stream.indirect.gather @!p1 [hbm4b:s4+s21], $0x80, s7, s21, $0xb8;
	[tilespmem:$0x1DC80] =	vst v63  }
0x37: {  	s7 =	sor.u32 $0x1000, s26;
	p1 =	por $0x0, $0x0;
	_ =	swait.ge [sflag:s1], $0x4000  }
0x38: {  	s21 =	simm.s32 $0x400;
	p0 =	sne.s32 @!p1 s5, $0xF;
	[sflag:s1] =	ssyncset.done $0x0  }
0x39: {  	s26 =	simm.s32 $0x2;
	p1 =	por p0, p1;
	[sflag:s1] =	ssyncadd.s32 $0xFFFFC000  }
0x3a: {  	[spmem:s2] =	stream.indirect.scatter.add.f32 [tilespmem:s17], [sflag:$0x4], $0x80, s7, s23, $0xb8;
	[tilespmem:$0x1DC80] =	vst v63  }
0x3b: {  	s22 =	simm.s32 $0x1;
	s5 =	sshll.u32 @!p1 s10, $0xB;
	_ =	swait.ge [sflag:s19], $0x4000  }
0x3c: {  	s1 =	sadd.s32 $0x10, s6;
	s7 =	simm.s32 @!p1 $0x0;
	[sflag:s19] =	ssyncset.done $0x0  }
0x3d: {  	s10 =	sor.u32 @!p1 $0x1000, s5;
	s17 =	smov.u32 s6;
	[sflag:s19] =	ssyncadd.s32 $0xFFFFC000  }
0x3e: {  	[tilespmem:s5], [sflag:$0x3] =	stream.linear.gather @!p1 [hbm4b:s16+s7], $0x800, $0x38;
	[tilespmem:$0x1DC80] =	vst v63  }
.LBB2_2:
0x3f: {  	s11 =	sshrl.u32 s22, $0x4;
	s12 =	sand.u32 $0xF, s22;
	s8 =	smov.u32 s21  }
0x40: {  	s21 =	smov.u32 s28;
	s28 =	sadd.s32 $0x200, s28;
	s5 =	smov.u32 s20  }
0x41: {  	p0 =	sne.s32 s28, $0xA000;
	s11 =	sand.u32 $0x1, s11;
	p2 =	sne.s32 s12, $0xF  }
0x42: {  	[tilespmem:s10], [sflag:$0x3] =	stream.linear.gather @!p1 [hbm4b:s17+s7], $0x800, $0x38;
	[tilespmem:$0x1DC80] =	vst v63  }
0x43: {  	s7 =	simm.s32 @!p2 $0x3;
	s10 =	sshll.u32 s11, $0xB;
	s17 =	sshll.u32 s12, $0x7  }
0x44: {  	s10 =	sor.u32 s17, s10;
	s17 =	smov.u32 s1;
	_ =	swait.ge @!p2 [sflag:s7], $0x800  }
0x45: {  	[sflag:s7] =	ssyncset.done @!p2 $0x0  }
0x46: {  	[sflag:s7] =	ssyncadd.s32 @!p2 $0xFFFFF800  }
0x47: {  	s13 =	sand.u32 $0x1, s26;
	_ =	swait.ge @!p2 [sflag:s7], $0x800  }
0x48: {  	p3 =	seq.s32 s13, $0x1;
	s8 =	sand.u32 $0x3E00, s8;
	[sflag:s7] =	ssyncset.done @!p2 $0x0  }
0x49: {  	[sflag:s7] =	ssyncadd.s32 @!p2 $0xFFFFF800;
	s7 =	sshrl.u32 s8, $0x2;
	s8 =	sand.u32 $0x1, s22  }
0x4a: {  	s13 =	simm.s32 @p3 $0x80;
	s9 =	simm.s32 @p3 $0x6000;
	p1 =	seq.s32 s8, $0x1  }
0x4b: {  	[tilespmem:s9], [sflag:$0x2] =	stream.indirect.gather @p3 [hbm4b:s4+s13], $0x80, s7, s13, $0xb8;
	[tilespmem:$0x1DC80] =	vst v63  }
0x4c: {  	s20 =	sadd.s32 $0x10, s20;
	s13 =	simm.s32 $0x2  }
0x4d: {  	s8 =	simm.s32 @!p3 $0x80;
	s9 =	simm.s32 @!p3 $0x2000;
	s13 =	simm.s32 @!p1 $0x1  }
0x4e: {  	[tilespmem:s9], [sflag:$0x1] =	stream.indirect.gather @!p3 [hbm4b:s4+s8], $0x80, s7, s8, $0xb8;
	[tilespmem:$0x1DC80] =	vst v63  }
0x4f: {  	s1 =	sadd.s32 $0x10, s1;
	p2 =	sgt.u32 s22, $0x3E;
	_ =	swait.ge [sflag:s13], $0x4000  }
0x50: {  	s7 =	sor.u32 $0x1000, s10;
	s8 =	simm.s32 $0x6000;
	[sflag:s13] =	ssyncset.done $0x0  }
0x51: {  	s8 =	simm.s32 @!p1 $0x2000;
	p1 =	sne.s32 @!p2 s12, $0xF;
	[sflag:s13] =	ssyncadd.s32 $0xFFFFC000  }
0x52: {  	[spmem:s2] =	stream.indirect.scatter.add.f32 [tilespmem:s8], [sflag:$0x4], $0x80, s7, s23, $0xb8;
	[tilespmem:$0x1DC80] =	vst v63  }
.Ltmp0:
0x53: {  	_ = 	snop;
	(pc) =	sbr.rel @p0 .LBB2_2-.Ltmp0, $4  }
0x54: {  	s26 =	sadd.s32 $0x1, s26;
	p1 =	por p1, p2;
	_ =	swait.ge [sflag:s19], $0x4000  }
0x55: {  	s8 =	sshll.u32 @!p1 s11, $0xB;
	s7 =	simm.s32 @!p1 $0x0;
	[sflag:s19] =	ssyncset.done $0x0  }
0x56: {  	s22 =	sadd.s32 $0xFFFFFFFF, s26;
	s10 =	sor.u32 @!p1 $0x1000, s8;
	[sflag:s19] =	ssyncadd.s32 $0xFFFFC000  }
0x57: {  	[tilespmem:s8], [sflag:$0x3] =	stream.linear.gather @!p1 [hbm4b:s5+s7], $0x800, $0x38;
	[tilespmem:$0x1DC80] =	vst v63  }
0x58: {  	[tilespmem:s10], [sflag:$0x3] =	stream.linear.gather @!p1 [hbm4b:s17+s7], $0x800, $0x38;
	[tilespmem:$0x1DC80] =	vst v63  }
0x59: {  	s5 =	sand.u32 $0xF, s22  }
0x5a: {  	p0 =	sne.s32 s5, $0xF  }
0x5b: {  	s7 =	simm.s32 @!p0 $0x3  }
0x5c: {  	_ =	swait.ge @!p0 [sflag:s7], $0x800  }
0x5d: {  	[sflag:s7] =	ssyncset.done @!p0 $0x0  }
0x5e: {  	s8 =	sand.u32 $0x1, s26;
	s26 =	sand.u32 $0x3E00, s21;
	[sflag:s7] =	ssyncadd.s32 @!p0 $0xFFFFF800  }
0x5f: {  	s28 =	sand.u32 $0x1, s22;
	p1 =	seq.s32 s8, $0x1;
	_ =	swait.ge @!p0 [sflag:s7], $0x800  }
0x60: {  	s8 =	simm.s32 @p1 $0x80;
	s9 =	simm.s32 @p1 $0x6000;
	[sflag:s7] =	ssyncset.done @!p0 $0x0  }
0x61: {  	s10 =	simm.s32 @!p1 $0x2000;
	[sflag:s7] =	ssyncadd.s32 @!p0 $0xFFFFF800;
	s7 =	sshrl.u32 s26, $0x2  }
0x62: {  	[tilespmem:s9], [sflag:$0x2] =	stream.indirect.gather @p1 [hbm4b:s4+s8], $0x80, s7, s8, $0xb8;
	[tilespmem:$0x1DC80] =	vst v63  }
0x63: {  	p0 =	seq.s32 s28, $0x1;
	s9 =	simm.s32 @!p1 $0x80;
	s8 =	simm.s32 $0x2  }
0x64: {  	[tilespmem:s10], [sflag:$0x1] =	stream.indirect.gather @!p1 [hbm4b:s4+s9], $0x80, s7, s9, $0xb8;
	[tilespmem:$0x1DC80] =	vst v63  }
0x65: {  	s8 =	simm.s32 @!p0 $0x1;
	s9 =	sshrl.u32 s22, $0x4  }
0x66: {  	s7 =	sand.u32 $0x1, s9;
	_ =	swait.ge [sflag:s8], $0x4000  }
0x67: {  	s11 =	sshll.u32 s5, $0x7;
	s10 =	sshll.u32 s7, $0xB;
	[sflag:s8] =	ssyncset.done $0x0  }
0x68: {  	s9 =	sor.u32 s11, s10;
	s10 =	simm.s32 $0x6000;
	[sflag:s8] =	ssyncadd.s32 $0xFFFFC000  }
0x69: {  	s12 =	sor.u32 $0x1000, s9;
	s10 =	simm.s32 @!p0 $0x2000;
	p0 =	sgt.u32 s22, $0x3E  }
0x6a: {  	[spmem:s2] =	stream.indirect.scatter.add.f32 [tilespmem:s10], [sflag:$0x4], $0x80, s12, s23, $0xb8;
	[tilespmem:$0x1DC80] =	vst v63  }
0x6b: {  	p1 =	sne.s32 @!p0 s5, $0xF;
	_ =	swait.ge [sflag:s19], $0x4000  }
0x6c: {  	p0 =	por p1, p0;
	[sflag:s19] =	ssyncset.done $0x0  }
0x6d: {  	s5 =	sshll.u32 @!p0 s7, $0xB;
	s7 =	simm.s32 @!p0 $0x0;
	[sflag:s19] =	ssyncadd.s32 $0xFFFFC000  }
0x6e: {  	[tilespmem:s5], [sflag:$0x3] =	stream.linear.gather @!p0 [hbm4b:s20+s7], $0x800, $0x38;
	[tilespmem:$0x1DC80] =	vst v63  }
0x6f: {  	s5 =	sor.u32 @!p0 $0x1000, s5  }
0x70: {  	[tilespmem:s5], [sflag:$0x3] =	stream.linear.gather @!p0 [hbm4b:s1+s7], $0x800, $0x38;
	[tilespmem:$0x1DC80] =	vst v63  }
0x71: {  	_ =	swait.ge [sflag:s25], $0x4000  }
0x72: {  	[sflag:s25] =	ssyncset.done $0x0  }
0x73: {  	s13 =	simm.s32 $0x6000;
	s17 =	simm.s32 $0x1780;
	[sflag:s25] =	ssyncadd.s32 $0xFFFFC000  }
0x74: {  	[spmem:s2] =	stream.indirect.scatter.add.f32 [tilespmem:s13], [sflag:$0x4], $0x80, s17, s23, $0xb8;
	[tilespmem:$0x1DC80] =	vst v63  }
0x75: {  	_ =	swait.ge [sflag:s19], $0x4000  }
0x76: {  	[sflag:s19] =	ssyncset.done $0x0  }
0x77: {  	[sflag:s19] =	ssyncadd.s32 $0xFFFFC000  }
0x78: {  	[bflag:$0x0] =	sbarrier.arrive $0xFFFF  }
0x79: {  	s20 =	rddreg [dreg:$0x9]  }
0x7a: {  	[tilespmem:s29], [sflag:$0x4] =	stream.linear.gather [hbm4b:s20+s3], $0x80, $0x38;
	[tilespmem:$0x1DC80] =	vst v63  }
0x7b: {  	_ =	swait.ge [sflag:s19], $0x80  }
0x7c: {  	[sflag:s19] =	ssyncset.done $0x0  }
0x7d: {  	[sflag:s19] =	ssyncadd.s32 $0xFFFFFF80  }
0x7e: {  	[tilespmem:s24], [sflag:$0x1] =	stream.indirect.gather [spmem:s2], $0x80, s29, s30, $0xb8;
	[tilespmem:$0x1DC80] =	vst v63  }
0x7f: {  	_ =	swait.ge [sflag:s31], $0x2000  }
0x80: {  	[sflag:s31] =	ssyncset.done $0x0  }
0x81: {  	s21 =	rddreg [dreg:$0xa];
	[sflag:s31] =	ssyncadd.s32 $0xFFFFE000  }
0x82: {  	[hbm4b:s21+s3] =	stream.linear.scatter [tilespmem:s24], [sflag:$0x4], $0x2000, $0x38;
	[tilespmem:$0x1DC80] =	vst v63  }
0x83: {  	_ =	swait.ge [sflag:s19], $0x2000  }
0x84: {  	[sflag:s19] =	ssyncset.done $0x0  }
0x85: {  	s22 =	rddreg [dreg:$0x6];
	[sflag:s19] =	ssyncadd.s32 $0xFFFFE000  }
0x86: {  	[tilespmem:s24], [sflag:$0x1] =	stream.indirect.gather [hbm4b:s22+s30], $0x80, s29, s30, $0xb8;
	[tilespmem:$0x1DC80] =	vst v63  }
0x87: {  	_ =	swait.ge [sflag:s31], $0x2000  }
0x88: {  	[sflag:s31] =	ssyncset.done $0x0  }
0x89: {  	s26 =	rddreg [dreg:$0xc];
	[sflag:s31] =	ssyncadd.s32 $0xFFFFE000  }
0x8a: {  	[hbm4b:s26+s3] =	stream.linear.scatter [tilespmem:s24], [sflag:$0x4], $0x2000, $0x38;
	[tilespmem:$0x1DC80] =	vst v63  }
0x8b: {  	_ =	swait.ge [sflag:s19], $0x2000  }
0x8c: {  	s0 =	sadd.s32 $0x1, s0;
	s28 =	rddreg [dreg:$0xb]  }
0x8d: {  	p0 =	sne.s32 s0, s28  }
.Ltmp1:
0x8e: {  	_ = 	snop;
	(pc) =	sbr.rel @p0 .LBB2_1-.Ltmp1, $3  }
0x8f: {  	_ =	sdelay $0x1  }
0x90: {  	[sflag:s19] =	ssyncset.done $0x0  }
0x91: {  	[sflag:s19] =	ssyncadd.s32 $0xFFFFE000  }
0x92: {  	_ =	sfence.sel $0x180000  }
0x93: {  	[bflag:$0x0] =	sbarrier.arrive $0xFFFF  }
0x94: {  	_ =	strace $0x9000004D  }
0x95: {  	s0 =	stileid.u32;
	[bflag:$0x2] =	sbarrier.arrive $0xFFFF  }
0x96: {  	p0 =	sne.s32 s0, $0x0;
	s0 =	rddreg [dreg:$0x3]  }
0x97: {  	s0 =	sadd.s32 @!p0 $0x100000, s0  }
0x98: {  	[sflag:s0] =	ssyncadd.tile.s32 @!p0 $0x1;
	_ =	shalt  }
.Lfunc_end2:
_tile_overlayer_lowered:
.L_overlay_start_2:
0x99: {  	(tag) =	ssettag $0x2  }
0x9a: {  	s0 =	rddreg [dreg:$0x0];
	s2 =	stileid.u32  }
0x9b: {  	s1 =	rddreg [dreg:$0x1];
	p0 =	sne.s32 s2, $0x0  }
0x9c: {  	s3 =	rddreg [dreg:$0x2];
	[bflag:$0x3] =	sbarrier.arrive $0xFFFF;
	s2 =	simm.s32 @!p0 $0x1C04  }
0x9d: {  	[timem:s3], [sflag:s2] =	dma.local @!p0 [hbm:s0], s1  }
0x9e: {  	s0 =	simm.s32 @!p0 $0x4  }
0x9f: {  	_ =	swait.ge @!p0 [sflag:s0], s1  }
0xa0: {  	s1 =	ssub.s32 @!p0 $0x0, s1;
	[sflag:s0] =	ssyncset.done @!p0 $0x0  }
0xa1: {  	[sflag:s0] =	ssyncadd.s32 @!p0 s1  }
0xa2: {  	[bflag:$0x3] =	sbarrier.arrive $0xFFFF  }
0xa3: {  	_ =	shalt  }

// kernel: kernel.9.cloned.1.call-start
scs
__scs_entry_jumppad:
0x0: {  	(pc) =	sbr.rel $0x88, $3  }
0x1: {  	(tag) =	ssettag $0x0;
	lr =	simm.s32 $0x1  }
0x2: {  	[smem:$0x3F97] =	sst lr;
	_ =	strace $0xD0000000  }
0x3: {  	_ = 	snop  }
0x4: {  	_ = 	snop  }
0x5: {  	_ = 	snop  }
0x6: {  	_ = 	snop  }
0x7: {  	_ = 	snop  }
__scs_overlays_trampoline_lowered:
0x8: {  	[smem:$0x3FA6] =	sst s0  }
0x9: {  	[smem:$0x3FA7] =	sst s1  }
0xa: {  	[smem:$0x3FA8] =	sst s2  }
0xb: {  	[smem:$0x3FA9] =	sst s3  }
0xc: {  	[smem:$0x3FAA] =	sst s4  }
0xd: {  	[smem:$0x3FAB] =	sst s5  }
0xe: {  	[smem:$0x3FAC] =	sst s6  }
0xf: {  	[smem:$0x3FAD] =	sst s7  }
0x10: {  	[smem:$0x3FAE] =	sst s8  }
0x11: {  	[smem:$0x3FAF] =	sst s9;
	s0 =	simm.s32 @!p0 $0x0  }
0x12: {  	s1 =	sld [smem:$0x3F95];
	s0 =	simm.s32 @p0 $0x1  }
0x13: {  	[smem:$0x3FB0] =	sst s0;
	s0 =	simm.s32 @!p1 $0x0  }
0x14: {  	s2 =	sld [smem:$0x3F94];
	s0 =	simm.s32 @p1 $0x1  }
0x15: {  	[smem:$0x3FB1] =	sst s0;
	s0 =	simm.s32 @!p2 $0x0  }
0x16: {  	s3 =	sld [smem:$0x3FDB];
	s0 =	simm.s32 @p2 $0x1  }
0x17: {  	s4 =	simm.s32 $0x1BF5;
	[smem:$0x3FB3] =	sst s0  }
0x18: {  	s0 =	sld [smem:$0x3F96];
	_ =	swait.ge [sflag:s4], $0x0  }
0x19: {  	s7 =	sld [smem:$0x3F97]  }
0x1a: {  	s8 =	sadd.s32 $0xFFFFE003, lr  }
0x1b: {  	s9 =	sadd.s32 $0xFFFFFEF7, lr;
	s5 =	simm.s32 $0xFFFFFFFF;
	p2 =	slt.u32 s8, $0xFFFFF086  }
0x1c: {  	p1 =	slt.u32 s9, $0xF7A;
	s5 =	simm.s32 @!p2 $0x0  }
0x1d: {  	s5 =	simm.s32 @p1 $0x1;
	p0 =	seq.s32 s7, s2  }
0x1e: {  	s7 =	smul.u32 @!p0 $0xF7A, s2;
	p2 =	seq.s32 @!p0 s5, $0x0  }
0x1f: {  	s9 =	smul.u32 $0xF7A, s1;
	s8 =	simm.s32 @!p0 $0x1BF5;
	p2 =	por !p2, p0  }
0x20: {  	[sflag:s8] =	ssyncset.s32 @!p0 $0xFFFFF086;
	s6 =	sadd.s32 @!p0 s3, s7;
	s7 =	simm.s32 @!p0 $0x108  }
0x21: {  	s3 =	sadd.s32 s3, s9;
	s6 =	sadd.s32 @!p0 $0x88, s6;
	s7 =	simm.s32 @p2 $0x1082  }
0x22: {  	[simem:s7], [sflag:s8] =	dma.local @!p0 [hbm:s6], $0xF7A  }
0x23: {  	s9 =	sor.u32 $0xD0000000, s2;
	s6 =	simm.s32 $0x108;
	_ =	swait.ge @!p0 [sflag:s8], $0x0  }
0x24: {  	s3 =	sadd.s32 $0x88, s3;
	s6 =	simm.s32 @!p1 $0x1082;
	[sflag:s4] =	ssyncset.s32 $0xFFFFF086  }
0x25: {  	[simem:s6], [sflag:s4] =	dma.local [hbm:s3], $0xF7A  }
0x26: {  	[smem:$0x3F97] =	sst s1;
	(tag) =	ssettag s2;
	_ =	strace s9  }
0x27: {  	s1 =	sld [smem:$0x3FA7]  }
0x28: {  	s2 =	sld [smem:$0x3FA8]  }
0x29: {  	s4 =	sld [smem:$0x3FAA]  }
0x2a: {  	p0 =	seq.s32 s5, $0x0;
	s5 =	sld [smem:$0x3FAB]  }
0x2b: {  	s6 =	sld [smem:$0x3FAC]  }
0x2c: {  	s7 =	sld [smem:$0x3FAD]  }
0x2d: {  	s3 =	simm.s32 $0x108;
	s8 =	sld [smem:$0x3FAE]  }
0x2e: {  	s3 =	simm.s32 @!p0 $0x1082;
	s9 =	sld [smem:$0x3FAF]  }
0x2f: {  	lr =	sadd.s32 s0, s3;
	s0 =	sld [smem:$0x3FA6]  }
0x30: {  	s3 =	sld [smem:$0x3FA9]  }
0x31: {  	[smem:$0x3FB2] =	sst s10  }
0x32: {  	s10 =	sld [smem:$0x3FB0];
	_ =	sdelay $0x3  }
0x33: {  	p0 =	seq.s32 s10, $0x1;
	s10 =	sld [smem:$0x3FB2];
	_ =	sdelay $0x3  }
0x34: {  	[smem:$0x3FB2] =	sst s10  }
0x35: {  	s10 =	sld [smem:$0x3FB1];
	_ =	sdelay $0x3  }
0x36: {  	p1 =	seq.s32 s10, $0x1;
	s10 =	sld [smem:$0x3FB2];
	_ =	sdelay $0x3  }
0x37: {  	[smem:$0x3FB2] =	sst s10  }
0x38: {  	s10 =	sld [smem:$0x3FB3]  }
0x39: {  	_ = 	snop;
	(pc) =	sbr.ind lr, $3  }
0x3a: {  	_ = 	snop  }
0x3b: {  	_ = 	snop  }
0x3c: {  	p2 =	seq.s32 s10, $0x1;
	s10 =	sld [smem:$0x3FB2]  }
0x3d: {  	_ =	shalt  }
0x3e: {  	_ =	shalt  }
0x3f: {  	_ =	shalt  }
0x40: {  	_ =	shalt  }
0x41: {  	_ =	shalt  }
0x42: {  	_ =	shalt  }
0x43: {  	_ =	shalt  }
0x44: {  	_ =	shalt  }
0x45: {  	_ =	shalt  }
0x46: {  	_ =	shalt  }
0x47: {  	_ =	shalt  }
0x48: {  	_ =	shalt  }
0x49: {  	_ =	shalt  }
0x4a: {  	_ =	shalt  }
0x4b: {  	_ =	shalt  }
0x4c: {  	_ =	shalt  }
0x4d: {  	_ =	shalt  }
0x4e: {  	_ =	shalt  }
0x4f: {  	_ =	shalt  }
0x50: {  	_ =	shalt  }
0x51: {  	_ =	shalt  }
0x52: {  	_ =	shalt  }
0x53: {  	_ =	shalt  }
0x54: {  	_ =	shalt  }
0x55: {  	_ =	shalt  }
0x56: {  	_ =	shalt  }
0x57: {  	_ =	shalt  }
0x58: {  	_ =	shalt  }
0x59: {  	_ =	shalt  }
0x5a: {  	_ =	shalt  }
0x5b: {  	_ =	shalt  }
0x5c: {  	_ =	shalt  }
0x5d: {  	_ =	shalt  }
0x5e: {  	_ =	shalt  }
0x5f: {  	_ =	shalt  }
0x60: {  	_ =	shalt  }
0x61: {  	_ =	shalt  }
0x62: {  	_ =	shalt  }
0x63: {  	_ =	shalt  }
0x64: {  	_ =	shalt  }
0x65: {  	_ =	shalt  }
0x66: {  	_ =	shalt  }
0x67: {  	_ =	shalt  }
0x68: {  	_ =	shalt  }
0x69: {  	_ =	shalt  }
0x6a: {  	_ =	shalt  }
0x6b: {  	_ =	shalt  }
0x6c: {  	_ =	shalt  }
0x6d: {  	_ =	shalt  }
0x6e: {  	_ =	shalt  }
0x6f: {  	_ =	shalt  }
0x70: {  	_ =	shalt  }
0x71: {  	_ =	shalt  }
0x72: {  	_ =	shalt  }
0x73: {  	_ =	shalt  }
0x74: {  	_ =	shalt  }
0x75: {  	_ =	shalt  }
0x76: {  	_ =	shalt  }
0x77: {  	_ =	shalt  }
0x78: {  	_ =	shalt  }
0x79: {  	_ =	shalt  }
0x7a: {  	_ =	shalt  }
0x7b: {  	_ =	shalt  }
0x7c: {  	_ =	shalt  }
0x7d: {  	_ =	shalt  }
0x7e: {  	_ =	shalt  }
0x7f: {  	_ =	shalt  }
0x80: {  	_ =	shalt  }
0x81: {  	_ =	shalt  }
0x82: {  	_ =	shalt  }
0x83: {  	_ =	shalt  }
0x84: {  	_ =	shalt  }
0x85: {  	_ =	shalt  }
0x86: {  	_ =	shalt  }
0x87: {  	_ =	shalt  }
.Lfunc_end0:
.L_simem_size_0:
called_computation_lowered:
.L_overlay_start_0:
0x88: {  	s2 =	sld [smem:$0x3FD9]  }
0x89: {  	s3 =	sld [smem:$0x3FFE];
	_ =	sdelay $0x1  }
0x8a: {  	s1 =	srdreg.scid  }
0x8b: {  	s0 =	sand.u32 $0x1, s1  }
0x8c: {  	s14 =	sshll.u32 s0, $0xA;
	s2 =	sadd.s32 s3, s2  }
0x8d: {  	s2 =	sadd.s32 s2, s14  }
0x8e: {  	[smem:$0x3FBE] =	sst s2  }
0x8f: {  	_ = 	snop  }
0x90: {  	s2 =	sld [smem:$0x3FD0];
	_ =	sdelay $0x2  }
0x91: {  	s15 =	simm.s32 $0xA;
	s4 =	simm.s32 $0x10  }
0x92: {  	[smem:s4], [sflag:s15] =	dma.local [hbm:s2], $0x1  }
0x93: {  	_ =	swait.eq [sflag:s15], $0x1  }
0x94: {  	[sflag:s15] =	ssyncset.done $0x0  }
0x95: {  	[sflag:s15] =	ssyncadd.s32 $0xFFFFFFFF  }
0x96: {  	s16 =	sld [smem:$0x10];
	(tm) =	ssettm $0x1  }
0x97: {  	s17 =	sld [smem:$0x3FFB];
	_ =	sdelay $0x3  }
0x98: {  	_ =	strace s17  }
0x99: {  	s3 =	sld [smem:$0x3FFC];
	_ =	sdelay $0x3  }
0x9a: {  	_ =	strace s3  }
0x9b: {  	s3 =	sld [smem:$0x3FFD];
	_ =	sdelay $0x3  }
0x9c: {  	_ =	strace s3  }
0x9d: {  	_ =	strace $0x8FFFFFFF  }
0x9e: {  	s18 =	sld [smem:$0x3FDB];
	_ =	sdelay $0x1  }
0x9f: {  	s19 =	simm.s32 $_scs_section_size  }
0xa0: {  	s5 =	simm.s32 $_size__tile_overlayer_lowered;
	s6 =	simm.s32 $_tile_overlayer_lowered  }
0xa1: {  	s22 =	simm.s32 $0x1BFF;
	s21 =	sshll.u32 s6, $0x1;
	s3 =	sadd.s32 s19, s18  }
0xa2: {  	s7 =	simm.s32 $0x0;
	s20 =	sshll.u32 s5, $0x1;
	s5 =	sadd.s32 s21, s3  }
0xa3: {  	[timem:s7], [sflag:s22] =	dma.local [hbm:s5], s20  }
0xa4: {  	_ =	swait.ge [sflag:s22], s20  }
0xa5: {  	s4 =	ssub.s32 $0x0, s20;
	[sflag:s22] =	ssyncset.done $0x0  }
0xa6: {  	[sflag:s22] =	ssyncadd.s32 s4;
	_ =	sdelay $0x1  }
0xa7: {  	s23 =	simm.s32 $0x1B8B  }
0xa8: {  	_ =	swait.ge [sflag:s23], $0x1  }
0xa9: {  	[sflag:s23] =	ssyncset.done $0x0  }
0xaa: {  	s25 =	simm.s32 $0x1B8E;
	s24 =	sld [smem:$0x3FFE];
	[sflag:s23] =	ssyncadd.s32 $0xFFFFFFFF  }
0xab: {  	s26 =	simm.s32 $execute0_lowered;
	[smem:$0x3FD2] =	sst s25  }
0xac: {  	s5 =	sshll.u32 s26, $0x1;
	_ =	strace $0x80000046;
	[dreg:$0x1] =	wrdreg $0xFFFFFFFF  }
0xad: {  	s28 =	simm.s32 $_size_execute0_lowered;
	s3 =	sadd.s32 s3, s5;
	[dreg:$0x0] =	wrdreg $0x0  }
0xae: {  	s5 =	sshll.u32 s28, $0x1;
	[dreg:$0x2] =	wrdreg s3  }
0xaf: {  	[dreg:$0x3] =	wrdreg s5  }
0xb0: {  	[dreg:$0x4] =	wrdreg $0xC0  }
0xb1: {  	_ =	task [dreg:s7], $0x5FFFF  }
0xb2: {  	[dreg:$0x1] =	wrdreg $0xFFFFFFFF  }
0xb3: {  	[dreg:$0x0] =	wrdreg $0x60  }
0xb4: {  	[dreg:$0x2] =	wrdreg s24  }
0xb5: {  	[dreg:$0x3] =	wrdreg s16  }
0xb6: {  	[dreg:$0x4] =	wrdreg $0x68000  }
0xb7: {  	[dreg:$0x5] =	wrdreg $0x9  }
0xb8: {  	_ =	task.clear_ibuf [dreg:s7], $0x6FFFF;
	_ =	strace $0x90000046  }
0xb9: {  	s29 =	simm.s32 $0x9;
	_ =	strace $0x80000048  }
0xba: {  	_ =	swait.ge [sflag:s29], $0x1  }
0xbb: {  	[sflag:s29] =	ssyncadd.s32 $0xFFFFFFFF  }
0xbc: {  	_ =	strace $0x90000048  }
0xbd: {  	_ =	sfence  }
0xbe: {  	s30 =	sld [smem:$0x0];
	_ =	sdelay $0x2  }
0xbf: {  	s31 =	sshll.u32 s1, $0xD;
	s1 =	sshrl.u32 s1, $0x2  }
0xc0: {  	s3 =	sand.u32 $0x4000, s31;
	s1 =	sadd.s32 s1, s30  }
0xc1: {  	s0 =	sor.u32 s3, s0;
	s1 =	sshll.u32 s1, $0x11  }
0xc2: {  	s0 =	sor.u32 s1, s0  }
0xc3: {  	s0 =	sadd.s32 $0x8F2B, s0  }
0xc4: {  	[sflag:s0] =	ssyncadd.remote.s32 $0x1  }
0xc5: {  	_ =	sfence.sel $0xFFFF  }
0xc6: {  	[dreg:$0x0] =	wrdreg $0xFFFFFFFF;
	(pc) =	sbr.abs _section_cstart, $3  }
0xc7: {  	[dreg:$0x1] =	wrdreg $0xFFFFFFFF  }
0xc8: {  	_ =	task.clear_ibuf [dreg:s7], $0x2FFFF;
	_ =	strace $0x9FFFFFFF  }
0xc9: {  	(tm) =	ssettm $0x7FFFFFFF  }
tec
execute0_lowered:
.L_overlay_start_1:
0x0: {  	(tag) =	ssettag $0x1  }
0x1: {  	s6 =	rddreg [dreg:$0x0]  }
0x2: {  	s2 =	rddreg [dreg:$0x1]  }
0x3: {  	s0 =	srdreg.scid;
	s3 =	rddreg [dreg:$0x2];
	s4 =	simm.s32 $0x0  }
0x4: {  	s13 =	simm.s32 $0x80;
	s5 =	sand.u32 $0x1, s0;
	s0 =	stileid.u32  }
0x5: {  	s14 =	simm.s32 $0x0;
	[smem:$0x7FF] =	sst s4;
	s8 =	smul.u32 $0x13C00, s0  }
0x6: {  	s1 =	sshll.u32 s5, $0x4;
	s9 =	smul.u32 $0x13C000, s5;
	s5 =	ssub.s32 $0x2, s5  }
0x7: {  	s29 =	smul.u32 $0x4F000, s0;
	s31 =	sshll.u32 s0, $0x6;
	s1 =	sor.u32 s0, s1  }
0x8: {  	s11 =	sshrl.u32 s5, $0x1;
	s7 =	smul.u32 $0x500, s1;
	s1 =	rddreg [dreg:$0x3]  }
0x9: {  	_ =	strace $0x80000047;
	s10 =	sshrl.u32 s8, $0x3;
	s8 =	sadd.s32 s8, s9  }
0xa: {  	s11 =	ssub.s32 s5, s11;
	s30 =	sshrl.u32 s29, $0x2;
	s10 =	sadd.s32 s10, s6  }
0xb: {  	s8 =	sshrl.u32 s8, $0x3;
	s12 =	sadd.s32 s30, s3;
	s9 =	smax.u32 s11, $0x1  }
0xc: {  	s11 =	simm.s32 $0x1;
	s7 =	sadd.s32 s7, s6;
	s8 =	sadd.s32 s8, s6  }
0xd: {  	s5 =	sadd.s32 $0x16E00, s10;
	s6 =	sor.u32 $0x1C01, s31;
	s10 =	sshrl.u32 s12, $0x3  }
0xe: {  	s12 =	simm.s32 $0x2800;
	s7 =	sadd.s32 $0x2E00, s7;
	s8 =	sadd.s32 $0x3E600, s8  }
.LBB2_1:
0xf: {  	[spmem:s10], [sflag:s6] =	dma.local [hbm:s5], $0x2780  }
0x10: {  	_ =	swait.ge [sflag:s11], $0x2780  }
0x11: {  	[sflag:s11] =	ssyncset.done $0x0  }
0x12: {  	[sflag:s11] =	ssyncadd.s32 $0xFFFFD880  }
0x13: {  	[tilespmem:s12], [sflag:$0x1] =	stream.linear.gather [hbm4b:s2+s4], $0x4000, $0x38;
	[tilespmem:$0x1A400] =	vst v63  }
0x14: {  	_ =	swait.ge [sflag:s11], $0x4000  }
0x15: {  	[sflag:s11] =	ssyncset.done $0x0  }
0x16: {  	[sflag:s11] =	ssyncadd.s32 $0xFFFFC000  }
0x17: {  	[tilespmem:s4], [sflag:$0x1] =	stream.linear.gather [hbm4b:s7+s4], $0x2800, $0x38;
	[tilespmem:$0x1A400] =	vst v63  }
0x18: {  	_ =	swait.ge [sflag:s11], $0x2800  }
0x19: {  	[sflag:s11] =	ssyncset.done $0x0  }
0x1a: {  	[sflag:s11] =	ssyncadd.s32 $0xFFFFD800  }
0x1b: {  	s15 =	simm.s32 $0x0;
	[bflag:$0x0] =	sbarrier.arrive $0xFFFF  }
0x1c: {  	[spmem:s3] =	stream.indirect.scatter.add.f32 [tilespmem:s12], [sflag:$0x1], $0x80, s15, s13, $0xb8;
	[tilespmem:$0x1A400] =	vst v63  }
0x1d: {  	_ =	swait.ge [sflag:s11], $0x4000  }
0x1e: {  	s15 =	simm.s32 $0x200;
	[sflag:s11] =	ssyncset.done $0x0  }
.LBB2_2:
0x1f: {  	s16 =	sshra.s32 s15, $0x2;
	[sflag:s11] =	ssyncadd.s32 $0xFFFFC000;
	p0 =	sne.s32 s15, $0x9E00  }
0x20: {  	[spmem:s3] =	stream.indirect.scatter.add.f32 [tilespmem:s12], [sflag:$0x1], $0x80, s16, s13, $0xb8;
	[tilespmem:$0x1A400] =	vst v63  }
.Ltmp0:
0x21: {  	_ = 	snop;
	(pc) =	sbr.rel @p0 .LBB2_2-.Ltmp0, $4  }
0x22: {  	_ = 	snop  }
0x23: {  	s15 =	sadd.s32 $0x200, s15  }
0x24: {  	_ =	swait.ge [sflag:s11], $0x4000  }
0x25: {  	[sflag:s11] =	ssyncset.done $0x0  }
0x26: {  	s14 =	sadd.s32 $0x1, s14  }
0x27: {  	[sflag:s11] =	ssyncadd.s32 $0xFFFFC000;
	p0 =	sne.s32 s14, s9  }
.Ltmp1:
0x28: {  	[bflag:$0x0] =	sbarrier.arrive $0xFFFF;
	(pc) =	sbr.rel @p0 .LBB2_1-.Ltmp1, $4  }
0x29: {  	[hbm:s8], [sflag:s6] =	dma.local [spmem:s10], $0x2780  }
0x2a: {  	_ =	swait.ge [sflag:s11], $0x2780  }
0x2b: {  	[sflag:s11] =	ssyncset.done $0x0  }
0x2c: {  	[sflag:s11] =	ssyncadd.s32 $0xFFFFD880  }
0x2d: {  	_ =	sfence.sel $0x180000  }
0x2e: {  	[bflag:$0x0] =	sbarrier.arrive $0xFFFF  }
0x2f: {  	p0 =	sne.s32 s0, $0x0;
	_ =	strace $0x90000047  }
0x30: {  	s0 =	sadd.s32 @!p0 $0x100000, s1;
	[bflag:$0x2] =	sbarrier.arrive $0xFFFF  }
0x31: {  	[sflag:s0] =	ssyncadd.tile.s32 @!p0 $0x1;
	_ =	shalt  }
.Lfunc_end2:
_tile_overlayer_lowered:
.L_overlay_start_2:
0x32: {  	(tag) =	ssettag $0x2  }
0x33: {  	s0 =	rddreg [dreg:$0x0];
	s2 =	stileid.u32  }
0x34: {  	s1 =	rddreg [dreg:$0x1];
	p0 =	sne.s32 s2, $0x0  }
0x35: {  	s3 =	rddreg [dreg:$0x2];
	[bflag:$0x3] =	sbarrier.arrive $0xFFFF;
	s2 =	simm.s32 @!p0 $0x1C01  }
0x36: {  	[timem:s3], [sflag:s2] =	dma.local @!p0 [hbm:s0], s1  }
0x37: {  	s0 =	simm.s32 @!p0 $0x1  }
0x38: {  	_ =	swait.ge @!p0 [sflag:s0], s1  }
0x39: {  	s1 =	ssub.s32 @!p0 $0x0, s1;
	[sflag:s0] =	ssyncset.done @!p0 $0x0  }
0x3a: {  	[sflag:s0] =	ssyncadd.s32 @!p0 s1  }
0x3b: {  	[bflag:$0x3] =	sbarrier.arrive $0xFFFF  }
0x3c: {  	_ =	shalt  }

</sc_bundles>
